<compile_context>
chip_gen: v7x
topology: tpu7x:2x2x1
jax: 0.10.2.dev20260603
libtpu: 0.0.44.dev20260713+nightly
codegen_flags: <defaults>
</compile_context>

<pallas_src>
import functools

import jax
import jax.numpy as jnp
from jax import lax
from jax.experimental import pallas as pl
from jax.experimental.pallas import tpu as pltpu
from jax.experimental.pallas import tpu_sc as plsc

_N = 10000
_E = 320000
_D = 128
_R = 2 * _E
_NC, _NS = 2, 16
_CPC = _D // _NC

_CHUNK = 256
_NCHUNK = _R // _CHUNK
_SUB = 128
_KSUB = _CHUNK // _SUB
_ZROWS = _N // _NS

_GCHUNK = 128
_NGCHUNK = _R // _GCHUNK

_BLK = 8000
_HP = jax.lax.Precision.HIGHEST


def _sc_segsum_body(x_hbm, ei_hbm, z64_hbm, z16_hbm, ones_hbm,
                    s1_hbm, p_hbm, deg_hbm,
                    s1_sh, p_sh, deg_sh,
                    rows0, rows1, nidx0, nidx1, pidx0, pidx1,
                    ubuf, vbuf, ones_v, sem0, sem1):
    cid = lax.axis_index("c")
    sid = lax.axis_index("s")

    rs = sid * _ZROWS
    pltpu.sync_copy(z64_hbm, s1_sh.at[pl.ds(rs, _ZROWS)])
    pltpu.sync_copy(z64_hbm, p_sh.at[pl.ds(rs, _ZROWS)])
    pltpu.sync_copy(z16_hbm, deg_sh.at[pl.ds(rs, _ZROWS)])
    pltpu.sync_copy(ones_hbm, ones_v)
    plsc.subcore_barrier()

    cstart = cid * _CPC
    iot = lax.iota(jnp.int32, 16)

    slots = ((rows0, nidx0, pidx0, sem0), (rows1, nidx1, pidx1, sem1))

    def issue(k, slot):
        rows, idn, idp, sem = slots[slot]
        chunk = k * _NS + sid
        pltpu.async_copy(
            x_hbm.at[pl.ds(chunk * _CHUNK, _CHUNK), pl.ds(cstart, _CPC)],
            rows, sem)
        e0 = chunk * (_CHUNK // 2)
        pltpu.sync_copy(ei_hbm.at[0, pl.ds(e0, _CHUNK // 2)], ubuf)
        pltpu.sync_copy(ei_hbm.at[1, pl.ds(e0, _CHUNK // 2)], vbuf)
        for j in range(_KSUB):
            rj = iot * 0 + j
            for w in range(4):
                uu = ubuf[pl.ds(64 * j + 16 * w, 16)]
                vv = vbuf[pl.ds(64 * j + 16 * w, 16)]
                col = 32 * w + 2 * iot
                plsc.store_scatter(idn, [rj, col], uu)
                plsc.store_scatter(idn, [rj, col + 1], vv)
                plsc.store_scatter(idp, [rj, col], vv)
                plsc.store_scatter(idp, [rj, col + 1], uu)

    def drain(slot):
        rows, _, _, sem = slots[slot]
        pltpu.make_async_copy(
            x_hbm.at[pl.ds(0, _CHUNK), pl.ds(0, _CPC)], rows, sem).wait()

    def process(slot):
        rows, idn, idp, _ = slots[slot]
        for j in range(_KSUB):
            vals = rows.at[pl.ds(j * _SUB, _SUB), :]
            pltpu.sync_copy(vals, s1_sh.at[idn.at[j]], add=True)
            pltpu.sync_copy(vals, p_sh.at[idp.at[j]], add=True)

            @pl.when(cid == 0)
            def _():
                pltpu.sync_copy(ones_v, deg_sh.at[idn.at[j]], add=True)

    issue(0, 0)
    npair = (_NCHUNK // _NS + 2) // 2

    def step(k2, _):
        for s in (0, 1):
            kcur = k2 * 2 + s

            @pl.when((kcur + 1) * _NS + sid < _NCHUNK)
            def _():
                issue(kcur + 1, 1 - s)

            @pl.when(kcur * _NS + sid < _NCHUNK)
            def _():
                drain(s)
                process(s)
        return ()

    lax.fori_loop(0, npair, step, ())
    plsc.subcore_barrier()

    pltpu.sync_copy(s1_sh.at[pl.ds(rs, _ZROWS)],
                    s1_hbm.at[pl.ds(rs, _ZROWS), pl.ds(cstart, _CPC)])
    pltpu.sync_copy(p_sh.at[pl.ds(rs, _ZROWS)],
                    p_hbm.at[pl.ds(rs, _ZROWS), pl.ds(cstart, _CPC)])

    @pl.when(cid == 0)
    def _():
        pltpu.sync_copy(deg_sh.at[pl.ds(rs, _ZROWS)],
                        deg_hbm.at[pl.ds(rs, _ZROWS)])


def _sc_segsum(x, edge_index):
    z64 = jnp.zeros((_ZROWS, _CPC), jnp.float32)
    z16 = jnp.zeros((_ZROWS, 16), jnp.float32)
    ones = jnp.ones((_SUB, 16), jnp.float32)
    f = pl.kernel(
        _sc_segsum_body,
        out_type=[
            jax.ShapeDtypeStruct((_N, _D), jnp.float32),
            jax.ShapeDtypeStruct((_N, _D), jnp.float32),
            jax.ShapeDtypeStruct((_N, 16), jnp.float32),
        ],
        mesh=plsc.VectorSubcoreMesh(core_axis_name="c", subcore_axis_name="s"),
        scratch_types=[
            pltpu.VMEM_SHARED((_N, _CPC), jnp.float32),
            pltpu.VMEM_SHARED((_N, _CPC), jnp.float32),
            pltpu.VMEM_SHARED((_N, 16), jnp.float32),
            pltpu.VMEM((_CHUNK, _CPC), jnp.float32),
            pltpu.VMEM((_CHUNK, _CPC), jnp.float32),
            pltpu.VMEM((_KSUB, _SUB), jnp.int32),
            pltpu.VMEM((_KSUB, _SUB), jnp.int32),
            pltpu.VMEM((_KSUB, _SUB), jnp.int32),
            pltpu.VMEM((_KSUB, _SUB), jnp.int32),
            pltpu.VMEM((_CHUNK // 2,), jnp.int32),
            pltpu.VMEM((_CHUNK // 2,), jnp.int32),
            pltpu.VMEM((_SUB, 16), jnp.float32),
            pltpu.SemaphoreType.DMA,
            pltpu.SemaphoreType.DMA,
        ],
        compiler_params=pltpu.CompilerParams(use_tc_tiling_on_sc=False, needs_layout_passes=False),
    )
    return f(x, edge_index, z64, z16, ones)


def _tables_body(s1_ref, p_ref, deg_ref, w1_ref, ts_ref, tc_ref, w1a_ref,
                 st_ref):
    i = pl.program_id(0)
    s1 = s1_ref[...]
    p = p_ref[...]
    deg = deg_ref[:, 0:1]
    w11 = w1_ref[_D:2 * _D]
    w12 = w1_ref[2 * _D:3 * _D]
    w13 = w1_ref[3 * _D:4 * _D]
    w14 = w1_ref[4 * _D:5 * _D]
    w1a = w1_ref[0:_D] + w11
    ts = jnp.dot(s1, w11 + w12, precision=_HP,
                 preferred_element_type=jnp.float32)
    tc = (jnp.dot(deg * s1, w11 + w12 + w13 + w14, precision=_HP,
                  preferred_element_type=jnp.float32)
          + jnp.dot(p, w11 + w13, precision=_HP,
                    preferred_element_type=jnp.float32))
    ts_ref[...] = ts.astype(jnp.bfloat16)
    tc_ref[...] = tc.astype(jnp.bfloat16)
    w1a_ref[...] = w1a

    u = jnp.dot(s1, w1a, precision=_HP, preferred_element_type=jnp.float32)

    @pl.when(i == 0)
    def _():
        st_ref[...] = jnp.zeros_like(st_ref)

    st_ref[0:1, :] += jnp.sum(u + deg * (ts + tc), axis=0, keepdims=True)
    st_ref[1:2, :] += jnp.sum(deg * (ts * ts + tc * tc), axis=0,
                              keepdims=True)


def _tables(s1, p, deg16, w1):
    nb = 5
    blk = _N // nb
    return pl.pallas_call(
        _tables_body,
        grid=(nb,),
        in_specs=[
            pl.BlockSpec((blk, _D), lambda i: (i, 0)),
            pl.BlockSpec((blk, _D), lambda i: (i, 0)),
            pl.BlockSpec((blk, 16), lambda i: (i, 0)),
            pl.BlockSpec((5 * _D, 2 * _D), lambda i: (0, 0)),
        ],
        out_specs=[
            pl.BlockSpec((blk, 2 * _D), lambda i: (i, 0)),
            pl.BlockSpec((blk, 2 * _D), lambda i: (i, 0)),
            pl.BlockSpec((_D, 2 * _D), lambda i: (0, 0)),
            pl.BlockSpec((2, 2 * _D), lambda i: (0, 0)),
        ],
        out_shape=[
            jax.ShapeDtypeStruct((_N, 2 * _D), jnp.bfloat16),
            jax.ShapeDtypeStruct((_N, 2 * _D), jnp.bfloat16),
            jax.ShapeDtypeStruct((_D, 2 * _D), jnp.float32),
            jax.ShapeDtypeStruct((2, 2 * _D), jnp.float32),
        ],
        compiler_params=pltpu.CompilerParams(
            dimension_semantics=("arbitrary",)),
    )(s1, p, deg16, w1)


def _sc_gather_body(ts_hbm, tc_hbm, ei_hbm, g_hbm,
                    bufa0, bufb0, bufa1, bufb1,
                    nidx0, midx0, nidx1, midx1, ubuf, vbuf, sem0, sem1):
    cid = lax.axis_index("c")
    sid = lax.axis_index("s")
    wid = sid * _NC + cid
    nw = _NC * _NS
    iot = lax.iota(jnp.int32, 16)

    slots = ((bufa0, bufb0, nidx0, midx0, sem0),
             (bufa1, bufb1, nidx1, midx1, sem1))

    def issue(k, slot):
        a, b, idn, idm, sem = slots[slot]
        chunk = k * nw + wid
        e0 = chunk * (_GCHUNK // 2)
        pltpu.sync_copy(ei_hbm.at[0, pl.ds(e0, _GCHUNK // 2)], ubuf)
        pltpu.sync_copy(ei_hbm.at[1, pl.ds(e0, _GCHUNK // 2)], vbuf)
        for w in range(4):
            uu = ubuf[pl.ds(16 * w, 16)]
            vv = vbuf[pl.ds(16 * w, 16)]
            col = 32 * w + 2 * iot
            plsc.store_scatter(idn, [col], uu)
            plsc.store_scatter(idn, [col + 1], vv)
            plsc.store_scatter(idm, [col], vv)
            plsc.store_scatter(idm, [col + 1], uu)
        pltpu.async_copy(ts_hbm.at[idm], a, sem)
        pltpu.async_copy(tc_hbm.at[idn], b, sem)

    def drain(slot):
        a, b, _, _, sem = slots[slot]
        dummy = ts_hbm.at[pl.ds(0, _GCHUNK), :]
        pltpu.make_async_copy(dummy, a, sem).wait()
        pltpu.make_async_copy(dummy, b, sem).wait()

    def process(k, slot):
        a, b, _, _, _ = slots[slot]

        def add_row(r, _):
            for cc in range(2 * _D // 32):
                sl = pl.ds(cc * 32, 32)
                a[r, sl] = a[r, sl] + b[r, sl]
            return ()

        lax.fori_loop(0, _GCHUNK, add_row, ())
        chunk = k * nw + wid
        pltpu.sync_copy(a, g_hbm.at[pl.ds(chunk * _GCHUNK, _GCHUNK), :])

    issue(0, 0)
    npair = (_NGCHUNK // nw + 2) // 2

    def step(k2, _):
        for s in (0, 1):
            kcur = k2 * 2 + s

            @pl.when((kcur + 1) * nw + wid < _NGCHUNK)
            def _():
                issue(kcur + 1, 1 - s)

            @pl.when(kcur * nw + wid < _NGCHUNK)
            def _():
                drain(s)
                process(kcur, s)
        return ()

    lax.fori_loop(0, npair, step, ())


def _sc_gather(ts, tc, edge_index):
    f = pl.kernel(
        _sc_gather_body,
        out_type=jax.ShapeDtypeStruct((_R, 2 * _D), jnp.bfloat16),
        mesh=plsc.VectorSubcoreMesh(core_axis_name="c", subcore_axis_name="s"),
        scratch_types=[
            pltpu.VMEM((_GCHUNK, 2 * _D), jnp.bfloat16),
            pltpu.VMEM((_GCHUNK, 2 * _D), jnp.bfloat16),
            pltpu.VMEM((_GCHUNK, 2 * _D), jnp.bfloat16),
            pltpu.VMEM((_GCHUNK, 2 * _D), jnp.bfloat16),
            pltpu.VMEM((_GCHUNK,), jnp.int32),
            pltpu.VMEM((_GCHUNK,), jnp.int32),
            pltpu.VMEM((_GCHUNK,), jnp.int32),
            pltpu.VMEM((_GCHUNK,), jnp.int32),
            pltpu.VMEM((_GCHUNK // 2,), jnp.int32),
            pltpu.VMEM((_GCHUNK // 2,), jnp.int32),
            pltpu.SemaphoreType.DMA,
            pltpu.SemaphoreType.DMA,
        ],
        compiler_params=pltpu.CompilerParams(use_tc_tiling_on_sc=False, needs_layout_passes=False),
    )
    return f(ts, tc, edge_index)


def _l2_body(x_ref, g_ref, w1a_ref, sc_ref, sh_ref, w2_ref,
             t2_ref, stat_ref):
    i = pl.program_id(0)
    t = jnp.dot(x_ref[...], w1a_ref[...],
                preferred_element_type=jnp.float32
                ) + g_ref[...].astype(jnp.float32)
    h2 = jnp.maximum(t * sc_ref[...] + sh_ref[...], 0.0)
    t2 = jnp.dot(h2, w2_ref[...],
                 preferred_element_type=jnp.float32)
    t2_ref[...] = t2.astype(jnp.bfloat16)

    @pl.when(i == 0)
    def _():
        stat_ref[...] = jnp.zeros_like(stat_ref)

    stat_ref[0:1, :] += jnp.sum(t2, axis=0, keepdims=True)
    stat_ref[1:2, :] += jnp.sum(t2 * t2, axis=0, keepdims=True)


def _l2_pass(x, g, w1a, scale1, shift1, w2):
    nblk = _R // _BLK
    return pl.pallas_call(
        _l2_body,
        grid=(nblk,),
        in_specs=[
            pl.BlockSpec((_BLK, _D), lambda i: (i, 0)),
            pl.BlockSpec((_BLK, 2 * _D), lambda i: (i, 0)),
            pl.BlockSpec((_D, 2 * _D), lambda i: (0, 0)),
            pl.BlockSpec((1, 2 * _D), lambda i: (0, 0)),
            pl.BlockSpec((1, 2 * _D), lambda i: (0, 0)),
            pl.BlockSpec((2 * _D, _D), lambda i: (0, 0)),
        ],
        out_specs=[
            pl.BlockSpec((_BLK, _D), lambda i: (i, 0)),
            pl.BlockSpec((2, _D), lambda i: (0, 0)),
        ],
        out_shape=[
            jax.ShapeDtypeStruct((_R, _D), jnp.bfloat16),
            jax.ShapeDtypeStruct((2, _D), jnp.float32),
        ],
        compiler_params=pltpu.CompilerParams(
            dimension_semantics=("arbitrary",)),
    )(x, g, w1a, scale1, shift1, w2)


def _out_body(t2_ref, sc_ref, sh_ref, o_ref):
    o_ref[...] = jnp.maximum(
        t2_ref[...].astype(jnp.float32) * sc_ref[...] + sh_ref[...], 0.0)


def _out_pass(t2, scale2, shift2):
    nblk = _R // _BLK
    return pl.pallas_call(
        _out_body,
        grid=(nblk,),
        in_specs=[
            pl.BlockSpec((_BLK, _D), lambda i: (i, 0)),
            pl.BlockSpec((1, _D), lambda i: (0, 0)),
            pl.BlockSpec((1, _D), lambda i: (0, 0)),
        ],
        out_specs=pl.BlockSpec((_BLK, _D), lambda i: (i, 0)),
        out_shape=jax.ShapeDtypeStruct((_R, _D), jnp.float32),
        compiler_params=pltpu.CompilerParams(
            dimension_semantics=("arbitrary",)),
    )(t2, scale2, shift2)


def _bn_affine(stats, gamma, beta):
    mu = stats[0] / _R
    var = stats[1] / _R - mu * mu
    scale = gamma / jnp.sqrt(var + 1e-5)
    shift = beta - mu * scale
    return scale.reshape(1, -1), shift.reshape(1, -1)


def kernel(edge_rep, edge_index, W1, gamma1, beta1, W2, gamma2, beta2):
    s1, p, deg16 = _sc_segsum(edge_rep, edge_index)
    ts, tc, w1a, stats1 = _tables(s1, p, deg16, W1)
    g = _sc_gather(ts, tc, edge_index)
    scale1, shift1 = _bn_affine(stats1, gamma1, beta1)
    t2, stats2 = _l2_pass(edge_rep, g, w1a, scale1, shift1, W2)
    scale2, shift2 = _bn_affine(stats2, gamma2, beta2)
    return _out_pass(t2, scale2, shift2)

# --- scband reference (transcript-rebuilt; emitter-appended) ---
"""Pipeline reference for scband-edge-edge-50869592655542 (READ-ONLY COPY).

The authoritative reference and input builder live on the scoring server;
editing this copy changes nothing except your own understanding.
"""

import jax, jax.numpy as jnp
import numpy as np

N = 10000   # n_nodes
E = 320000  # n_edges
D = 128     # hidden_dim


def setup_inputs(seed: int = 0) -> dict:
    key = jax.random.key(seed)
    k1, k2, k3, k4 = jax.random.split(key, 4)
    # ptensors1 over edges: 2 rows (one per endpoint node) per edge
    edge_rep = jax.random.normal(k1, (2 * E, D), dtype=jnp.float32)
    edge_index = jax.random.randint(k2, (2, E), 0, N, dtype=jnp.int32)
    # MLP params: Linear(5D -> 2D, no bias), BN(2D), ReLU, Linear(2D -> D, no bias), BN(D), ReLU
    W1 = jax.random.normal(k3, (5 * D, 2 * D), dtype=jnp.float32) * 0.02
    gamma1 = jnp.ones((2 * D,), dtype=jnp.float32)
    beta1 = jnp.zeros((2 * D,), dtype=jnp.float32)
    W2 = jax.random.normal(k4, (2 * D, D), dtype=jnp.float32) * 0.05
    gamma2 = jnp.ones((D,), dtype=jnp.float32)
    beta2 = jnp.zeros((D,), dtype=jnp.float32)
    return {"edge_rep": edge_rep, "edge_index": edge_index, "W1": W1,
            "gamma1": gamma1, "beta1": beta1, "W2": W2, "gamma2": gamma2, "beta2": beta2}


def _gather_edge_edge(x, node_ids):
    """ptens gather_from_ptensors (edge->edge, order1->order1), doubles channels.
    x: [2E, c], row 2i/2i+1 are the features of edge i at its two endpoint nodes.
    For target edge j=(u,v), atom u:
      broadcast part = S[u] + x_j[v]   (S[n] = sum over edges containing n of their row at n)
      identity  part = S[u]
    """
    c = x.shape[-1]
    S = jax.ops.segment_sum(x, node_ids, num_segments=N)  # [N, c]
    S_rows = jnp.take(S, node_ids, axis=0)                # [2E, c]
    partner = x.reshape(E, 2, c)[:, ::-1, :].reshape(2 * E, c)
    return jnp.concatenate([S_rows + partner, S_rows], axis=-1)


def _bn(h, gamma, beta):
    mu = jnp.mean(h, axis=0)
    var = jnp.var(h, axis=0)
    return gamma * (h - mu) / jnp.sqrt(var + 1e-5) + beta


def reference(edge_rep, edge_index, W1, gamma1, beta1, W2, gamma2, beta2):
    node_ids = edge_index.T.reshape(-1)  # [2E] node id of each row
    # two successive edge->edge gathers: D -> 2D -> 4D channels
    y = _gather_edge_edge(edge_rep, node_ids)
    z = _gather_edge_edge(y, node_ids)
    h = jnp.concatenate([edge_rep, z], axis=-1)  # [2E, 5D]
    h = jax.nn.relu(_bn(h @ W1, gamma1, beta1))
    h = jax.nn.relu(_bn(h @ W2, gamma2, beta2))
    return h

if __name__ == "__main__":
    import jax
    _d = setup_inputs()
    print(jax.jit(kernel)(*tuple(_d.values())))

</pallas_src>

<mosaic_0001>
#map = affine_map<(d0, d1) -> (0, 0)>
module attributes {stable_mosaic.version = 14 : i64} {
  func.func @_sc_segsum_body(%arg0: i32, %arg1: i32, %arg2: memref<640000x128xf32, #tpu.memory_space<hbm>>, %arg3: memref<2x320000xi32, #tpu.memory_space<hbm>>, %arg4: memref<625x64xf32, #tpu.memory_space<hbm>>, %arg5: memref<625x16xf32, #tpu.memory_space<hbm>>, %arg6: memref<128x16xf32, #tpu.memory_space<hbm>>, %arg7: memref<10000x128xf32, #tpu.memory_space<hbm>>, %arg8: memref<10000x128xf32, #tpu.memory_space<hbm>>, %arg9: memref<10000x16xf32, #tpu.memory_space<hbm>>, %arg10: memref<10000x64xf32, #tpu.memory_space<vmem_shared>>, %arg11: memref<10000x64xf32, #tpu.memory_space<vmem_shared>>, %arg12: memref<10000x16xf32, #tpu.memory_space<vmem_shared>>, %arg13: memref<256x64xf32, #tpu.memory_space<vmem>>, %arg14: memref<256x64xf32, #tpu.memory_space<vmem>>, %arg15: memref<2x128xi32, #tpu.memory_space<vmem>>, %arg16: memref<2x128xi32, #tpu.memory_space<vmem>>, %arg17: memref<2x128xi32, #tpu.memory_space<vmem>>, %arg18: memref<2x128xi32, #tpu.memory_space<vmem>>, %arg19: memref<128xi32, #tpu.memory_space<vmem>>, %arg20: memref<128xi32, #tpu.memory_space<vmem>>, %arg21: memref<128x16xf32, #tpu.memory_space<vmem>>, %arg22: memref<!tpu.dma_semaphore, #tpu.memory_space<semaphore_mem>>, %arg23: memref<!tpu.dma_semaphore, #tpu.memory_space<semaphore_mem>>) attributes {dimension_semantics = [#tpu.dimension_semantics<core_parallel>, #tpu.dimension_semantics<subcore_parallel>], iteration_bounds = array<i64: 2, 16>, scalar_prefetch = 0 : i64, scratch_operands = 14 : i64, tpu.core_type = #tpu.core_type<sc_vector_subcore>, window_params = [{transform_indices = #map}, {transform_indices = #map}, {transform_indices = #map}, {transform_indices = #map}, {transform_indices = #map}, {transform_indices = #map}, {transform_indices = #map}, {transform_indices = #map}]} {
    %mul3A = arith.constant 625 : i32
    %mul3A_0 = arith.muli %arg1, %mul3A : i32
    "tpu.region"() ({
      %run_scoped3A_156 = tpu.sem_alloc : memref<!tpu.dma_semaphore, #tpu.memory_space<semaphore_mem>>
      %dma_start3A_157 = arith.constant 0 : i32
      %dma_start3A_158 = tpu.memref_slice %arg10[%mul3A_0, %dma_start3A_157] : memref<10000x64xf32, #tpu.memory_space<vmem_shared>> -> memref<625x64xf32, #tpu.memory_space<vmem_shared>>
      tpu.enqueue_dma source(%arg4 : memref<625x64xf32, #tpu.memory_space<hbm>>) target(%dma_start3A_158 : memref<625x64xf32, #tpu.memory_space<vmem_shared>>) target_semaphore(%run_scoped3A_156 : memref<!tpu.dma_semaphore, #tpu.memory_space<semaphore_mem>>)
      %dma_wait3A = arith.constant 0 : i32
      %dma_wait3A_159 = tpu.memref_slice %arg10[%mul3A_0, %dma_wait3A] : memref<10000x64xf32, #tpu.memory_space<vmem_shared>> -> memref<625x64xf32, #tpu.memory_space<vmem_shared>>
      tpu.wait_dma2 semaphore(%run_scoped3A_156 : memref<!tpu.dma_semaphore, #tpu.memory_space<semaphore_mem>>) src(%arg4 : memref<625x64xf32, #tpu.memory_space<hbm>>) dst(%dma_wait3A_159 : memref<625x64xf32, #tpu.memory_space<vmem_shared>>)
      tpu.yield
    }) : () -> ()
    "tpu.region"() ({
      %run_scoped3A_156 = tpu.sem_alloc : memref<!tpu.dma_semaphore, #tpu.memory_space<semaphore_mem>>
      %dma_start3A_157 = arith.constant 0 : i32
      %dma_start3A_158 = tpu.memref_slice %arg11[%mul3A_0, %dma_start3A_157] : memref<10000x64xf32, #tpu.memory_space<vmem_shared>> -> memref<625x64xf32, #tpu.memory_space<vmem_shared>>
      tpu.enqueue_dma source(%arg4 : memref<625x64xf32, #tpu.memory_space<hbm>>) target(%dma_start3A_158 : memref<625x64xf32, #tpu.memory_space<vmem_shared>>) target_semaphore(%run_scoped3A_156 : memref<!tpu.dma_semaphore, #tpu.memory_space<semaphore_mem>>)
      %dma_wait3A = arith.constant 0 : i32
      %dma_wait3A_159 = tpu.memref_slice %arg11[%mul3A_0, %dma_wait3A] : memref<10000x64xf32, #tpu.memory_space<vmem_shared>> -> memref<625x64xf32, #tpu.memory_space<vmem_shared>>
      tpu.wait_dma2 semaphore(%run_scoped3A_156 : memref<!tpu.dma_semaphore, #tpu.memory_space<semaphore_mem>>) src(%arg4 : memref<625x64xf32, #tpu.memory_space<hbm>>) dst(%dma_wait3A_159 : memref<625x64xf32, #tpu.memory_space<vmem_shared>>)
      tpu.yield
    }) : () -> ()
    "tpu.region"() ({
      %run_scoped3A_156 = tpu.sem_alloc : memref<!tpu.dma_semaphore, #tpu.memory_space<semaphore_mem>>
      %dma_start3A_157 = arith.constant 0 : i32
      %dma_start3A_158 = tpu.memref_slice %arg12[%mul3A_0, %dma_start3A_157] : memref<10000x16xf32, #tpu.memory_space<vmem_shared>> -> memref<625x16xf32, #tpu.memory_space<vmem_shared>>
      tpu.enqueue_dma source(%arg5 : memref<625x16xf32, #tpu.memory_space<hbm>>) target(%dma_start3A_158 : memref<625x16xf32, #tpu.memory_space<vmem_shared>>) target_semaphore(%run_scoped3A_156 : memref<!tpu.dma_semaphore, #tpu.memory_space<semaphore_mem>>)
      %dma_wait3A = arith.constant 0 : i32
      %dma_wait3A_159 = tpu.memref_slice %arg12[%mul3A_0, %dma_wait3A] : memref<10000x16xf32, #tpu.memory_space<vmem_shared>> -> memref<625x16xf32, #tpu.memory_space<vmem_shared>>
      tpu.wait_dma2 semaphore(%run_scoped3A_156 : memref<!tpu.dma_semaphore, #tpu.memory_space<semaphore_mem>>) src(%arg5 : memref<625x16xf32, #tpu.memory_space<hbm>>) dst(%dma_wait3A_159 : memref<625x16xf32, #tpu.memory_space<vmem_shared>>)
      tpu.yield
    }) : () -> ()
    "tpu.region"() ({
      %run_scoped3A_156 = tpu.sem_alloc : memref<!tpu.dma_semaphore, #tpu.memory_space<semaphore_mem>>
      tpu.enqueue_dma source(%arg6 : memref<128x16xf32, #tpu.memory_space<hbm>>) target(%arg21 : memref<128x16xf32, #tpu.memory_space<vmem>>) target_semaphore(%run_scoped3A_156 : memref<!tpu.dma_semaphore, #tpu.memory_space<semaphore_mem>>)
      tpu.wait_dma2 semaphore(%run_scoped3A_156 : memref<!tpu.dma_semaphore, #tpu.memory_space<semaphore_mem>>) src(%arg6 : memref<128x16xf32, #tpu.memory_space<hbm>>) dst(%arg21 : memref<128x16xf32, #tpu.memory_space<vmem>>)
      tpu.yield
    }) : () -> ()
    %barrier3A = arith.constant 0 : index
    tpu.barrier barrier_id(%barrier3A)
    %mul3A_1 = arith.constant 64 : i32
    %mul3A_2 = arith.muli %arg0, %mul3A_1 : i32
    %iota3A = tpu.iota {dimensions = array<i32: 0>} : vector<16xi32>
    %add3A = arith.constant 0 : i32
    %add3A_3 = arith.addi %add3A, %arg1 : i32
    %mul3A_4 = arith.constant 256 : i32
    %mul3A_5 = arith.muli %add3A_3, %mul3A_4 : i32
    %dma_start3A = tpu.memref_slice %arg2[%mul3A_5, %mul3A_2] : memref<640000x128xf32, #tpu.memory_space<hbm>> -> memref<256x64xf32, #tpu.memory_space<hbm>>
    %dma_start3A_6 = tpu.memref_slice %arg2[%mul3A_5, %mul3A_2] : memref<640000x128xf32, #tpu.memory_space<hbm>> -> memref<256x64xf32, #tpu.memory_space<hbm>>
    tpu.enqueue_dma source(%dma_start3A_6 : memref<256x64xf32, #tpu.memory_space<hbm>>) target(%arg13 : memref<256x64xf32, #tpu.memory_space<vmem>>) target_semaphore(%arg22 : memref<!tpu.dma_semaphore, #tpu.memory_space<semaphore_mem>>)
    %mul3A_7 = arith.constant 128 : i32
    %mul3A_8 = arith.muli %add3A_3, %mul3A_7 : i32
    %run_scoped3A = arith.constant 0 : i32
    "tpu.region"() ({
      %run_scoped3A_156 = tpu.sem_alloc : memref<!tpu.dma_semaphore, #tpu.memory_space<semaphore_mem>>
      %dma_start3A_157 = tpu.memref_slice %arg3[%run_scoped3A, %mul3A_8] : memref<2x320000xi32, #tpu.memory_space<hbm>> -> memref<1x128xi32, #tpu.memory_space<hbm>>
      %dma_start3A_158 = tpu.memref_squeeze %dma_start3A_157 : memref<1x128xi32, #tpu.memory_space<hbm>> -> memref<128xi32, #tpu.memory_space<hbm>>
      %dma_start3A_159 = tpu.memref_slice %arg3[%run_scoped3A, %mul3A_8] : memref<2x320000xi32, #tpu.memory_space<hbm>> -> memref<1x128xi32, #tpu.memory_space<hbm>>
      %dma_start3A_160 = tpu.memref_squeeze %dma_start3A_159 : memref<1x128xi32, #tpu.memory_space<hbm>> -> memref<128xi32, #tpu.memory_space<hbm>>
      tpu.enqueue_dma source(%dma_start3A_160 : memref<128xi32, #tpu.memory_space<hbm>>) target(%arg19 : memref<128xi32, #tpu.memory_space<vmem>>) target_semaphore(%run_scoped3A_156 : memref<!tpu.dma_semaphore, #tpu.memory_space<semaphore_mem>>)
      %dma_wait3A = tpu.memref_slice %arg3[%run_scoped3A, %mul3A_8] : memref<2x320000xi32, #tpu.memory_space<hbm>> -> memref<1x128xi32, #tpu.memory_space<hbm>>
      %dma_wait3A_161 = tpu.memref_squeeze %dma_wait3A : memref<1x128xi32, #tpu.memory_space<hbm>> -> memref<128xi32, #tpu.memory_space<hbm>>
      %dma_wait3A_162 = tpu.memref_slice %arg3[%run_scoped3A, %mul3A_8] : memref<2x320000xi32, #tpu.memory_space<hbm>> -> memref<1x128xi32, #tpu.memory_space<hbm>>
      %dma_wait3A_163 = tpu.memref_squeeze %dma_wait3A_162 : memref<1x128xi32, #tpu.memory_space<hbm>> -> memref<128xi32, #tpu.memory_space<hbm>>
      tpu.wait_dma2 semaphore(%run_scoped3A_156 : memref<!tpu.dma_semaphore, #tpu.memory_space<semaphore_mem>>) src(%dma_wait3A_163 : memref<128xi32, #tpu.memory_space<hbm>>) dst(%arg19 : memref<128xi32, #tpu.memory_space<vmem>>)
      tpu.yield
    }) : () -> ()
    %run_scoped3A_9 = arith.constant 1 : i32
    "tpu.region"() ({
      %run_scoped3A_156 = tpu.sem_alloc : memref<!tpu.dma_semaphore, #tpu.memory_space<semaphore_mem>>
      %dma_start3A_157 = tpu.memref_slice %arg3[%run_scoped3A_9, %mul3A_8] : memref<2x320000xi32, #tpu.memory_space<hbm>> -> memref<1x128xi32, #tpu.memory_space<hbm>>
      %dma_start3A_158 = tpu.memref_squeeze %dma_start3A_157 : memref<1x128xi32, #tpu.memory_space<hbm>> -> memref<128xi32, #tpu.memory_space<hbm>>
      %dma_start3A_159 = tpu.memref_slice %arg3[%run_scoped3A_9, %mul3A_8] : memref<2x320000xi32, #tpu.memory_space<hbm>> -> memref<1x128xi32, #tpu.memory_space<hbm>>
      %dma_start3A_160 = tpu.memref_squeeze %dma_start3A_159 : memref<1x128xi32, #tpu.memory_space<hbm>> -> memref<128xi32, #tpu.memory_space<hbm>>
      tpu.enqueue_dma source(%dma_start3A_160 : memref<128xi32, #tpu.memory_space<hbm>>) target(%arg20 : memref<128xi32, #tpu.memory_space<vmem>>) target_semaphore(%run_scoped3A_156 : memref<!tpu.dma_semaphore, #tpu.memory_space<semaphore_mem>>)
      %dma_wait3A = tpu.memref_slice %arg3[%run_scoped3A_9, %mul3A_8] : memref<2x320000xi32, #tpu.memory_space<hbm>> -> memref<1x128xi32, #tpu.memory_space<hbm>>
      %dma_wait3A_161 = tpu.memref_squeeze %dma_wait3A : memref<1x128xi32, #tpu.memory_space<hbm>> -> memref<128xi32, #tpu.memory_space<hbm>>
      %dma_wait3A_162 = tpu.memref_slice %arg3[%run_scoped3A_9, %mul3A_8] : memref<2x320000xi32, #tpu.memory_space<hbm>> -> memref<1x128xi32, #tpu.memory_space<hbm>>
      %dma_wait3A_163 = tpu.memref_squeeze %dma_wait3A_162 : memref<1x128xi32, #tpu.memory_space<hbm>> -> memref<128xi32, #tpu.memory_space<hbm>>
      tpu.wait_dma2 semaphore(%run_scoped3A_156 : memref<!tpu.dma_semaphore, #tpu.memory_space<semaphore_mem>>) src(%dma_wait3A_163 : memref<128xi32, #tpu.memory_space<hbm>>) dst(%arg20 : memref<128xi32, #tpu.memory_space<vmem>>)
      tpu.yield
    }) : () -> ()
    %mul3A_10 = arith.constant 0 : i32
    %mul3A_11 = vector.broadcast %mul3A_10 : i32 to vector<16xi32>
    %mul3A_12 = arith.muli %iota3A, %mul3A_11 : vector<16xi32>
    %add3A_13 = arith.constant 0 : i32
    %add3A_14 = vector.broadcast %add3A_13 : i32 to vector<16xi32>
    %add3A_15 = arith.addi %mul3A_12, %add3A_14 : vector<16xi32>
    %get3A = arith.constant 0 : index
    %get3A_16 = tpu.vector_load %arg19[%get3A] {strides = array<i32>} : memref<128xi32, #tpu.memory_space<vmem>>, vector<16xi32>,
    %get3A_17 = arith.constant 0 : index
    %get3A_18 = tpu.vector_load %arg20[%get3A_17] {strides = array<i32>} : memref<128xi32, #tpu.memory_space<vmem>>, vector<16xi32>,
    %mul3A_19 = arith.constant 2 : i32
    %mul3A_20 = vector.broadcast %mul3A_19 : i32 to vector<16xi32>
    %mul3A_21 = arith.muli %mul3A_20, %iota3A : vector<16xi32>
    %add3A_22 = arith.constant 0 : i32
    %add3A_23 = vector.broadcast %add3A_22 : i32 to vector<16xi32>
    %add3A_24 = arith.addi %add3A_23, %mul3A_21 : vector<16xi32>
    tpu.vector_store_idx %arg15[%add3A_15, %add3A_24], %get3A_16 : memref<2x128xi32, #tpu.memory_space<vmem>>[vector<16xi32>, vector<16xi32>], vector<16xi32>,
    %add3A_25 = arith.constant 1 : i32
    %add3A_26 = vector.broadcast %add3A_25 : i32 to vector<16xi32>
    %add3A_27 = arith.addi %add3A_24, %add3A_26 : vector<16xi32>
    tpu.vector_store_idx %arg15[%add3A_15, %add3A_27], %get3A_18 : memref<2x128xi32, #tpu.memory_space<vmem>>[vector<16xi32>, vector<16xi32>], vector<16xi32>,
    tpu.vector_store_idx %arg17[%add3A_15, %add3A_24], %get3A_18 : memref<2x128xi32, #tpu.memory_space<vmem>>[vector<16xi32>, vector<16xi32>], vector<16xi32>,
    %add3A_28 = arith.constant 1 : i32
    %add3A_29 = vector.broadcast %add3A_28 : i32 to vector<16xi32>
    %add3A_30 = arith.addi %add3A_24, %add3A_29 : vector<16xi32>
    tpu.vector_store_idx %arg17[%add3A_15, %add3A_30], %get3A_16 : memref<2x128xi32, #tpu.memory_space<vmem>>[vector<16xi32>, vector<16xi32>], vector<16xi32>,
    %get3A_31 = arith.constant 16 : index
    %get3A_32 = tpu.vector_load %arg19[%get3A_31] {strides = array<i32>} : memref<128xi32, #tpu.memory_space<vmem>>, vector<16xi32>,
    %get3A_33 = arith.constant 16 : index
    %get3A_34 = tpu.vector_load %arg20[%get3A_33] {strides = array<i32>} : memref<128xi32, #tpu.memory_space<vmem>>, vector<16xi32>,
    %mul3A_35 = arith.constant 2 : i32
    %mul3A_36 = vector.broadcast %mul3A_35 : i32 to vector<16xi32>
    %mul3A_37 = arith.muli %mul3A_36, %iota3A : vector<16xi32>
    %add3A_38 = arith.constant 32 : i32
    %add3A_39 = vector.broadcast %add3A_38 : i32 to vector<16xi32>
    %add3A_40 = arith.addi %add3A_39, %mul3A_37 : vector<16xi32>
    tpu.vector_store_idx %arg15[%add3A_15, %add3A_40], %get3A_32 : memref<2x128xi32, #tpu.memory_space<vmem>>[vector<16xi32>, vector<16xi32>], vector<16xi32>,
    %add3A_41 = arith.constant 1 : i32
    %add3A_42 = vector.broadcast %add3A_41 : i32 to vector<16xi32>
    %add3A_43 = arith.addi %add3A_40, %add3A_42 : vector<16xi32>
    tpu.vector_store_idx %arg15[%add3A_15, %add3A_43], %get3A_34 : memref<2x128xi32, #tpu.memory_space<vmem>>[vector<16xi32>, vector<16xi32>], vector<16xi32>,
    tpu.vector_store_idx %arg17[%add3A_15, %add3A_40], %get3A_34 : memref<2x128xi32, #tpu.memory_space<vmem>>[vector<16xi32>, vector<16xi32>], vector<16xi32>,
    %add3A_44 = arith.constant 1 : i32
    %add3A_45 = vector.broadcast %add3A_44 : i32 to vector<16xi32>
    %add3A_46 = arith.addi %add3A_40, %add3A_45 : vector<16xi32>
    tpu.vector_store_idx %arg17[%add3A_15, %add3A_46], %get3A_32 : memref<2x128xi32, #tpu.memory_space<vmem>>[vector<16xi32>, vector<16xi32>], vector<16xi32>,
    %get3A_47 = arith.constant 32 : index
    %get3A_48 = tpu.vector_load %arg19[%get3A_47] {strides = array<i32>} : memref<128xi32, #tpu.memory_space<vmem>>, vector<16xi32>,
    %get3A_49 = arith.constant 32 : index
    %get3A_50 = tpu.vector_load %arg20[%get3A_49] {strides = array<i32>} : memref<128xi32, #tpu.memory_space<vmem>>, vector<16xi32>,
    %mul3A_51 = arith.constant 2 : i32
    %mul3A_52 = vector.broadcast %mul3A_51 : i32 to vector<16xi32>
    %mul3A_53 = arith.muli %mul3A_52, %iota3A : vector<16xi32>
    %add3A_54 = arith.constant 64 : i32
    %add3A_55 = vector.broadcast %add3A_54 : i32 to vector<16xi32>
    %add3A_56 = arith.addi %add3A_55, %mul3A_53 : vector<16xi32>
    tpu.vector_store_idx %arg15[%add3A_15, %add3A_56], %get3A_48 : memref<2x128xi32, #tpu.memory_space<vmem>>[vector<16xi32>, vector<16xi32>], vector<16xi32>,
    %add3A_57 = arith.constant 1 : i32
    %add3A_58 = vector.broadcast %add3A_57 : i32 to vector<16xi32>
    %add3A_59 = arith.addi %add3A_56, %add3A_58 : vector<16xi32>
    tpu.vector_store_idx %arg15[%add3A_15, %add3A_59], %get3A_50 : memref<2x128xi32, #tpu.memory_space<vmem>>[vector<16xi32>, vector<16xi32>], vector<16xi32>,
    tpu.vector_store_idx %arg17[%add3A_15, %add3A_56], %get3A_50 : memref<2x128xi32, #tpu.memory_space<vmem>>[vector<16xi32>, vector<16xi32>], vector<16xi32>,
    %add3A_60 = arith.constant 1 : i32
    %add3A_61 = vector.broadcast %add3A_60 : i32 to vector<16xi32>
    %add3A_62 = arith.addi %add3A_56, %add3A_61 : vector<16xi32>
    tpu.vector_store_idx %arg17[%add3A_15, %add3A_62], %get3A_48 : memref<2x128xi32, #tpu.memory_space<vmem>>[vector<16xi32>, vector<16xi32>], vector<16xi32>,
    %get3A_63 = arith.constant 48 : index
    %get3A_64 = tpu.vector_load %arg19[%get3A_63] {strides = array<i32>} : memref<128xi32, #tpu.memory_space<vmem>>, vector<16xi32>,
    %get3A_65 = arith.constant 48 : index
    %get3A_66 = tpu.vector_load %arg20[%get3A_65] {strides = array<i32>} : memref<128xi32, #tpu.memory_space<vmem>>, vector<16xi32>,
    %mul3A_67 = arith.constant 2 : i32
    %mul3A_68 = vector.broadcast %mul3A_67 : i32 to vector<16xi32>
    %mul3A_69 = arith.muli %mul3A_68, %iota3A : vector<16xi32>
    %add3A_70 = arith.constant 96 : i32
    %add3A_71 = vector.broadcast %add3A_70 : i32 to vector<16xi32>
    %add3A_72 = arith.addi %add3A_71, %mul3A_69 : vector<16xi32>
    tpu.vector_store_idx %arg15[%add3A_15, %add3A_72], %get3A_64 : memref<2x128xi32, #tpu.memory_space<vmem>>[vector<16xi32>, vector<16xi32>], vector<16xi32>,
    %add3A_73 = arith.constant 1 : i32
    %add3A_74 = vector.broadcast %add3A_73 : i32 to vector<16xi32>
    %add3A_75 = arith.addi %add3A_72, %add3A_74 : vector<16xi32>
    tpu.vector_store_idx %arg15[%add3A_15, %add3A_75], %get3A_66 : memref<2x128xi32, #tpu.memory_space<vmem>>[vector<16xi32>, vector<16xi32>], vector<16xi32>,
    tpu.vector_store_idx %arg17[%add3A_15, %add3A_72], %get3A_66 : memref<2x128xi32, #tpu.memory_space<vmem>>[vector<16xi32>, vector<16xi32>], vector<16xi32>,
    %add3A_76 = arith.constant 1 : i32
    %add3A_77 = vector.broadcast %add3A_76 : i32 to vector<16xi32>
    %add3A_78 = arith.addi %add3A_72, %add3A_77 : vector<16xi32>
    tpu.vector_store_idx %arg17[%add3A_15, %add3A_78], %get3A_64 : memref<2x128xi32, #tpu.memory_space<vmem>>[vector<16xi32>, vector<16xi32>], vector<16xi32>,
    %mul3A_79 = arith.constant 0 : i32
    %mul3A_80 = vector.broadcast %mul3A_79 : i32 to vector<16xi32>
    %mul3A_81 = arith.muli %iota3A, %mul3A_80 : vector<16xi32>
    %add3A_82 = arith.constant 1 : i32
    %add3A_83 = vector.broadcast %add3A_82 : i32 to vector<16xi32>
    %add3A_84 = arith.addi %mul3A_81, %add3A_83 : vector<16xi32>
    %get3A_85 = arith.constant 64 : index
    %get3A_86 = tpu.vector_load %arg19[%get3A_85] {strides = array<i32>} : memref<128xi32, #tpu.memory_space<vmem>>, vector<16xi32>,
    %get3A_87 = arith.constant 64 : index
    %get3A_88 = tpu.vector_load %arg20[%get3A_87] {strides = array<i32>} : memref<128xi32, #tpu.memory_space<vmem>>, vector<16xi32>,
    %mul3A_89 = arith.constant 2 : i32
    %mul3A_90 = vector.broadcast %mul3A_89 : i32 to vector<16xi32>
    %mul3A_91 = arith.muli %mul3A_90, %iota3A : vector<16xi32>
    %add3A_92 = arith.constant 0 : i32
    %add3A_93 = vector.broadcast %add3A_92 : i32 to vector<16xi32>
    %add3A_94 = arith.addi %add3A_93, %mul3A_91 : vector<16xi32>
    tpu.vector_store_idx %arg15[%add3A_84, %add3A_94], %get3A_86 : memref<2x128xi32, #tpu.memory_space<vmem>>[vector<16xi32>, vector<16xi32>], vector<16xi32>,
    %add3A_95 = arith.constant 1 : i32
    %add3A_96 = vector.broadcast %add3A_95 : i32 to vector<16xi32>
    %add3A_97 = arith.addi %add3A_94, %add3A_96 : vector<16xi32>
    tpu.vector_store_idx %arg15[%add3A_84, %add3A_97], %get3A_88 : memref<2x128xi32, #tpu.memory_space<vmem>>[vector<16xi32>, vector<16xi32>], vector<16xi32>,
    tpu.vector_store_idx %arg17[%add3A_84, %add3A_94], %get3A_88 : memref<2x128xi32, #tpu.memory_space<vmem>>[vector<16xi32>, vector<16xi32>], vector<16xi32>,
    %add3A_98 = arith.constant 1 : i32
    %add3A_99 = vector.broadcast %add3A_98 : i32 to vector<16xi32>
    %add3A_100 = arith.addi %add3A_94, %add3A_99 : vector<16xi32>
    tpu.vector_store_idx %arg17[%add3A_84, %add3A_100], %get3A_86 : memref<2x128xi32, #tpu.memory_space<vmem>>[vector<16xi32>, vector<16xi32>], vector<16xi32>,
    %get3A_101 = arith.constant 80 : index
    %get3A_102 = tpu.vector_load %arg19[%get3A_101] {strides = array<i32>} : memref<128xi32, #tpu.memory_space<vmem>>, vector<16xi32>,
    %get3A_103 = arith.constant 80 : index
    %get3A_104 = tpu.vector_load %arg20[%get3A_103] {strides = array<i32>} : memref<128xi32, #tpu.memory_space<vmem>>, vector<16xi32>,
    %mul3A_105 = arith.constant 2 : i32
    %mul3A_106 = vector.broadcast %mul3A_105 : i32 to vector<16xi32>
    %mul3A_107 = arith.muli %mul3A_106, %iota3A : vector<16xi32>
    %add3A_108 = arith.constant 32 : i32
    %add3A_109 = vector.broadcast %add3A_108 : i32 to vector<16xi32>
    %add3A_110 = arith.addi %add3A_109, %mul3A_107 : vector<16xi32>
    tpu.vector_store_idx %arg15[%add3A_84, %add3A_110], %get3A_102 : memref<2x128xi32, #tpu.memory_space<vmem>>[vector<16xi32>, vector<16xi32>], vector<16xi32>,
    %add3A_111 = arith.constant 1 : i32
    %add3A_112 = vector.broadcast %add3A_111 : i32 to vector<16xi32>
    %add3A_113 = arith.addi %add3A_110, %add3A_112 : vector<16xi32>
    tpu.vector_store_idx %arg15[%add3A_84, %add3A_113], %get3A_104 : memref<2x128xi32, #tpu.memory_space<vmem>>[vector<16xi32>, vector<16xi32>], vector<16xi32>,
    tpu.vector_store_idx %arg17[%add3A_84, %add3A_110], %get3A_104 : memref<2x128xi32, #tpu.memory_space<vmem>>[vector<16xi32>, vector<16xi32>], vector<16xi32>,
    %add3A_114 = arith.constant 1 : i32
    %add3A_115 = vector.broadcast %add3A_114 : i32 to vector<16xi32>
    %add3A_116 = arith.addi %add3A_110, %add3A_115 : vector<16xi32>
    tpu.vector_store_idx %arg17[%add3A_84, %add3A_116], %get3A_102 : memref<2x128xi32, #tpu.memory_space<vmem>>[vector<16xi32>, vector<16xi32>], vector<16xi32>,
    %get3A_117 = arith.constant 96 : index
    %get3A_118 = tpu.vector_load %arg19[%get3A_117] {strides = array<i32>} : memref<128xi32, #tpu.memory_space<vmem>>, vector<16xi32>,
    %get3A_119 = arith.constant 96 : index
    %get3A_120 = tpu.vector_load %arg20[%get3A_119] {strides = array<i32>} : memref<128xi32, #tpu.memory_space<vmem>>, vector<16xi32>,
    %mul3A_121 = arith.constant 2 : i32
    %mul3A_122 = vector.broadcast %mul3A_121 : i32 to vector<16xi32>
    %mul3A_123 = arith.muli %mul3A_122, %iota3A : vector<16xi32>
    %add3A_124 = arith.constant 64 : i32
    %add3A_125 = vector.broadcast %add3A_124 : i32 to vector<16xi32>
    %add3A_126 = arith.addi %add3A_125, %mul3A_123 : vector<16xi32>
    tpu.vector_store_idx %arg15[%add3A_84, %add3A_126], %get3A_118 : memref<2x128xi32, #tpu.memory_space<vmem>>[vector<16xi32>, vector<16xi32>], vector<16xi32>,
    %add3A_127 = arith.constant 1 : i32
    %add3A_128 = vector.broadcast %add3A_127 : i32 to vector<16xi32>
    %add3A_129 = arith.addi %add3A_126, %add3A_128 : vector<16xi32>
    tpu.vector_store_idx %arg15[%add3A_84, %add3A_129], %get3A_120 : memref<2x128xi32, #tpu.memory_space<vmem>>[vector<16xi32>, vector<16xi32>], vector<16xi32>,
    tpu.vector_store_idx %arg17[%add3A_84, %add3A_126], %get3A_120 : memref<2x128xi32, #tpu.memory_space<vmem>>[vector<16xi32>, vector<16xi32>], vector<16xi32>,
    %add3A_130 = arith.constant 1 : i32
    %add3A_131 = vector.broadcast %add3A_130 : i32 to vector<16xi32>
    %add3A_132 = arith.addi %add3A_126, %add3A_131 : vector<16xi32>
    tpu.vector_store_idx %arg17[%add3A_84, %add3A_132], %get3A_118 : memref<2x128xi32, #tpu.memory_space<vmem>>[vector<16xi32>, vector<16xi32>], vector<16xi32>,
    %get3A_133 = arith.constant 112 : index
    %get3A_134 = tpu.vector_load %arg19[%get3A_133] {strides = array<i32>} : memref<128xi32, #tpu.memory_space<vmem>>, vector<16xi32>,
    %get3A_135 = arith.constant 112 : index
    %get3A_136 = tpu.vector_load %arg20[%get3A_135] {strides = array<i32>} : memref<128xi32, #tpu.memory_space<vmem>>, vector<16xi32>,
    %mul3A_137 = arith.constant 2 : i32
    %mul3A_138 = vector.broadcast %mul3A_137 : i32 to vector<16xi32>
    %mul3A_139 = arith.muli %mul3A_138, %iota3A : vector<16xi32>
    %add3A_140 = arith.constant 96 : i32
    %add3A_141 = vector.broadcast %add3A_140 : i32 to vector<16xi32>
    %add3A_142 = arith.addi %add3A_141, %mul3A_139 : vector<16xi32>
    tpu.vector_store_idx %arg15[%add3A_84, %add3A_142], %get3A_134 : memref<2x128xi32, #tpu.memory_space<vmem>>[vector<16xi32>, vector<16xi32>], vector<16xi32>,
    %add3A_143 = arith.constant 1 : i32
    %add3A_144 = vector.broadcast %add3A_143 : i32 to vector<16xi32>
    %add3A_145 = arith.addi %add3A_142, %add3A_144 : vector<16xi32>
    tpu.vector_store_idx %arg15[%add3A_84, %add3A_145], %get3A_136 : memref<2x128xi32, #tpu.memory_space<vmem>>[vector<16xi32>, vector<16xi32>], vector<16xi32>,
    tpu.vector_store_idx %arg17[%add3A_84, %add3A_142], %get3A_136 : memref<2x128xi32, #tpu.memory_space<vmem>>[vector<16xi32>, vector<16xi32>], vector<16xi32>,
    %add3A_146 = arith.constant 1 : i32
    %add3A_147 = vector.broadcast %add3A_146 : i32 to vector<16xi32>
    %add3A_148 = arith.addi %add3A_142, %add3A_147 : vector<16xi32>
    tpu.vector_store_idx %arg17[%add3A_84, %add3A_148], %get3A_134 : memref<2x128xi32, #tpu.memory_space<vmem>>[vector<16xi32>, vector<16xi32>], vector<16xi32>,
    %scan3A = arith.constant 0 : i32
    %scan3A_149 = arith.constant 79 : i32
    %scan3A_150 = arith.addi %scan3A, %scan3A_149 : i32
    %scan3A_151 = arith.constant 1 : i32
    scf.for %scan3A_156 = %scan3A to %scan3A_150 step %scan3A_151  : i32 {
      %mul3A_157 = arith.constant 2 : i32
      %mul3A_158 = arith.muli %scan3A_156, %mul3A_157 : i32
      %add3A_159 = arith.constant 0 : i32
      %add3A_160 = arith.addi %mul3A_158, %add3A_159 : i32
      %add3A_161 = arith.constant 1 : i32
      %add3A_162 = arith.addi %add3A_160, %add3A_161 : i32
      %mul3A_163 = arith.constant 16 : i32
      %mul3A_164 = arith.muli %add3A_162, %mul3A_163 : i32
      %add3A_165 = arith.addi %mul3A_164, %arg1 : i32
      %lt3A = arith.constant 2500 : i32
      %lt3A_166 = arith.cmpi slt, %add3A_165, %lt3A : i32
      %convert_element_type3A_167 = arith.extui %lt3A_166 : i1 to i32
      %cond3A_168 = arith.constant 0 : i32
      %cond3A_169 = arith.cmpi ne, %convert_element_type3A_167, %cond3A_168 : i32
      scf.if %cond3A_169 {
        %add3A_200 = arith.constant 1 : i32
        %add3A_201 = arith.addi %add3A_160, %add3A_200 : i32
        %mul3A_202 = arith.constant 16 : i32
        %mul3A_203 = arith.muli %add3A_201, %mul3A_202 : i32
        %add3A_204 = arith.addi %mul3A_203, %arg1 : i32
        %mul3A_205 = arith.constant 256 : i32
        %mul3A_206 = arith.muli %add3A_204, %mul3A_205 : i32
        %dma_start3A_207 = tpu.memref_slice %arg2[%mul3A_206, %mul3A_2] : memref<640000x128xf32, #tpu.memory_space<hbm>> -> memref<256x64xf32, #tpu.memory_space<hbm>>
        %dma_start3A_208 = tpu.memref_slice %arg2[%mul3A_206, %mul3A_2] : memref<640000x128xf32, #tpu.memory_space<hbm>> -> memref<256x64xf32, #tpu.memory_space<hbm>>
        tpu.enqueue_dma source(%dma_start3A_208 : memref<256x64xf32, #tpu.memory_space<hbm>>) target(%arg14 : memref<256x64xf32, #tpu.memory_space<vmem>>) target_semaphore(%arg23 : memref<!tpu.dma_semaphore, #tpu.memory_space<semaphore_mem>>)
        %mul3A_209 = arith.constant 128 : i32
        %mul3A_210 = arith.muli %add3A_204, %mul3A_209 : i32
        %run_scoped3A_211 = arith.constant 0 : i32
        "tpu.region"() ({
          %run_scoped3A_353 = tpu.sem_alloc : memref<!tpu.dma_semaphore, #tpu.memory_space<semaphore_mem>>
          %dma_start3A_354 = tpu.memref_slice %arg3[%run_scoped3A_211, %mul3A_210] : memref<2x320000xi32, #tpu.memory_space<hbm>> -> memref<1x128xi32, #tpu.memory_space<hbm>>
          %dma_start3A_355 = tpu.memref_squeeze %dma_start3A_354 : memref<1x128xi32, #tpu.memory_space<hbm>> -> memref<128xi32, #tpu.memory_space<hbm>>
          %dma_start3A_356 = tpu.memref_slice %arg3[%run_scoped3A_211, %mul3A_210] : memref<2x320000xi32, #tpu.memory_space<hbm>> -> memref<1x128xi32, #tpu.memory_space<hbm>>
          %dma_start3A_357 = tpu.memref_squeeze %dma_start3A_356 : memref<1x128xi32, #tpu.memory_space<hbm>> -> memref<128xi32, #tpu.memory_space<hbm>>
          tpu.enqueue_dma source(%dma_start3A_357 : memref<128xi32, #tpu.memory_space<hbm>>) target(%arg19 : memref<128xi32, #tpu.memory_space<vmem>>) target_semaphore(%run_scoped3A_353 : memref<!tpu.dma_semaphore, #tpu.memory_space<semaphore_mem>>)
          %dma_wait3A = tpu.memref_slice %arg3[%run_scoped3A_211, %mul3A_210] : memref<2x320000xi32, #tpu.memory_space<hbm>> -> memref<1x128xi32, #tpu.memory_space<hbm>>
          %dma_wait3A_358 = tpu.memref_squeeze %dma_wait3A : memref<1x128xi32, #tpu.memory_space<hbm>> -> memref<128xi32, #tpu.memory_space<hbm>>
          %dma_wait3A_359 = tpu.memref_slice %arg3[%run_scoped3A_211, %mul3A_210] : memref<2x320000xi32, #tpu.memory_space<hbm>> -> memref<1x128xi32, #tpu.memory_space<hbm>>
          %dma_wait3A_360 = tpu.memref_squeeze %dma_wait3A_359 : memref<1x128xi32, #tpu.memory_space<hbm>> -> memref<128xi32, #tpu.memory_space<hbm>>
          tpu.wait_dma2 semaphore(%run_scoped3A_353 : memref<!tpu.dma_semaphore, #tpu.memory_space<semaphore_mem>>) src(%dma_wait3A_360 : memref<128xi32, #tpu.memory_space<hbm>>) dst(%arg19 : memref<128xi32, #tpu.memory_space<vmem>>)
          tpu.yield
        }) : () -> ()
        %run_scoped3A_212 = arith.constant 1 : i32
        "tpu.region"() ({
          %run_scoped3A_353 = tpu.sem_alloc : memref<!tpu.dma_semaphore, #tpu.memory_space<semaphore_mem>>
          %dma_start3A_354 = tpu.memref_slice %arg3[%run_scoped3A_212, %mul3A_210] : memref<2x320000xi32, #tpu.memory_space<hbm>> -> memref<1x128xi32, #tpu.memory_space<hbm>>
          %dma_start3A_355 = tpu.memref_squeeze %dma_start3A_354 : memref<1x128xi32, #tpu.memory_space<hbm>> -> memref<128xi32, #tpu.memory_space<hbm>>
          %dma_start3A_356 = tpu.memref_slice %arg3[%run_scoped3A_212, %mul3A_210] : memref<2x320000xi32, #tpu.memory_space<hbm>> -> memref<1x128xi32, #tpu.memory_space<hbm>>
          %dma_start3A_357 = tpu.memref_squeeze %dma_start3A_356 : memref<1x128xi32, #tpu.memory_space<hbm>> -> memref<128xi32, #tpu.memory_space<hbm>>
          tpu.enqueue_dma source(%dma_start3A_357 : memref<128xi32, #tpu.memory_space<hbm>>) target(%arg20 : memref<128xi32, #tpu.memory_space<vmem>>) target_semaphore(%run_scoped3A_353 : memref<!tpu.dma_semaphore, #tpu.memory_space<semaphore_mem>>)
          %dma_wait3A = tpu.memref_slice %arg3[%run_scoped3A_212, %mul3A_210] : memref<2x320000xi32, #tpu.memory_space<hbm>> -> memref<1x128xi32, #tpu.memory_space<hbm>>
          %dma_wait3A_358 = tpu.memref_squeeze %dma_wait3A : memref<1x128xi32, #tpu.memory_space<hbm>> -> memref<128xi32, #tpu.memory_space<hbm>>
          %dma_wait3A_359 = tpu.memref_slice %arg3[%run_scoped3A_212, %mul3A_210] : memref<2x320000xi32, #tpu.memory_space<hbm>> -> memref<1x128xi32, #tpu.memory_space<hbm>>
          %dma_wait3A_360 = tpu.memref_squeeze %dma_wait3A_359 : memref<1x128xi32, #tpu.memory_space<hbm>> -> memref<128xi32, #tpu.memory_space<hbm>>
          tpu.wait_dma2 semaphore(%run_scoped3A_353 : memref<!tpu.dma_semaphore, #tpu.memory_space<semaphore_mem>>) src(%dma_wait3A_360 : memref<128xi32, #tpu.memory_space<hbm>>) dst(%arg20 : memref<128xi32, #tpu.memory_space<vmem>>)
          tpu.yield
        }) : () -> ()
        %mul3A_213 = arith.constant 0 : i32
        %mul3A_214 = vector.broadcast %mul3A_213 : i32 to vector<16xi32>
        %mul3A_215 = arith.muli %iota3A, %mul3A_214 : vector<16xi32>
        %add3A_216 = arith.constant 0 : i32
        %add3A_217 = vector.broadcast %add3A_216 : i32 to vector<16xi32>
        %add3A_218 = arith.addi %mul3A_215, %add3A_217 : vector<16xi32>
        %get3A_219 = arith.constant 0 : index
        %get3A_220 = tpu.vector_load %arg19[%get3A_219] {strides = array<i32>} : memref<128xi32, #tpu.memory_space<vmem>>, vector<16xi32>,
        %get3A_221 = arith.constant 0 : index
        %get3A_222 = tpu.vector_load %arg20[%get3A_221] {strides = array<i32>} : memref<128xi32, #tpu.memory_space<vmem>>, vector<16xi32>,
        %mul3A_223 = arith.constant 2 : i32
        %mul3A_224 = vector.broadcast %mul3A_223 : i32 to vector<16xi32>
        %mul3A_225 = arith.muli %mul3A_224, %iota3A : vector<16xi32>
        %add3A_226 = arith.constant 0 : i32
        %add3A_227 = vector.broadcast %add3A_226 : i32 to vector<16xi32>
        %add3A_228 = arith.addi %add3A_227, %mul3A_225 : vector<16xi32>
        tpu.vector_store_idx %arg16[%add3A_218, %add3A_228], %get3A_220 : memref<2x128xi32, #tpu.memory_space<vmem>>[vector<16xi32>, vector<16xi32>], vector<16xi32>,
        %add3A_229 = arith.constant 1 : i32
        %add3A_230 = vector.broadcast %add3A_229 : i32 to vector<16xi32>
        %add3A_231 = arith.addi %add3A_228, %add3A_230 : vector<16xi32>
        tpu.vector_store_idx %arg16[%add3A_218, %add3A_231], %get3A_222 : memref<2x128xi32, #tpu.memory_space<vmem>>[vector<16xi32>, vector<16xi32>], vector<16xi32>,
        tpu.vector_store_idx %arg18[%add3A_218, %add3A_228], %get3A_222 : memref<2x128xi32, #tpu.memory_space<vmem>>[vector<16xi32>, vector<16xi32>], vector<16xi32>,
        %add3A_232 = arith.constant 1 : i32
        %add3A_233 = vector.broadcast %add3A_232 : i32 to vector<16xi32>
        %add3A_234 = arith.addi %add3A_228, %add3A_233 : vector<16xi32>
        tpu.vector_store_idx %arg18[%add3A_218, %add3A_234], %get3A_220 : memref<2x128xi32, #tpu.memory_space<vmem>>[vector<16xi32>, vector<16xi32>], vector<16xi32>,
        %get3A_235 = arith.constant 16 : index
        %get3A_236 = tpu.vector_load %arg19[%get3A_235] {strides = array<i32>} : memref<128xi32, #tpu.memory_space<vmem>>, vector<16xi32>,
        %get3A_237 = arith.constant 16 : index
        %get3A_238 = tpu.vector_load %arg20[%get3A_237] {strides = array<i32>} : memref<128xi32, #tpu.memory_space<vmem>>, vector<16xi32>,
        %mul3A_239 = arith.constant 2 : i32
        %mul3A_240 = vector.broadcast %mul3A_239 : i32 to vector<16xi32>
        %mul3A_241 = arith.muli %mul3A_240, %iota3A : vector<16xi32>
        %add3A_242 = arith.constant 32 : i32
        %add3A_243 = vector.broadcast %add3A_242 : i32 to vector<16xi32>
        %add3A_244 = arith.addi %add3A_243, %mul3A_241 : vector<16xi32>
        tpu.vector_store_idx %arg16[%add3A_218, %add3A_244], %get3A_236 : memref<2x128xi32, #tpu.memory_space<vmem>>[vector<16xi32>, vector<16xi32>], vector<16xi32>,
        %add3A_245 = arith.constant 1 : i32
        %add3A_246 = vector.broadcast %add3A_245 : i32 to vector<16xi32>
        %add3A_247 = arith.addi %add3A_244, %add3A_246 : vector<16xi32>
        tpu.vector_store_idx %arg16[%add3A_218, %add3A_247], %get3A_238 : memref<2x128xi32, #tpu.memory_space<vmem>>[vector<16xi32>, vector<16xi32>], vector<16xi32>,
        tpu.vector_store_idx %arg18[%add3A_218, %add3A_244], %get3A_238 : memref<2x128xi32, #tpu.memory_space<vmem>>[vector<16xi32>, vector<16xi32>], vector<16xi32>,
        %add3A_248 = arith.constant 1 : i32
        %add3A_249 = vector.broadcast %add3A_248 : i32 to vector<16xi32>
        %add3A_250 = arith.addi %add3A_244, %add3A_249 : vector<16xi32>
        tpu.vector_store_idx %arg18[%add3A_218, %add3A_250], %get3A_236 : memref<2x128xi32, #tpu.memory_space<vmem>>[vector<16xi32>, vector<16xi32>], vector<16xi32>,
        %get3A_251 = arith.constant 32 : index
        %get3A_252 = tpu.vector_load %arg19[%get3A_251] {strides = array<i32>} : memref<128xi32, #tpu.memory_space<vmem>>, vector<16xi32>,
        %get3A_253 = arith.constant 32 : index
        %get3A_254 = tpu.vector_load %arg20[%get3A_253] {strides = array<i32>} : memref<128xi32, #tpu.memory_space<vmem>>, vector<16xi32>,
        %mul3A_255 = arith.constant 2 : i32
        %mul3A_256 = vector.broadcast %mul3A_255 : i32 to vector<16xi32>
        %mul3A_257 = arith.muli %mul3A_256, %iota3A : vector<16xi32>
        %add3A_258 = arith.constant 64 : i32
        %add3A_259 = vector.broadcast %add3A_258 : i32 to vector<16xi32>
        %add3A_260 = arith.addi %add3A_259, %mul3A_257 : vector<16xi32>
        tpu.vector_store_idx %arg16[%add3A_218, %add3A_260], %get3A_252 : memref<2x128xi32, #tpu.memory_space<vmem>>[vector<16xi32>, vector<16xi32>], vector<16xi32>,
        %add3A_261 = arith.constant 1 : i32
        %add3A_262 = vector.broadcast %add3A_261 : i32 to vector<16xi32>
        %add3A_263 = arith.addi %add3A_260, %add3A_262 : vector<16xi32>
        tpu.vector_store_idx %arg16[%add3A_218, %add3A_263], %get3A_254 : memref<2x128xi32, #tpu.memory_space<vmem>>[vector<16xi32>, vector<16xi32>], vector<16xi32>,
        tpu.vector_store_idx %arg18[%add3A_218, %add3A_260], %get3A_254 : memref<2x128xi32, #tpu.memory_space<vmem>>[vector<16xi32>, vector<16xi32>], vector<16xi32>,
        %add3A_264 = arith.constant 1 : i32
        %add3A_265 = vector.broadcast %add3A_264 : i32 to vector<16xi32>
        %add3A_266 = arith.addi %add3A_260, %add3A_265 : vector<16xi32>
        tpu.vector_store_idx %arg18[%add3A_218, %add3A_266], %get3A_252 : memref<2x128xi32, #tpu.memory_space<vmem>>[vector<16xi32>, vector<16xi32>], vector<16xi32>,
        %get3A_267 = arith.constant 48 : index
        %get3A_268 = tpu.vector_load %arg19[%get3A_267] {strides = array<i32>} : memref<128xi32, #tpu.memory_space<vmem>>, vector<16xi32>,
        %get3A_269 = arith.constant 48 : index
        %get3A_270 = tpu.vector_load %arg20[%get3A_269] {strides = array<i32>} : memref<128xi32, #tpu.memory_space<vmem>>, vector<16xi32>,
        %mul3A_271 = arith.constant 2 : i32
        %mul3A_272 = vector.broadcast %mul3A_271 : i32 to vector<16xi32>
        %mul3A_273 = arith.muli %mul3A_272, %iota3A : vector<16xi32>
        %add3A_274 = arith.constant 96 : i32
        %add3A_275 = vector.broadcast %add3A_274 : i32 to vector<16xi32>
        %add3A_276 = arith.addi %add3A_275, %mul3A_273 : vector<16xi32>
        tpu.vector_store_idx %arg16[%add3A_218, %add3A_276], %get3A_268 : memref<2x128xi32, #tpu.memory_space<vmem>>[vector<16xi32>, vector<16xi32>], vector<16xi32>,
        %add3A_277 = arith.constant 1 : i32
        %add3A_278 = vector.broadcast %add3A_277 : i32 to vector<16xi32>
        %add3A_279 = arith.addi %add3A_276, %add3A_278 : vector<16xi32>
        tpu.vector_store_idx %arg16[%add3A_218, %add3A_279], %get3A_270 : memref<2x128xi32, #tpu.memory_space<vmem>>[vector<16xi32>, vector<16xi32>], vector<16xi32>,
        tpu.vector_store_idx %arg18[%add3A_218, %add3A_276], %get3A_270 : memref<2x128xi32, #tpu.memory_space<vmem>>[vector<16xi32>, vector<16xi32>], vector<16xi32>,
        %add3A_280 = arith.constant 1 : i32
        %add3A_281 = vector.broadcast %add3A_280 : i32 to vector<16xi32>
        %add3A_282 = arith.addi %add3A_276, %add3A_281 : vector<16xi32>
        tpu.vector_store_idx %arg18[%add3A_218, %add3A_282], %get3A_268 : memref<2x128xi32, #tpu.memory_space<vmem>>[vector<16xi32>, vector<16xi32>], vector<16xi32>,
        %mul3A_283 = arith.constant 0 : i32
        %mul3A_284 = vector.broadcast %mul3A_283 : i32 to vector<16xi32>
        %mul3A_285 = arith.muli %iota3A, %mul3A_284 : vector<16xi32>
        %add3A_286 = arith.constant 1 : i32
        %add3A_287 = vector.broadcast %add3A_286 : i32 to vector<16xi32>
        %add3A_288 = arith.addi %mul3A_285, %add3A_287 : vector<16xi32>
        %get3A_289 = arith.constant 64 : index
        %get3A_290 = tpu.vector_load %arg19[%get3A_289] {strides = array<i32>} : memref<128xi32, #tpu.memory_space<vmem>>, vector<16xi32>,
        %get3A_291 = arith.constant 64 : index
        %get3A_292 = tpu.vector_load %arg20[%get3A_291] {strides = array<i32>} : memref<128xi32, #tpu.memory_space<vmem>>, vector<16xi32>,
        %mul3A_293 = arith.constant 2 : i32
        %mul3A_294 = vector.broadcast %mul3A_293 : i32 to vector<16xi32>
        %mul3A_295 = arith.muli %mul3A_294, %iota3A : vector<16xi32>
        %add3A_296 = arith.constant 0 : i32
        %add3A_297 = vector.broadcast %add3A_296 : i32 to vector<16xi32>
        %add3A_298 = arith.addi %add3A_297, %mul3A_295 : vector<16xi32>
        tpu.vector_store_idx %arg16[%add3A_288, %add3A_298], %get3A_290 : memref<2x128xi32, #tpu.memory_space<vmem>>[vector<16xi32>, vector<16xi32>], vector<16xi32>,
        %add3A_299 = arith.constant 1 : i32
        %add3A_300 = vector.broadcast %add3A_299 : i32 to vector<16xi32>
        %add3A_301 = arith.addi %add3A_298, %add3A_300 : vector<16xi32>
        tpu.vector_store_idx %arg16[%add3A_288, %add3A_301], %get3A_292 : memref<2x128xi32, #tpu.memory_space<vmem>>[vector<16xi32>, vector<16xi32>], vector<16xi32>,
        tpu.vector_store_idx %arg18[%add3A_288, %add3A_298], %get3A_292 : memref<2x128xi32, #tpu.memory_space<vmem>>[vector<16xi32>, vector<16xi32>], vector<16xi32>,
        %add3A_302 = arith.constant 1 : i32
        %add3A_303 = vector.broadcast %add3A_302 : i32 to vector<16xi32>
        %add3A_304 = arith.addi %add3A_298, %add3A_303 : vector<16xi32>
        tpu.vector_store_idx %arg18[%add3A_288, %add3A_304], %get3A_290 : memref<2x128xi32, #tpu.memory_space<vmem>>[vector<16xi32>, vector<16xi32>], vector<16xi32>,
        %get3A_305 = arith.constant 80 : index
        %get3A_306 = tpu.vector_load %arg19[%get3A_305] {strides = array<i32>} : memref<128xi32, #tpu.memory_space<vmem>>, vector<16xi32>,
        %get3A_307 = arith.constant 80 : index
        %get3A_308 = tpu.vector_load %arg20[%get3A_307] {strides = array<i32>} : memref<128xi32, #tpu.memory_space<vmem>>, vector<16xi32>,
        %mul3A_309 = arith.constant 2 : i32
        %mul3A_310 = vector.broadcast %mul3A_309 : i32 to vector<16xi32>
        %mul3A_311 = arith.muli %mul3A_310, %iota3A : vector<16xi32>
        %add3A_312 = arith.constant 32 : i32
        %add3A_313 = vector.broadcast %add3A_312 : i32 to vector<16xi32>
        %add3A_314 = arith.addi %add3A_313, %mul3A_311 : vector<16xi32>
        tpu.vector_store_idx %arg16[%add3A_288, %add3A_314], %get3A_306 : memref<2x128xi32, #tpu.memory_space<vmem>>[vector<16xi32>, vector<16xi32>], vector<16xi32>,
        %add3A_315 = arith.constant 1 : i32
        %add3A_316 = vector.broadcast %add3A_315 : i32 to vector<16xi32>
        %add3A_317 = arith.addi %add3A_314, %add3A_316 : vector<16xi32>
        tpu.vector_store_idx %arg16[%add3A_288, %add3A_317], %get3A_308 : memref<2x128xi32, #tpu.memory_space<vmem>>[vector<16xi32>, vector<16xi32>], vector<16xi32>,
        tpu.vector_store_idx %arg18[%add3A_288, %add3A_314], %get3A_308 : memref<2x128xi32, #tpu.memory_space<vmem>>[vector<16xi32>, vector<16xi32>], vector<16xi32>,
        %add3A_318 = arith.constant 1 : i32
        %add3A_319 = vector.broadcast %add3A_318 : i32 to vector<16xi32>
        %add3A_320 = arith.addi %add3A_314, %add3A_319 : vector<16xi32>
        tpu.vector_store_idx %arg18[%add3A_288, %add3A_320], %get3A_306 : memref<2x128xi32, #tpu.memory_space<vmem>>[vector<16xi32>, vector<16xi32>], vector<16xi32>,
        %get3A_321 = arith.constant 96 : index
        %get3A_322 = tpu.vector_load %arg19[%get3A_321] {strides = array<i32>} : memref<128xi32, #tpu.memory_space<vmem>>, vector<16xi32>,
        %get3A_323 = arith.constant 96 : index
        %get3A_324 = tpu.vector_load %arg20[%get3A_323] {strides = array<i32>} : memref<128xi32, #tpu.memory_space<vmem>>, vector<16xi32>,
        %mul3A_325 = arith.constant 2 : i32
        %mul3A_326 = vector.broadcast %mul3A_325 : i32 to vector<16xi32>
        %mul3A_327 = arith.muli %mul3A_326, %iota3A : vector<16xi32>
        %add3A_328 = arith.constant 64 : i32
        %add3A_329 = vector.broadcast %add3A_328 : i32 to vector<16xi32>
        %add3A_330 = arith.addi %add3A_329, %mul3A_327 : vector<16xi32>
        tpu.vector_store_idx %arg16[%add3A_288, %add3A_330], %get3A_322 : memref<2x128xi32, #tpu.memory_space<vmem>>[vector<16xi32>, vector<16xi32>], vector<16xi32>,
        %add3A_331 = arith.constant 1 : i32
        %add3A_332 = vector.broadcast %add3A_331 : i32 to vector<16xi32>
        %add3A_333 = arith.addi %add3A_330, %add3A_332 : vector<16xi32>
        tpu.vector_store_idx %arg16[%add3A_288, %add3A_333], %get3A_324 : memref<2x128xi32, #tpu.memory_space<vmem>>[vector<16xi32>, vector<16xi32>], vector<16xi32>,
        tpu.vector_store_idx %arg18[%add3A_288, %add3A_330], %get3A_324 : memref<2x128xi32, #tpu.memory_space<vmem>>[vector<16xi32>, vector<16xi32>], vector<16xi32>,
        %add3A_334 = arith.constant 1 : i32
        %add3A_335 = vector.broadcast %add3A_334 : i32 to vector<16xi32>
        %add3A_336 = arith.addi %add3A_330, %add3A_335 : vector<16xi32>
        tpu.vector_store_idx %arg18[%add3A_288, %add3A_336], %get3A_322 : memref<2x128xi32, #tpu.memory_space<vmem>>[vector<16xi32>, vector<16xi32>], vector<16xi32>,
        %get3A_337 = arith.constant 112 : index
        %get3A_338 = tpu.vector_load %arg19[%get3A_337] {strides = array<i32>} : memref<128xi32, #tpu.memory_space<vmem>>, vector<16xi32>,
        %get3A_339 = arith.constant 112 : index
        %get3A_340 = tpu.vector_load %arg20[%get3A_339] {strides = array<i32>} : memref<128xi32, #tpu.memory_space<vmem>>, vector<16xi32>,
        %mul3A_341 = arith.constant 2 : i32
        %mul3A_342 = vector.broadcast %mul3A_341 : i32 to vector<16xi32>
        %mul3A_343 = arith.muli %mul3A_342, %iota3A : vector<16xi32>
        %add3A_344 = arith.constant 96 : i32
        %add3A_345 = vector.broadcast %add3A_344 : i32 to vector<16xi32>
        %add3A_346 = arith.addi %add3A_345, %mul3A_343 : vector<16xi32>
        tpu.vector_store_idx %arg16[%add3A_288, %add3A_346], %get3A_338 : memref<2x128xi32, #tpu.memory_space<vmem>>[vector<16xi32>, vector<16xi32>], vector<16xi32>,
        %add3A_347 = arith.constant 1 : i32
        %add3A_348 = vector.broadcast %add3A_347 : i32 to vector<16xi32>
        %add3A_349 = arith.addi %add3A_346, %add3A_348 : vector<16xi32>
        tpu.vector_store_idx %arg16[%add3A_288, %add3A_349], %get3A_340 : memref<2x128xi32, #tpu.memory_space<vmem>>[vector<16xi32>, vector<16xi32>], vector<16xi32>,
        tpu.vector_store_idx %arg18[%add3A_288, %add3A_346], %get3A_340 : memref<2x128xi32, #tpu.memory_space<vmem>>[vector<16xi32>, vector<16xi32>], vector<16xi32>,
        %add3A_350 = arith.constant 1 : i32
        %add3A_351 = vector.broadcast %add3A_350 : i32 to vector<16xi32>
        %add3A_352 = arith.addi %add3A_346, %add3A_351 : vector<16xi32>
        tpu.vector_store_idx %arg18[%add3A_288, %add3A_352], %get3A_338 : memref<2x128xi32, #tpu.memory_space<vmem>>[vector<16xi32>, vector<16xi32>], vector<16xi32>,
      } else {
      }
      %mul3A_170 = arith.constant 16 : i32
      %mul3A_171 = arith.muli %add3A_160, %mul3A_170 : i32
      %add3A_172 = arith.addi %mul3A_171, %arg1 : i32
      %lt3A_173 = arith.constant 2500 : i32
      %lt3A_174 = arith.cmpi slt, %add3A_172, %lt3A_173 : i32
      %convert_element_type3A_175 = arith.extui %lt3A_174 : i1 to i32
      %cond3A_176 = arith.constant 0 : i32
      %cond3A_177 = arith.cmpi ne, %convert_element_type3A_175, %cond3A_176 : i32
      scf.if %cond3A_177 {
        %dma_wait3A = arith.constant 0 : i32
        %dma_wait3A_200 = arith.constant 0 : i32
        %dma_wait3A_201 = tpu.memref_slice %arg2[%dma_wait3A, %dma_wait3A_200] : memref<640000x128xf32, #tpu.memory_space<hbm>> -> memref<256x64xf32, #tpu.memory_space<hbm>>
        %dma_wait3A_202 = arith.constant 0 : i32
        %dma_wait3A_203 = arith.constant 0 : i32
        %dma_wait3A_204 = tpu.memref_slice %arg2[%dma_wait3A_202, %dma_wait3A_203] : memref<640000x128xf32, #tpu.memory_space<hbm>> -> memref<256x64xf32, #tpu.memory_space<hbm>>
        tpu.wait_dma2 semaphore(%arg22 : memref<!tpu.dma_semaphore, #tpu.memory_space<semaphore_mem>>) src(%dma_wait3A_204 : memref<256x64xf32, #tpu.memory_space<hbm>>) dst(%arg13 : memref<256x64xf32, #tpu.memory_space<vmem>>)
        %run_scoped3A_205 = arith.constant 0 : i32
        "tpu.region"() ({
          %run_scoped3A_219 = tpu.sem_alloc : memref<!tpu.dma_semaphore, #tpu.memory_space<semaphore_mem>>
          %dma_start3A_220 = arith.constant 0 : i32
          %dma_start3A_221 = arith.constant 0 : i32
          %dma_start3A_222 = tpu.memref_slice %arg13[%dma_start3A_220, %dma_start3A_221] : memref<256x64xf32, #tpu.memory_space<vmem>> -> memref<128x64xf32, #tpu.memory_space<vmem>>
          %dma_start3A_223 = arith.constant 0 : i32
          %dma_start3A_224 = tpu.memref_slice %arg15[%run_scoped3A_205, %dma_start3A_223] : memref<2x128xi32, #tpu.memory_space<vmem>> -> memref<1x128xi32, #tpu.memory_space<vmem>>
          %dma_start3A_225 = tpu.memref_squeeze %dma_start3A_224 : memref<1x128xi32, #tpu.memory_space<vmem>> -> memref<128xi32, #tpu.memory_space<vmem>>
          %dma_start3A_226 = arith.constant 0 : i32
          %dma_start3A_227 = arith.constant 0 : i32
          %dma_start3A_228 = tpu.memref_slice %arg10[%dma_start3A_226, %dma_start3A_227] : memref<10000x64xf32, #tpu.memory_space<vmem_shared>> -> memref<10000x64xf32, #tpu.memory_space<vmem_shared>>
          tpu.enqueue_indirect_dma source(%dma_start3A_222 : memref<128x64xf32, #tpu.memory_space<vmem>>) target(%dma_start3A_228 : memref<10000x64xf32, #tpu.memory_space<vmem_shared>>) offsets(%dma_start3A_225 : memref<128xi32, #tpu.memory_space<vmem>>) semaphore(%run_scoped3A_219 : memref<!tpu.dma_semaphore, #tpu.memory_space<semaphore_mem>>) {add = true}
          %dma_wait3A_229 = arith.constant 0 : i32
          %dma_wait3A_230 = arith.constant 0 : i32
          %dma_wait3A_231 = tpu.memref_slice %arg13[%dma_wait3A_229, %dma_wait3A_230] : memref<256x64xf32, #tpu.memory_space<vmem>> -> memref<128x64xf32, #tpu.memory_space<vmem>>
          %dma_wait3A_232 = arith.constant 0 : i32
          %dma_wait3A_233 = tpu.memref_slice %arg15[%run_scoped3A_205, %dma_wait3A_232] : memref<2x128xi32, #tpu.memory_space<vmem>> -> memref<1x128xi32, #tpu.memory_space<vmem>>
          %dma_wait3A_234 = tpu.memref_squeeze %dma_wait3A_233 : memref<1x128xi32, #tpu.memory_space<vmem>> -> memref<128xi32, #tpu.memory_space<vmem>>
          %dma_wait3A_235 = arith.constant 0 : i32
          %dma_wait3A_236 = arith.constant 0 : i32
          %dma_wait3A_237 = tpu.memref_slice %arg10[%dma_wait3A_235, %dma_wait3A_236] : memref<10000x64xf32, #tpu.memory_space<vmem_shared>> -> memref<10000x64xf32, #tpu.memory_space<vmem_shared>>
          tpu.wait_indirect_dma semaphore(%run_scoped3A_219 : memref<!tpu.dma_semaphore, #tpu.memory_space<semaphore_mem>>) src(%dma_wait3A_231 : memref<128x64xf32, #tpu.memory_space<vmem>>) dst(%dma_wait3A_237 : memref<10000x64xf32, #tpu.memory_space<vmem_shared>>)
          tpu.yield
        }) : () -> ()
        %run_scoped3A_206 = arith.constant 0 : i32
        "tpu.region"() ({
          %run_scoped3A_219 = tpu.sem_alloc : memref<!tpu.dma_semaphore, #tpu.memory_space<semaphore_mem>>
          %dma_start3A_220 = arith.constant 0 : i32
          %dma_start3A_221 = arith.constant 0 : i32
          %dma_start3A_222 = tpu.memref_slice %arg13[%dma_start3A_220, %dma_start3A_221] : memref<256x64xf32, #tpu.memory_space<vmem>> -> memref<128x64xf32, #tpu.memory_space<vmem>>
          %dma_start3A_223 = arith.constant 0 : i32
          %dma_start3A_224 = tpu.memref_slice %arg17[%run_scoped3A_206, %dma_start3A_223] : memref<2x128xi32, #tpu.memory_space<vmem>> -> memref<1x128xi32, #tpu.memory_space<vmem>>
          %dma_start3A_225 = tpu.memref_squeeze %dma_start3A_224 : memref<1x128xi32, #tpu.memory_space<vmem>> -> memref<128xi32, #tpu.memory_space<vmem>>
          %dma_start3A_226 = arith.constant 0 : i32
          %dma_start3A_227 = arith.constant 0 : i32
          %dma_start3A_228 = tpu.memref_slice %arg11[%dma_start3A_226, %dma_start3A_227] : memref<10000x64xf32, #tpu.memory_space<vmem_shared>> -> memref<10000x64xf32, #tpu.memory_space<vmem_shared>>
          tpu.enqueue_indirect_dma source(%dma_start3A_222 : memref<128x64xf32, #tpu.memory_space<vmem>>) target(%dma_start3A_228 : memref<10000x64xf32, #tpu.memory_space<vmem_shared>>) offsets(%dma_start3A_225 : memref<128xi32, #tpu.memory_space<vmem>>) semaphore(%run_scoped3A_219 : memref<!tpu.dma_semaphore, #tpu.memory_space<semaphore_mem>>) {add = true}
          %dma_wait3A_229 = arith.constant 0 : i32
          %dma_wait3A_230 = arith.constant 0 : i32
          %dma_wait3A_231 = tpu.memref_slice %arg13[%dma_wait3A_229, %dma_wait3A_230] : memref<256x64xf32, #tpu.memory_space<vmem>> -> memref<128x64xf32, #tpu.memory_space<vmem>>
          %dma_wait3A_232 = arith.constant 0 : i32
          %dma_wait3A_233 = tpu.memref_slice %arg17[%run_scoped3A_206, %dma_wait3A_232] : memref<2x128xi32, #tpu.memory_space<vmem>> -> memref<1x128xi32, #tpu.memory_space<vmem>>
          %dma_wait3A_234 = tpu.memref_squeeze %dma_wait3A_233 : memref<1x128xi32, #tpu.memory_space<vmem>> -> memref<128xi32, #tpu.memory_space<vmem>>
          %dma_wait3A_235 = arith.constant 0 : i32
          %dma_wait3A_236 = arith.constant 0 : i32
          %dma_wait3A_237 = tpu.memref_slice %arg11[%dma_wait3A_235, %dma_wait3A_236] : memref<10000x64xf32, #tpu.memory_space<vmem_shared>> -> memref<10000x64xf32, #tpu.memory_space<vmem_shared>>
          tpu.wait_indirect_dma semaphore(%run_scoped3A_219 : memref<!tpu.dma_semaphore, #tpu.memory_space<semaphore_mem>>) src(%dma_wait3A_231 : memref<128x64xf32, #tpu.memory_space<vmem>>) dst(%dma_wait3A_237 : memref<10000x64xf32, #tpu.memory_space<vmem_shared>>)
          tpu.yield
        }) : () -> ()
        %eq3A_207 = arith.constant 0 : i32
        %eq3A_208 = arith.cmpi eq, %arg0, %eq3A_207 : i32
        %convert_element_type3A_209 = arith.extui %eq3A_208 : i1 to i32
        %cond3A_210 = arith.constant 0 : i32
        %cond3A_211 = arith.cmpi ne, %convert_element_type3A_209, %cond3A_210 : i32
        scf.if %cond3A_211 {
          %run_scoped3A_219 = arith.constant 0 : i32
          "tpu.region"() ({
            %run_scoped3A_220 = tpu.sem_alloc : memref<!tpu.dma_semaphore, #tpu.memory_space<semaphore_mem>>
            %dma_start3A_221 = arith.constant 0 : i32
            %dma_start3A_222 = tpu.memref_slice %arg15[%run_scoped3A_219, %dma_start3A_221] : memref<2x128xi32, #tpu.memory_space<vmem>> -> memref<1x128xi32, #tpu.memory_space<vmem>>
            %dma_start3A_223 = tpu.memref_squeeze %dma_start3A_222 : memref<1x128xi32, #tpu.memory_space<vmem>> -> memref<128xi32, #tpu.memory_space<vmem>>
            %dma_start3A_224 = arith.constant 0 : i32
            %dma_start3A_225 = arith.constant 0 : i32
            %dma_start3A_226 = tpu.memref_slice %arg12[%dma_start3A_224, %dma_start3A_225] : memref<10000x16xf32, #tpu.memory_space<vmem_shared>> -> memref<10000x16xf32, #tpu.memory_space<vmem_shared>>
            tpu.enqueue_indirect_dma source(%arg21 : memref<128x16xf32, #tpu.memory_space<vmem>>) target(%dma_start3A_226 : memref<10000x16xf32, #tpu.memory_space<vmem_shared>>) offsets(%dma_start3A_223 : memref<128xi32, #tpu.memory_space<vmem>>) semaphore(%run_scoped3A_220 : memref<!tpu.dma_semaphore, #tpu.memory_space<semaphore_mem>>) {add = true}
            %dma_wait3A_227 = arith.constant 0 : i32
            %dma_wait3A_228 = tpu.memref_slice %arg15[%run_scoped3A_219, %dma_wait3A_227] : memref<2x128xi32, #tpu.memory_space<vmem>> -> memref<1x128xi32, #tpu.memory_space<vmem>>
            %dma_wait3A_229 = tpu.memref_squeeze %dma_wait3A_228 : memref<1x128xi32, #tpu.memory_space<vmem>> -> memref<128xi32, #tpu.memory_space<vmem>>
            %dma_wait3A_230 = arith.constant 0 : i32
            %dma_wait3A_231 = arith.constant 0 : i32
            %dma_wait3A_232 = tpu.memref_slice %arg12[%dma_wait3A_230, %dma_wait3A_231] : memref<10000x16xf32, #tpu.memory_space<vmem_shared>> -> memref<10000x16xf32, #tpu.memory_space<vmem_shared>>
            tpu.wait_indirect_dma semaphore(%run_scoped3A_220 : memref<!tpu.dma_semaphore, #tpu.memory_space<semaphore_mem>>) src(%arg21 : memref<128x16xf32, #tpu.memory_space<vmem>>) dst(%dma_wait3A_232 : memref<10000x16xf32, #tpu.memory_space<vmem_shared>>)
            tpu.yield
          }) : () -> ()
        } else {
        }
        %run_scoped3A_212 = arith.constant 1 : i32
        "tpu.region"() ({
          %run_scoped3A_219 = tpu.sem_alloc : memref<!tpu.dma_semaphore, #tpu.memory_space<semaphore_mem>>
          %dma_start3A_220 = arith.constant 128 : i32
          %dma_start3A_221 = arith.constant 0 : i32
          %dma_start3A_222 = tpu.memref_slice %arg13[%dma_start3A_220, %dma_start3A_221] : memref<256x64xf32, #tpu.memory_space<vmem>> -> memref<128x64xf32, #tpu.memory_space<vmem>>
          %dma_start3A_223 = arith.constant 0 : i32
          %dma_start3A_224 = tpu.memref_slice %arg15[%run_scoped3A_212, %dma_start3A_223] : memref<2x128xi32, #tpu.memory_space<vmem>> -> memref<1x128xi32, #tpu.memory_space<vmem>>
          %dma_start3A_225 = tpu.memref_squeeze %dma_start3A_224 : memref<1x128xi32, #tpu.memory_space<vmem>> -> memref<128xi32, #tpu.memory_space<vmem>>
          %dma_start3A_226 = arith.constant 0 : i32
          %dma_start3A_227 = arith.constant 0 : i32
          %dma_start3A_228 = tpu.memref_slice %arg10[%dma_start3A_226, %dma_start3A_227] : memref<10000x64xf32, #tpu.memory_space<vmem_shared>> -> memref<10000x64xf32, #tpu.memory_space<vmem_shared>>
          tpu.enqueue_indirect_dma source(%dma_start3A_222 : memref<128x64xf32, #tpu.memory_space<vmem>>) target(%dma_start3A_228 : memref<10000x64xf32, #tpu.memory_space<vmem_shared>>) offsets(%dma_start3A_225 : memref<128xi32, #tpu.memory_space<vmem>>) semaphore(%run_scoped3A_219 : memref<!tpu.dma_semaphore, #tpu.memory_space<semaphore_mem>>) {add = true}
          %dma_wait3A_229 = arith.constant 128 : i32
          %dma_wait3A_230 = arith.constant 0 : i32
          %dma_wait3A_231 = tpu.memref_slice %arg13[%dma_wait3A_229, %dma_wait3A_230] : memref<256x64xf32, #tpu.memory_space<vmem>> -> memref<128x64xf32, #tpu.memory_space<vmem>>
          %dma_wait3A_232 = arith.constant 0 : i32
          %dma_wait3A_233 = tpu.memref_slice %arg15[%run_scoped3A_212, %dma_wait3A_232] : memref<2x128xi32, #tpu.memory_space<vmem>> -> memref<1x128xi32, #tpu.memory_space<vmem>>
          %dma_wait3A_234 = tpu.memref_squeeze %dma_wait3A_233 : memref<1x128xi32, #tpu.memory_space<vmem>> -> memref<128xi32, #tpu.memory_space<vmem>>
          %dma_wait3A_235 = arith.constant 0 : i32
          %dma_wait3A_236 = arith.constant 0 : i32
          %dma_wait3A_237 = tpu.memref_slice %arg10[%dma_wait3A_235, %dma_wait3A_236] : memref<10000x64xf32, #tpu.memory_space<vmem_shared>> -> memref<10000x64xf32, #tpu.memory_space<vmem_shared>>
          tpu.wait_indirect_dma semaphore(%run_scoped3A_219 : memref<!tpu.dma_semaphore, #tpu.memory_space<semaphore_mem>>) src(%dma_wait3A_231 : memref<128x64xf32, #tpu.memory_space<vmem>>) dst(%dma_wait3A_237 : memref<10000x64xf32, #tpu.memory_space<vmem_shared>>)
          tpu.yield
        }) : () -> ()
        %run_scoped3A_213 = arith.constant 1 : i32
        "tpu.region"() ({
          %run_scoped3A_219 = tpu.sem_alloc : memref<!tpu.dma_semaphore, #tpu.memory_space<semaphore_mem>>
          %dma_start3A_220 = arith.constant 128 : i32
          %dma_start3A_221 = arith.constant 0 : i32
          %dma_start3A_222 = tpu.memref_slice %arg13[%dma_start3A_220, %dma_start3A_221] : memref<256x64xf32, #tpu.memory_space<vmem>> -> memref<128x64xf32, #tpu.memory_space<vmem>>
          %dma_start3A_223 = arith.constant 0 : i32
          %dma_start3A_224 = tpu.memref_slice %arg17[%run_scoped3A_213, %dma_start3A_223] : memref<2x128xi32, #tpu.memory_space<vmem>> -> memref<1x128xi32, #tpu.memory_space<vmem>>
          %dma_start3A_225 = tpu.memref_squeeze %dma_start3A_224 : memref<1x128xi32, #tpu.memory_space<vmem>> -> memref<128xi32, #tpu.memory_space<vmem>>
          %dma_start3A_226 = arith.constant 0 : i32
          %dma_start3A_227 = arith.constant 0 : i32
          %dma_start3A_228 = tpu.memref_slice %arg11[%dma_start3A_226, %dma_start3A_227] : memref<10000x64xf32, #tpu.memory_space<vmem_shared>> -> memref<10000x64xf32, #tpu.memory_space<vmem_shared>>
          tpu.enqueue_indirect_dma source(%dma_start3A_222 : memref<128x64xf32, #tpu.memory_space<vmem>>) target(%dma_start3A_228 : memref<10000x64xf32, #tpu.memory_space<vmem_shared>>) offsets(%dma_start3A_225 : memref<128xi32, #tpu.memory_space<vmem>>) semaphore(%run_scoped3A_219 : memref<!tpu.dma_semaphore, #tpu.memory_space<semaphore_mem>>) {add = true}
          %dma_wait3A_229 = arith.constant 128 : i32
          %dma_wait3A_230 = arith.constant 0 : i32
          %dma_wait3A_231 = tpu.memref_slice %arg13[%dma_wait3A_229, %dma_wait3A_230] : memref<256x64xf32, #tpu.memory_space<vmem>> -> memref<128x64xf32, #tpu.memory_space<vmem>>
          %dma_wait3A_232 = arith.constant 0 : i32
          %dma_wait3A_233 = tpu.memref_slice %arg17[%run_scoped3A_213, %dma_wait3A_232] : memref<2x128xi32, #tpu.memory_space<vmem>> -> memref<1x128xi32, #tpu.memory_space<vmem>>
          %dma_wait3A_234 = tpu.memref_squeeze %dma_wait3A_233 : memref<1x128xi32, #tpu.memory_space<vmem>> -> memref<128xi32, #tpu.memory_space<vmem>>
          %dma_wait3A_235 = arith.constant 0 : i32
          %dma_wait3A_236 = arith.constant 0 : i32
          %dma_wait3A_237 = tpu.memref_slice %arg11[%dma_wait3A_235, %dma_wait3A_236] : memref<10000x64xf32, #tpu.memory_space<vmem_shared>> -> memref<10000x64xf32, #tpu.memory_space<vmem_shared>>
          tpu.wait_indirect_dma semaphore(%run_scoped3A_219 : memref<!tpu.dma_semaphore, #tpu.memory_space<semaphore_mem>>) src(%dma_wait3A_231 : memref<128x64xf32, #tpu.memory_space<vmem>>) dst(%dma_wait3A_237 : memref<10000x64xf32, #tpu.memory_space<vmem_shared>>)
          tpu.yield
        }) : () -> ()
        %eq3A_214 = arith.constant 0 : i32
        %eq3A_215 = arith.cmpi eq, %arg0, %eq3A_214 : i32
        %convert_element_type3A_216 = arith.extui %eq3A_215 : i1 to i32
        %cond3A_217 = arith.constant 0 : i32
        %cond3A_218 = arith.cmpi ne, %convert_element_type3A_216, %cond3A_217 : i32
        scf.if %cond3A_218 {
          %run_scoped3A_219 = arith.constant 1 : i32
          "tpu.region"() ({
            %run_scoped3A_220 = tpu.sem_alloc : memref<!tpu.dma_semaphore, #tpu.memory_space<semaphore_mem>>
            %dma_start3A_221 = arith.constant 0 : i32
            %dma_start3A_222 = tpu.memref_slice %arg15[%run_scoped3A_219, %dma_start3A_221] : memref<2x128xi32, #tpu.memory_space<vmem>> -> memref<1x128xi32, #tpu.memory_space<vmem>>
            %dma_start3A_223 = tpu.memref_squeeze %dma_start3A_222 : memref<1x128xi32, #tpu.memory_space<vmem>> -> memref<128xi32, #tpu.memory_space<vmem>>
            %dma_start3A_224 = arith.constant 0 : i32
            %dma_start3A_225 = arith.constant 0 : i32
            %dma_start3A_226 = tpu.memref_slice %arg12[%dma_start3A_224, %dma_start3A_225] : memref<10000x16xf32, #tpu.memory_space<vmem_shared>> -> memref<10000x16xf32, #tpu.memory_space<vmem_shared>>
            tpu.enqueue_indirect_dma source(%arg21 : memref<128x16xf32, #tpu.memory_space<vmem>>) target(%dma_start3A_226 : memref<10000x16xf32, #tpu.memory_space<vmem_shared>>) offsets(%dma_start3A_223 : memref<128xi32, #tpu.memory_space<vmem>>) semaphore(%run_scoped3A_220 : memref<!tpu.dma_semaphore, #tpu.memory_space<semaphore_mem>>) {add = true}
            %dma_wait3A_227 = arith.constant 0 : i32
            %dma_wait3A_228 = tpu.memref_slice %arg15[%run_scoped3A_219, %dma_wait3A_227] : memref<2x128xi32, #tpu.memory_space<vmem>> -> memref<1x128xi32, #tpu.memory_space<vmem>>
            %dma_wait3A_229 = tpu.memref_squeeze %dma_wait3A_228 : memref<1x128xi32, #tpu.memory_space<vmem>> -> memref<128xi32, #tpu.memory_space<vmem>>
            %dma_wait3A_230 = arith.constant 0 : i32
            %dma_wait3A_231 = arith.constant 0 : i32
            %dma_wait3A_232 = tpu.memref_slice %arg12[%dma_wait3A_230, %dma_wait3A_231] : memref<10000x16xf32, #tpu.memory_space<vmem_shared>> -> memref<10000x16xf32, #tpu.memory_space<vmem_shared>>
            tpu.wait_indirect_dma semaphore(%run_scoped3A_220 : memref<!tpu.dma_semaphore, #tpu.memory_space<semaphore_mem>>) src(%arg21 : memref<128x16xf32, #tpu.memory_space<vmem>>) dst(%dma_wait3A_232 : memref<10000x16xf32, #tpu.memory_space<vmem_shared>>)
            tpu.yield
          }) : () -> ()
        } else {
        }
      } else {
      }
      %mul3A_178 = arith.constant 2 : i32
      %mul3A_179 = arith.muli %scan3A_156, %mul3A_178 : i32
      %add3A_180 = arith.constant 1 : i32
      %add3A_181 = arith.addi %mul3A_179, %add3A_180 : i32
      %add3A_182 = arith.constant 1 : i32
      %add3A_183 = arith.addi %add3A_181, %add3A_182 : i32
      %mul3A_184 = arith.constant 16 : i32
      %mul3A_185 = arith.muli %add3A_183, %mul3A_184 : i32
      %add3A_186 = arith.addi %mul3A_185, %arg1 : i32
      %lt3A_187 = arith.constant 2500 : i32
      %lt3A_188 = arith.cmpi slt, %add3A_186, %lt3A_187 : i32
      %convert_element_type3A_189 = arith.extui %lt3A_188 : i1 to i32
      %cond3A_190 = arith.constant 0 : i32
      %cond3A_191 = arith.cmpi ne, %convert_element_type3A_189, %cond3A_190 : i32
      scf.if %cond3A_191 {
        %add3A_200 = arith.constant 1 : i32
        %add3A_201 = arith.addi %add3A_181, %add3A_200 : i32
        %mul3A_202 = arith.constant 16 : i32
        %mul3A_203 = arith.muli %add3A_201, %mul3A_202 : i32
        %add3A_204 = arith.addi %mul3A_203, %arg1 : i32
        %mul3A_205 = arith.constant 256 : i32
        %mul3A_206 = arith.muli %add3A_204, %mul3A_205 : i32
        %dma_start3A_207 = tpu.memref_slice %arg2[%mul3A_206, %mul3A_2] : memref<640000x128xf32, #tpu.memory_space<hbm>> -> memref<256x64xf32, #tpu.memory_space<hbm>>
        %dma_start3A_208 = tpu.memref_slice %arg2[%mul3A_206, %mul3A_2] : memref<640000x128xf32, #tpu.memory_space<hbm>> -> memref<256x64xf32, #tpu.memory_space<hbm>>
        tpu.enqueue_dma source(%dma_start3A_208 : memref<256x64xf32, #tpu.memory_space<hbm>>) target(%arg13 : memref<256x64xf32, #tpu.memory_space<vmem>>) target_semaphore(%arg22 : memref<!tpu.dma_semaphore, #tpu.memory_space<semaphore_mem>>)
        %mul3A_209 = arith.constant 128 : i32
        %mul3A_210 = arith.muli %add3A_204, %mul3A_209 : i32
        %run_scoped3A_211 = arith.constant 0 : i32
        "tpu.region"() ({
          %run_scoped3A_353 = tpu.sem_alloc : memref<!tpu.dma_semaphore, #tpu.memory_space<semaphore_mem>>
          %dma_start3A_354 = tpu.memref_slice %arg3[%run_scoped3A_211, %mul3A_210] : memref<2x320000xi32, #tpu.memory_space<hbm>> -> memref<1x128xi32, #tpu.memory_space<hbm>>
          %dma_start3A_355 = tpu.memref_squeeze %dma_start3A_354 : memref<1x128xi32, #tpu.memory_space<hbm>> -> memref<128xi32, #tpu.memory_space<hbm>>
          %dma_start3A_356 = tpu.memref_slice %arg3[%run_scoped3A_211, %mul3A_210] : memref<2x320000xi32, #tpu.memory_space<hbm>> -> memref<1x128xi32, #tpu.memory_space<hbm>>
          %dma_start3A_357 = tpu.memref_squeeze %dma_start3A_356 : memref<1x128xi32, #tpu.memory_space<hbm>> -> memref<128xi32, #tpu.memory_space<hbm>>
          tpu.enqueue_dma source(%dma_start3A_357 : memref<128xi32, #tpu.memory_space<hbm>>) target(%arg19 : memref<128xi32, #tpu.memory_space<vmem>>) target_semaphore(%run_scoped3A_353 : memref<!tpu.dma_semaphore, #tpu.memory_space<semaphore_mem>>)
          %dma_wait3A = tpu.memref_slice %arg3[%run_scoped3A_211, %mul3A_210] : memref<2x320000xi32, #tpu.memory_space<hbm>> -> memref<1x128xi32, #tpu.memory_space<hbm>>
          %dma_wait3A_358 = tpu.memref_squeeze %dma_wait3A : memref<1x128xi32, #tpu.memory_space<hbm>> -> memref<128xi32, #tpu.memory_space<hbm>>
          %dma_wait3A_359 = tpu.memref_slice %arg3[%run_scoped3A_211, %mul3A_210] : memref<2x320000xi32, #tpu.memory_space<hbm>> -> memref<1x128xi32, #tpu.memory_space<hbm>>
          %dma_wait3A_360 = tpu.memref_squeeze %dma_wait3A_359 : memref<1x128xi32, #tpu.memory_space<hbm>> -> memref<128xi32, #tpu.memory_space<hbm>>
          tpu.wait_dma2 semaphore(%run_scoped3A_353 : memref<!tpu.dma_semaphore, #tpu.memory_space<semaphore_mem>>) src(%dma_wait3A_360 : memref<128xi32, #tpu.memory_space<hbm>>) dst(%arg19 : memref<128xi32, #tpu.memory_space<vmem>>)
          tpu.yield
        }) : () -> ()
        %run_scoped3A_212 = arith.constant 1 : i32
        "tpu.region"() ({
          %run_scoped3A_353 = tpu.sem_alloc : memref<!tpu.dma_semaphore, #tpu.memory_space<semaphore_mem>>
          %dma_start3A_354 = tpu.memref_slice %arg3[%run_scoped3A_212, %mul3A_210] : memref<2x320000xi32, #tpu.memory_space<hbm>> -> memref<1x128xi32, #tpu.memory_space<hbm>>
          %dma_start3A_355 = tpu.memref_squeeze %dma_start3A_354 : memref<1x128xi32, #tpu.memory_space<hbm>> -> memref<128xi32, #tpu.memory_space<hbm>>
          %dma_start3A_356 = tpu.memref_slice %arg3[%run_scoped3A_212, %mul3A_210] : memref<2x320000xi32, #tpu.memory_space<hbm>> -> memref<1x128xi32, #tpu.memory_space<hbm>>
          %dma_start3A_357 = tpu.memref_squeeze %dma_start3A_356 : memref<1x128xi32, #tpu.memory_space<hbm>> -> memref<128xi32, #tpu.memory_space<hbm>>
          tpu.enqueue_dma source(%dma_start3A_357 : memref<128xi32, #tpu.memory_space<hbm>>) target(%arg20 : memref<128xi32, #tpu.memory_space<vmem>>) target_semaphore(%run_scoped3A_353 : memref<!tpu.dma_semaphore, #tpu.memory_space<semaphore_mem>>)
          %dma_wait3A = tpu.memref_slice %arg3[%run_scoped3A_212, %mul3A_210] : memref<2x320000xi32, #tpu.memory_space<hbm>> -> memref<1x128xi32, #tpu.memory_space<hbm>>
          %dma_wait3A_358 = tpu.memref_squeeze %dma_wait3A : memref<1x128xi32, #tpu.memory_space<hbm>> -> memref<128xi32, #tpu.memory_space<hbm>>
          %dma_wait3A_359 = tpu.memref_slice %arg3[%run_scoped3A_212, %mul3A_210] : memref<2x320000xi32, #tpu.memory_space<hbm>> -> memref<1x128xi32, #tpu.memory_space<hbm>>
          %dma_wait3A_360 = tpu.memref_squeeze %dma_wait3A_359 : memref<1x128xi32, #tpu.memory_space<hbm>> -> memref<128xi32, #tpu.memory_space<hbm>>
          tpu.wait_dma2 semaphore(%run_scoped3A_353 : memref<!tpu.dma_semaphore, #tpu.memory_space<semaphore_mem>>) src(%dma_wait3A_360 : memref<128xi32, #tpu.memory_space<hbm>>) dst(%arg20 : memref<128xi32, #tpu.memory_space<vmem>>)
          tpu.yield
        }) : () -> ()
        %mul3A_213 = arith.constant 0 : i32
        %mul3A_214 = vector.broadcast %mul3A_213 : i32 to vector<16xi32>
        %mul3A_215 = arith.muli %iota3A, %mul3A_214 : vector<16xi32>
        %add3A_216 = arith.constant 0 : i32
        %add3A_217 = vector.broadcast %add3A_216 : i32 to vector<16xi32>
        %add3A_218 = arith.addi %mul3A_215, %add3A_217 : vector<16xi32>
        %get3A_219 = arith.constant 0 : index
        %get3A_220 = tpu.vector_load %arg19[%get3A_219] {strides = array<i32>} : memref<128xi32, #tpu.memory_space<vmem>>, vector<16xi32>,
        %get3A_221 = arith.constant 0 : index
        %get3A_222 = tpu.vector_load %arg20[%get3A_221] {strides = array<i32>} : memref<128xi32, #tpu.memory_space<vmem>>, vector<16xi32>,
        %mul3A_223 = arith.constant 2 : i32
        %mul3A_224 = vector.broadcast %mul3A_223 : i32 to vector<16xi32>
        %mul3A_225 = arith.muli %mul3A_224, %iota3A : vector<16xi32>
        %add3A_226 = arith.constant 0 : i32
        %add3A_227 = vector.broadcast %add3A_226 : i32 to vector<16xi32>
        %add3A_228 = arith.addi %add3A_227, %mul3A_225 : vector<16xi32>
        tpu.vector_store_idx %arg15[%add3A_218, %add3A_228], %get3A_220 : memref<2x128xi32, #tpu.memory_space<vmem>>[vector<16xi32>, vector<16xi32>], vector<16xi32>,
        %add3A_229 = arith.constant 1 : i32
        %add3A_230 = vector.broadcast %add3A_229 : i32 to vector<16xi32>
        %add3A_231 = arith.addi %add3A_228, %add3A_230 : vector<16xi32>
        tpu.vector_store_idx %arg15[%add3A_218, %add3A_231], %get3A_222 : memref<2x128xi32, #tpu.memory_space<vmem>>[vector<16xi32>, vector<16xi32>], vector<16xi32>,
        tpu.vector_store_idx %arg17[%add3A_218, %add3A_228], %get3A_222 : memref<2x128xi32, #tpu.memory_space<vmem>>[vector<16xi32>, vector<16xi32>], vector<16xi32>,
        %add3A_232 = arith.constant 1 : i32
        %add3A_233 = vector.broadcast %add3A_232 : i32 to vector<16xi32>
        %add3A_234 = arith.addi %add3A_228, %add3A_233 : vector<16xi32>
        tpu.vector_store_idx %arg17[%add3A_218, %add3A_234], %get3A_220 : memref<2x128xi32, #tpu.memory_space<vmem>>[vector<16xi32>, vector<16xi32>], vector<16xi32>,
        %get3A_235 = arith.constant 16 : index
        %get3A_236 = tpu.vector_load %arg19[%get3A_235] {strides = array<i32>} : memref<128xi32, #tpu.memory_space<vmem>>, vector<16xi32>,
        %get3A_237 = arith.constant 16 : index
        %get3A_238 = tpu.vector_load %arg20[%get3A_237] {strides = array<i32>} : memref<128xi32, #tpu.memory_space<vmem>>, vector<16xi32>,
        %mul3A_239 = arith.constant 2 : i32
        %mul3A_240 = vector.broadcast %mul3A_239 : i32 to vector<16xi32>
        %mul3A_241 = arith.muli %mul3A_240, %iota3A : vector<16xi32>
        %add3A_242 = arith.constant 32 : i32
        %add3A_243 = vector.broadcast %add3A_242 : i32 to vector<16xi32>
        %add3A_244 = arith.addi %add3A_243, %mul3A_241 : vector<16xi32>
        tpu.vector_store_idx %arg15[%add3A_218, %add3A_244], %get3A_236 : memref<2x128xi32, #tpu.memory_space<vmem>>[vector<16xi32>, vector<16xi32>], vector<16xi32>,
        %add3A_245 = arith.constant 1 : i32
        %add3A_246 = vector.broadcast %add3A_245 : i32 to vector<16xi32>
        %add3A_247 = arith.addi %add3A_244, %add3A_246 : vector<16xi32>
        tpu.vector_store_idx %arg15[%add3A_218, %add3A_247], %get3A_238 : memref<2x128xi32, #tpu.memory_space<vmem>>[vector<16xi32>, vector<16xi32>], vector<16xi32>,
        tpu.vector_store_idx %arg17[%add3A_218, %add3A_244], %get3A_238 : memref<2x128xi32, #tpu.memory_space<vmem>>[vector<16xi32>, vector<16xi32>], vector<16xi32>,
        %add3A_248 = arith.constant 1 : i32
        %add3A_249 = vector.broadcast %add3A_248 : i32 to vector<16xi32>
        %add3A_250 = arith.addi %add3A_244, %add3A_249 : vector<16xi32>
        tpu.vector_store_idx %arg17[%add3A_218, %add3A_250], %get3A_236 : memref<2x128xi32, #tpu.memory_space<vmem>>[vector<16xi32>, vector<16xi32>], vector<16xi32>,
        %get3A_251 = arith.constant 32 : index
        %get3A_252 = tpu.vector_load %arg19[%get3A_251] {strides = array<i32>} : memref<128xi32, #tpu.memory_space<vmem>>, vector<16xi32>,
        %get3A_253 = arith.constant 32 : index
        %get3A_254 = tpu.vector_load %arg20[%get3A_253] {strides = array<i32>} : memref<128xi32, #tpu.memory_space<vmem>>, vector<16xi32>,
        %mul3A_255 = arith.constant 2 : i32
        %mul3A_256 = vector.broadcast %mul3A_255 : i32 to vector<16xi32>
        %mul3A_257 = arith.muli %mul3A_256, %iota3A : vector<16xi32>
        %add3A_258 = arith.constant 64 : i32
        %add3A_259 = vector.broadcast %add3A_258 : i32 to vector<16xi32>
        %add3A_260 = arith.addi %add3A_259, %mul3A_257 : vector<16xi32>
        tpu.vector_store_idx %arg15[%add3A_218, %add3A_260], %get3A_252 : memref<2x128xi32, #tpu.memory_space<vmem>>[vector<16xi32>, vector<16xi32>], vector<16xi32>,
        %add3A_261 = arith.constant 1 : i32
        %add3A_262 = vector.broadcast %add3A_261 : i32 to vector<16xi32>
        %add3A_263 = arith.addi %add3A_260, %add3A_262 : vector<16xi32>
        tpu.vector_store_idx %arg15[%add3A_218, %add3A_263], %get3A_254 : memref<2x128xi32, #tpu.memory_space<vmem>>[vector<16xi32>, vector<16xi32>], vector<16xi32>,
        tpu.vector_store_idx %arg17[%add3A_218, %add3A_260], %get3A_254 : memref<2x128xi32, #tpu.memory_space<vmem>>[vector<16xi32>, vector<16xi32>], vector<16xi32>,
        %add3A_264 = arith.constant 1 : i32
        %add3A_265 = vector.broadcast %add3A_264 : i32 to vector<16xi32>
        %add3A_266 = arith.addi %add3A_260, %add3A_265 : vector<16xi32>
        tpu.vector_store_idx %arg17[%add3A_218, %add3A_266], %get3A_252 : memref<2x128xi32, #tpu.memory_space<vmem>>[vector<16xi32>, vector<16xi32>], vector<16xi32>,
        %get3A_267 = arith.constant 48 : index
        %get3A_268 = tpu.vector_load %arg19[%get3A_267] {strides = array<i32>} : memref<128xi32, #tpu.memory_space<vmem>>, vector<16xi32>,
        %get3A_269 = arith.constant 48 : index
        %get3A_270 = tpu.vector_load %arg20[%get3A_269] {strides = array<i32>} : memref<128xi32, #tpu.memory_space<vmem>>, vector<16xi32>,
        %mul3A_271 = arith.constant 2 : i32
        %mul3A_272 = vector.broadcast %mul3A_271 : i32 to vector<16xi32>
        %mul3A_273 = arith.muli %mul3A_272, %iota3A : vector<16xi32>
        %add3A_274 = arith.constant 96 : i32
        %add3A_275 = vector.broadcast %add3A_274 : i32 to vector<16xi32>
        %add3A_276 = arith.addi %add3A_275, %mul3A_273 : vector<16xi32>
        tpu.vector_store_idx %arg15[%add3A_218, %add3A_276], %get3A_268 : memref<2x128xi32, #tpu.memory_space<vmem>>[vector<16xi32>, vector<16xi32>], vector<16xi32>,
        %add3A_277 = arith.constant 1 : i32
        %add3A_278 = vector.broadcast %add3A_277 : i32 to vector<16xi32>
        %add3A_279 = arith.addi %add3A_276, %add3A_278 : vector<16xi32>
        tpu.vector_store_idx %arg15[%add3A_218, %add3A_279], %get3A_270 : memref<2x128xi32, #tpu.memory_space<vmem>>[vector<16xi32>, vector<16xi32>], vector<16xi32>,
        tpu.vector_store_idx %arg17[%add3A_218, %add3A_276], %get3A_270 : memref<2x128xi32, #tpu.memory_space<vmem>>[vector<16xi32>, vector<16xi32>], vector<16xi32>,
        %add3A_280 = arith.constant 1 : i32
        %add3A_281 = vector.broadcast %add3A_280 : i32 to vector<16xi32>
        %add3A_282 = arith.addi %add3A_276, %add3A_281 : vector<16xi32>
        tpu.vector_store_idx %arg17[%add3A_218, %add3A_282], %get3A_268 : memref<2x128xi32, #tpu.memory_space<vmem>>[vector<16xi32>, vector<16xi32>], vector<16xi32>,
        %mul3A_283 = arith.constant 0 : i32
        %mul3A_284 = vector.broadcast %mul3A_283 : i32 to vector<16xi32>
        %mul3A_285 = arith.muli %iota3A, %mul3A_284 : vector<16xi32>
        %add3A_286 = arith.constant 1 : i32
        %add3A_287 = vector.broadcast %add3A_286 : i32 to vector<16xi32>
        %add3A_288 = arith.addi %mul3A_285, %add3A_287 : vector<16xi32>
        %get3A_289 = arith.constant 64 : index
        %get3A_290 = tpu.vector_load %arg19[%get3A_289] {strides = array<i32>} : memref<128xi32, #tpu.memory_space<vmem>>, vector<16xi32>,
        %get3A_291 = arith.constant 64 : index
        %get3A_292 = tpu.vector_load %arg20[%get3A_291] {strides = array<i32>} : memref<128xi32, #tpu.memory_space<vmem>>, vector<16xi32>,
        %mul3A_293 = arith.constant 2 : i32
        %mul3A_294 = vector.broadcast %mul3A_293 : i32 to vector<16xi32>
        %mul3A_295 = arith.muli %mul3A_294, %iota3A : vector<16xi32>
        %add3A_296 = arith.constant 0 : i32
        %add3A_297 = vector.broadcast %add3A_296 : i32 to vector<16xi32>
        %add3A_298 = arith.addi %add3A_297, %mul3A_295 : vector<16xi32>
        tpu.vector_store_idx %arg15[%add3A_288, %add3A_298], %get3A_290 : memref<2x128xi32, #tpu.memory_space<vmem>>[vector<16xi32>, vector<16xi32>], vector<16xi32>,
        %add3A_299 = arith.constant 1 : i32
        %add3A_300 = vector.broadcast %add3A_299 : i32 to vector<16xi32>
        %add3A_301 = arith.addi %add3A_298, %add3A_300 : vector<16xi32>
        tpu.vector_store_idx %arg15[%add3A_288, %add3A_301], %get3A_292 : memref<2x128xi32, #tpu.memory_space<vmem>>[vector<16xi32>, vector<16xi32>], vector<16xi32>,
        tpu.vector_store_idx %arg17[%add3A_288, %add3A_298], %get3A_292 : memref<2x128xi32, #tpu.memory_space<vmem>>[vector<16xi32>, vector<16xi32>], vector<16xi32>,
        %add3A_302 = arith.constant 1 : i32
        %add3A_303 = vector.broadcast %add3A_302 : i32 to vector<16xi32>
        %add3A_304 = arith.addi %add3A_298, %add3A_303 : vector<16xi32>
        tpu.vector_store_idx %arg17[%add3A_288, %add3A_304], %get3A_290 : memref<2x128xi32, #tpu.memory_space<vmem>>[vector<16xi32>, vector<16xi32>], vector<16xi32>,
        %get3A_305 = arith.constant 80 : index
        %get3A_306 = tpu.vector_load %arg19[%get3A_305] {strides = array<i32>} : memref<128xi32, #tpu.memory_space<vmem>>, vector<16xi32>,
        %get3A_307 = arith.constant 80 : index
        %get3A_308 = tpu.vector_load %arg20[%get3A_307] {strides = array<i32>} : memref<128xi32, #tpu.memory_space<vmem>>, vector<16xi32>,
        %mul3A_309 = arith.constant 2 : i32
        %mul3A_310 = vector.broadcast %mul3A_309 : i32 to vector<16xi32>
        %mul3A_311 = arith.muli %mul3A_310, %iota3A : vector<16xi32>
        %add3A_312 = arith.constant 32 : i32
        %add3A_313 = vector.broadcast %add3A_312 : i32 to vector<16xi32>
        %add3A_314 = arith.addi %add3A_313, %mul3A_311 : vector<16xi32>
        tpu.vector_store_idx %arg15[%add3A_288, %add3A_314], %get3A_306 : memref<2x128xi32, #tpu.memory_space<vmem>>[vector<16xi32>, vector<16xi32>], vector<16xi32>,
        %add3A_315 = arith.constant 1 : i32
        %add3A_316 = vector.broadcast %add3A_315 : i32 to vector<16xi32>
        %add3A_317 = arith.addi %add3A_314, %add3A_316 : vector<16xi32>
        tpu.vector_store_idx %arg15[%add3A_288, %add3A_317], %get3A_308 : memref<2x128xi32, #tpu.memory_space<vmem>>[vector<16xi32>, vector<16xi32>], vector<16xi32>,
        tpu.vector_store_idx %arg17[%add3A_288, %add3A_314], %get3A_308 : memref<2x128xi32, #tpu.memory_space<vmem>>[vector<16xi32>, vector<16xi32>], vector<16xi32>,
        %add3A_318 = arith.constant 1 : i32
        %add3A_319 = vector.broadcast %add3A_318 : i32 to vector<16xi32>
        %add3A_320 = arith.addi %add3A_314, %add3A_319 : vector<16xi32>
        tpu.vector_store_idx %arg17[%add3A_288, %add3A_320], %get3A_306 : memref<2x128xi32, #tpu.memory_space<vmem>>[vector<16xi32>, vector<16xi32>], vector<16xi32>,
        %get3A_321 = arith.constant 96 : index
        %get3A_322 = tpu.vector_load %arg19[%get3A_321] {strides = array<i32>} : memref<128xi32, #tpu.memory_space<vmem>>, vector<16xi32>,
        %get3A_323 = arith.constant 96 : index
        %get3A_324 = tpu.vector_load %arg20[%get3A_323] {strides = array<i32>} : memref<128xi32, #tpu.memory_space<vmem>>, vector<16xi32>,
        %mul3A_325 = arith.constant 2 : i32
        %mul3A_326 = vector.broadcast %mul3A_325 : i32 to vector<16xi32>
        %mul3A_327 = arith.muli %mul3A_326, %iota3A : vector<16xi32>
        %add3A_328 = arith.constant 64 : i32
        %add3A_329 = vector.broadcast %add3A_328 : i32 to vector<16xi32>
        %add3A_330 = arith.addi %add3A_329, %mul3A_327 : vector<16xi32>
        tpu.vector_store_idx %arg15[%add3A_288, %add3A_330], %get3A_322 : memref<2x128xi32, #tpu.memory_space<vmem>>[vector<16xi32>, vector<16xi32>], vector<16xi32>,
        %add3A_331 = arith.constant 1 : i32
        %add3A_332 = vector.broadcast %add3A_331 : i32 to vector<16xi32>
        %add3A_333 = arith.addi %add3A_330, %add3A_332 : vector<16xi32>
        tpu.vector_store_idx %arg15[%add3A_288, %add3A_333], %get3A_324 : memref<2x128xi32, #tpu.memory_space<vmem>>[vector<16xi32>, vector<16xi32>], vector<16xi32>,
        tpu.vector_store_idx %arg17[%add3A_288, %add3A_330], %get3A_324 : memref<2x128xi32, #tpu.memory_space<vmem>>[vector<16xi32>, vector<16xi32>], vector<16xi32>,
        %add3A_334 = arith.constant 1 : i32
        %add3A_335 = vector.broadcast %add3A_334 : i32 to vector<16xi32>
        %add3A_336 = arith.addi %add3A_330, %add3A_335 : vector<16xi32>
        tpu.vector_store_idx %arg17[%add3A_288, %add3A_336], %get3A_322 : memref<2x128xi32, #tpu.memory_space<vmem>>[vector<16xi32>, vector<16xi32>], vector<16xi32>,
        %get3A_337 = arith.constant 112 : index
        %get3A_338 = tpu.vector_load %arg19[%get3A_337] {strides = array<i32>} : memref<128xi32, #tpu.memory_space<vmem>>, vector<16xi32>,
        %get3A_339 = arith.constant 112 : index
        %get3A_340 = tpu.vector_load %arg20[%get3A_339] {strides = array<i32>} : memref<128xi32, #tpu.memory_space<vmem>>, vector<16xi32>,
        %mul3A_341 = arith.constant 2 : i32
        %mul3A_342 = vector.broadcast %mul3A_341 : i32 to vector<16xi32>
        %mul3A_343 = arith.muli %mul3A_342, %iota3A : vector<16xi32>
        %add3A_344 = arith.constant 96 : i32
        %add3A_345 = vector.broadcast %add3A_344 : i32 to vector<16xi32>
        %add3A_346 = arith.addi %add3A_345, %mul3A_343 : vector<16xi32>
        tpu.vector_store_idx %arg15[%add3A_288, %add3A_346], %get3A_338 : memref<2x128xi32, #tpu.memory_space<vmem>>[vector<16xi32>, vector<16xi32>], vector<16xi32>,
        %add3A_347 = arith.constant 1 : i32
        %add3A_348 = vector.broadcast %add3A_347 : i32 to vector<16xi32>
        %add3A_349 = arith.addi %add3A_346, %add3A_348 : vector<16xi32>
        tpu.vector_store_idx %arg15[%add3A_288, %add3A_349], %get3A_340 : memref<2x128xi32, #tpu.memory_space<vmem>>[vector<16xi32>, vector<16xi32>], vector<16xi32>,
        tpu.vector_store_idx %arg17[%add3A_288, %add3A_346], %get3A_340 : memref<2x128xi32, #tpu.memory_space<vmem>>[vector<16xi32>, vector<16xi32>], vector<16xi32>,
        %add3A_350 = arith.constant 1 : i32
        %add3A_351 = vector.broadcast %add3A_350 : i32 to vector<16xi32>
        %add3A_352 = arith.addi %add3A_346, %add3A_351 : vector<16xi32>
        tpu.vector_store_idx %arg17[%add3A_288, %add3A_352], %get3A_338 : memref<2x128xi32, #tpu.memory_space<vmem>>[vector<16xi32>, vector<16xi32>], vector<16xi32>,
      } else {
      }
      %mul3A_192 = arith.constant 16 : i32
      %mul3A_193 = arith.muli %add3A_181, %mul3A_192 : i32
      %add3A_194 = arith.addi %mul3A_193, %arg1 : i32
      %lt3A_195 = arith.constant 2500 : i32
      %lt3A_196 = arith.cmpi slt, %add3A_194, %lt3A_195 : i32
      %convert_element_type3A_197 = arith.extui %lt3A_196 : i1 to i32
      %cond3A_198 = arith.constant 0 : i32
      %cond3A_199 = arith.cmpi ne, %convert_element_type3A_197, %cond3A_198 : i32
      scf.if %cond3A_199 {
        %dma_wait3A = arith.constant 0 : i32
        %dma_wait3A_200 = arith.constant 0 : i32
        %dma_wait3A_201 = tpu.memref_slice %arg2[%dma_wait3A, %dma_wait3A_200] : memref<640000x128xf32, #tpu.memory_space<hbm>> -> memref<256x64xf32, #tpu.memory_space<hbm>>
        %dma_wait3A_202 = arith.constant 0 : i32
        %dma_wait3A_203 = arith.constant 0 : i32
        %dma_wait3A_204 = tpu.memref_slice %arg2[%dma_wait3A_202, %dma_wait3A_203] : memref<640000x128xf32, #tpu.memory_space<hbm>> -> memref<256x64xf32, #tpu.memory_space<hbm>>
        tpu.wait_dma2 semaphore(%arg23 : memref<!tpu.dma_semaphore, #tpu.memory_space<semaphore_mem>>) src(%dma_wait3A_204 : memref<256x64xf32, #tpu.memory_space<hbm>>) dst(%arg14 : memref<256x64xf32, #tpu.memory_space<vmem>>)
        %run_scoped3A_205 = arith.constant 0 : i32
        "tpu.region"() ({
          %run_scoped3A_219 = tpu.sem_alloc : memref<!tpu.dma_semaphore, #tpu.memory_space<semaphore_mem>>
          %dma_start3A_220 = arith.constant 0 : i32
          %dma_start3A_221 = arith.constant 0 : i32
          %dma_start3A_222 = tpu.memref_slice %arg14[%dma_start3A_220, %dma_start3A_221] : memref<256x64xf32, #tpu.memory_space<vmem>> -> memref<128x64xf32, #tpu.memory_space<vmem>>
          %dma_start3A_223 = arith.constant 0 : i32
          %dma_start3A_224 = tpu.memref_slice %arg16[%run_scoped3A_205, %dma_start3A_223] : memref<2x128xi32, #tpu.memory_space<vmem>> -> memref<1x128xi32, #tpu.memory_space<vmem>>
          %dma_start3A_225 = tpu.memref_squeeze %dma_start3A_224 : memref<1x128xi32, #tpu.memory_space<vmem>> -> memref<128xi32, #tpu.memory_space<vmem>>
          %dma_start3A_226 = arith.constant 0 : i32
          %dma_start3A_227 = arith.constant 0 : i32
          %dma_start3A_228 = tpu.memref_slice %arg10[%dma_start3A_226, %dma_start3A_227] : memref<10000x64xf32, #tpu.memory_space<vmem_shared>> -> memref<10000x64xf32, #tpu.memory_space<vmem_shared>>
          tpu.enqueue_indirect_dma source(%dma_start3A_222 : memref<128x64xf32, #tpu.memory_space<vmem>>) target(%dma_start3A_228 : memref<10000x64xf32, #tpu.memory_space<vmem_shared>>) offsets(%dma_start3A_225 : memref<128xi32, #tpu.memory_space<vmem>>) semaphore(%run_scoped3A_219 : memref<!tpu.dma_semaphore, #tpu.memory_space<semaphore_mem>>) {add = true}
          %dma_wait3A_229 = arith.constant 0 : i32
          %dma_wait3A_230 = arith.constant 0 : i32
          %dma_wait3A_231 = tpu.memref_slice %arg14[%dma_wait3A_229, %dma_wait3A_230] : memref<256x64xf32, #tpu.memory_space<vmem>> -> memref<128x64xf32, #tpu.memory_space<vmem>>
          %dma_wait3A_232 = arith.constant 0 : i32
          %dma_wait3A_233 = tpu.memref_slice %arg16[%run_scoped3A_205, %dma_wait3A_232] : memref<2x128xi32, #tpu.memory_space<vmem>> -> memref<1x128xi32, #tpu.memory_space<vmem>>
          %dma_wait3A_234 = tpu.memref_squeeze %dma_wait3A_233 : memref<1x128xi32, #tpu.memory_space<vmem>> -> memref<128xi32, #tpu.memory_space<vmem>>
          %dma_wait3A_235 = arith.constant 0 : i32
          %dma_wait3A_236 = arith.constant 0 : i32
          %dma_wait3A_237 = tpu.memref_slice %arg10[%dma_wait3A_235, %dma_wait3A_236] : memref<10000x64xf32, #tpu.memory_space<vmem_shared>> -> memref<10000x64xf32, #tpu.memory_space<vmem_shared>>
          tpu.wait_indirect_dma semaphore(%run_scoped3A_219 : memref<!tpu.dma_semaphore, #tpu.memory_space<semaphore_mem>>) src(%dma_wait3A_231 : memref<128x64xf32, #tpu.memory_space<vmem>>) dst(%dma_wait3A_237 : memref<10000x64xf32, #tpu.memory_space<vmem_shared>>)
          tpu.yield
        }) : () -> ()
        %run_scoped3A_206 = arith.constant 0 : i32
        "tpu.region"() ({
          %run_scoped3A_219 = tpu.sem_alloc : memref<!tpu.dma_semaphore, #tpu.memory_space<semaphore_mem>>
          %dma_start3A_220 = arith.constant 0 : i32
          %dma_start3A_221 = arith.constant 0 : i32
          %dma_start3A_222 = tpu.memref_slice %arg14[%dma_start3A_220, %dma_start3A_221] : memref<256x64xf32, #tpu.memory_space<vmem>> -> memref<128x64xf32, #tpu.memory_space<vmem>>
          %dma_start3A_223 = arith.constant 0 : i32
          %dma_start3A_224 = tpu.memref_slice %arg18[%run_scoped3A_206, %dma_start3A_223] : memref<2x128xi32, #tpu.memory_space<vmem>> -> memref<1x128xi32, #tpu.memory_space<vmem>>
          %dma_start3A_225 = tpu.memref_squeeze %dma_start3A_224 : memref<1x128xi32, #tpu.memory_space<vmem>> -> memref<128xi32, #tpu.memory_space<vmem>>
          %dma_start3A_226 = arith.constant 0 : i32
          %dma_start3A_227 = arith.constant 0 : i32
          %dma_start3A_228 = tpu.memref_slice %arg11[%dma_start3A_226, %dma_start3A_227] : memref<10000x64xf32, #tpu.memory_space<vmem_shared>> -> memref<10000x64xf32, #tpu.memory_space<vmem_shared>>
          tpu.enqueue_indirect_dma source(%dma_start3A_222 : memref<128x64xf32, #tpu.memory_space<vmem>>) target(%dma_start3A_228 : memref<10000x64xf32, #tpu.memory_space<vmem_shared>>) offsets(%dma_start3A_225 : memref<128xi32, #tpu.memory_space<vmem>>) semaphore(%run_scoped3A_219 : memref<!tpu.dma_semaphore, #tpu.memory_space<semaphore_mem>>) {add = true}
          %dma_wait3A_229 = arith.constant 0 : i32
          %dma_wait3A_230 = arith.constant 0 : i32
          %dma_wait3A_231 = tpu.memref_slice %arg14[%dma_wait3A_229, %dma_wait3A_230] : memref<256x64xf32, #tpu.memory_space<vmem>> -> memref<128x64xf32, #tpu.memory_space<vmem>>
          %dma_wait3A_232 = arith.constant 0 : i32
          %dma_wait3A_233 = tpu.memref_slice %arg18[%run_scoped3A_206, %dma_wait3A_232] : memref<2x128xi32, #tpu.memory_space<vmem>> -> memref<1x128xi32, #tpu.memory_space<vmem>>
          %dma_wait3A_234 = tpu.memref_squeeze %dma_wait3A_233 : memref<1x128xi32, #tpu.memory_space<vmem>> -> memref<128xi32, #tpu.memory_space<vmem>>
          %dma_wait3A_235 = arith.constant 0 : i32
          %dma_wait3A_236 = arith.constant 0 : i32
          %dma_wait3A_237 = tpu.memref_slice %arg11[%dma_wait3A_235, %dma_wait3A_236] : memref<10000x64xf32, #tpu.memory_space<vmem_shared>> -> memref<10000x64xf32, #tpu.memory_space<vmem_shared>>
          tpu.wait_indirect_dma semaphore(%run_scoped3A_219 : memref<!tpu.dma_semaphore, #tpu.memory_space<semaphore_mem>>) src(%dma_wait3A_231 : memref<128x64xf32, #tpu.memory_space<vmem>>) dst(%dma_wait3A_237 : memref<10000x64xf32, #tpu.memory_space<vmem_shared>>)
          tpu.yield
        }) : () -> ()
        %eq3A_207 = arith.constant 0 : i32
        %eq3A_208 = arith.cmpi eq, %arg0, %eq3A_207 : i32
        %convert_element_type3A_209 = arith.extui %eq3A_208 : i1 to i32
        %cond3A_210 = arith.constant 0 : i32
        %cond3A_211 = arith.cmpi ne, %convert_element_type3A_209, %cond3A_210 : i32
        scf.if %cond3A_211 {
          %run_scoped3A_219 = arith.constant 0 : i32
          "tpu.region"() ({
            %run_scoped3A_220 = tpu.sem_alloc : memref<!tpu.dma_semaphore, #tpu.memory_space<semaphore_mem>>
            %dma_start3A_221 = arith.constant 0 : i32
            %dma_start3A_222 = tpu.memref_slice %arg16[%run_scoped3A_219, %dma_start3A_221] : memref<2x128xi32, #tpu.memory_space<vmem>> -> memref<1x128xi32, #tpu.memory_space<vmem>>
            %dma_start3A_223 = tpu.memref_squeeze %dma_start3A_222 : memref<1x128xi32, #tpu.memory_space<vmem>> -> memref<128xi32, #tpu.memory_space<vmem>>
            %dma_start3A_224 = arith.constant 0 : i32
            %dma_start3A_225 = arith.constant 0 : i32
            %dma_start3A_226 = tpu.memref_slice %arg12[%dma_start3A_224, %dma_start3A_225] : memref<10000x16xf32, #tpu.memory_space<vmem_shared>> -> memref<10000x16xf32, #tpu.memory_space<vmem_shared>>
            tpu.enqueue_indirect_dma source(%arg21 : memref<128x16xf32, #tpu.memory_space<vmem>>) target(%dma_start3A_226 : memref<10000x16xf32, #tpu.memory_space<vmem_shared>>) offsets(%dma_start3A_223 : memref<128xi32, #tpu.memory_space<vmem>>) semaphore(%run_scoped3A_220 : memref<!tpu.dma_semaphore, #tpu.memory_space<semaphore_mem>>) {add = true}
            %dma_wait3A_227 = arith.constant 0 : i32
            %dma_wait3A_228 = tpu.memref_slice %arg16[%run_scoped3A_219, %dma_wait3A_227] : memref<2x128xi32, #tpu.memory_space<vmem>> -> memref<1x128xi32, #tpu.memory_space<vmem>>
            %dma_wait3A_229 = tpu.memref_squeeze %dma_wait3A_228 : memref<1x128xi32, #tpu.memory_space<vmem>> -> memref<128xi32, #tpu.memory_space<vmem>>
            %dma_wait3A_230 = arith.constant 0 : i32
            %dma_wait3A_231 = arith.constant 0 : i32
            %dma_wait3A_232 = tpu.memref_slice %arg12[%dma_wait3A_230, %dma_wait3A_231] : memref<10000x16xf32, #tpu.memory_space<vmem_shared>> -> memref<10000x16xf32, #tpu.memory_space<vmem_shared>>
            tpu.wait_indirect_dma semaphore(%run_scoped3A_220 : memref<!tpu.dma_semaphore, #tpu.memory_space<semaphore_mem>>) src(%arg21 : memref<128x16xf32, #tpu.memory_space<vmem>>) dst(%dma_wait3A_232 : memref<10000x16xf32, #tpu.memory_space<vmem_shared>>)
            tpu.yield
          }) : () -> ()
        } else {
        }
        %run_scoped3A_212 = arith.constant 1 : i32
        "tpu.region"() ({
          %run_scoped3A_219 = tpu.sem_alloc : memref<!tpu.dma_semaphore, #tpu.memory_space<semaphore_mem>>
          %dma_start3A_220 = arith.constant 128 : i32
          %dma_start3A_221 = arith.constant 0 : i32
          %dma_start3A_222 = tpu.memref_slice %arg14[%dma_start3A_220, %dma_start3A_221] : memref<256x64xf32, #tpu.memory_space<vmem>> -> memref<128x64xf32, #tpu.memory_space<vmem>>
          %dma_start3A_223 = arith.constant 0 : i32
          %dma_start3A_224 = tpu.memref_slice %arg16[%run_scoped3A_212, %dma_start3A_223] : memref<2x128xi32, #tpu.memory_space<vmem>> -> memref<1x128xi32, #tpu.memory_space<vmem>>
          %dma_start3A_225 = tpu.memref_squeeze %dma_start3A_224 : memref<1x128xi32, #tpu.memory_space<vmem>> -> memref<128xi32, #tpu.memory_space<vmem>>
          %dma_start3A_226 = arith.constant 0 : i32
          %dma_start3A_227 = arith.constant 0 : i32
          %dma_start3A_228 = tpu.memref_slice %arg10[%dma_start3A_226, %dma_start3A_227] : memref<10000x64xf32, #tpu.memory_space<vmem_shared>> -> memref<10000x64xf32, #tpu.memory_space<vmem_shared>>
          tpu.enqueue_indirect_dma source(%dma_start3A_222 : memref<128x64xf32, #tpu.memory_space<vmem>>) target(%dma_start3A_228 : memref<10000x64xf32, #tpu.memory_space<vmem_shared>>) offsets(%dma_start3A_225 : memref<128xi32, #tpu.memory_space<vmem>>) semaphore(%run_scoped3A_219 : memref<!tpu.dma_semaphore, #tpu.memory_space<semaphore_mem>>) {add = true}
          %dma_wait3A_229 = arith.constant 128 : i32
          %dma_wait3A_230 = arith.constant 0 : i32
          %dma_wait3A_231 = tpu.memref_slice %arg14[%dma_wait3A_229, %dma_wait3A_230] : memref<256x64xf32, #tpu.memory_space<vmem>> -> memref<128x64xf32, #tpu.memory_space<vmem>>
          %dma_wait3A_232 = arith.constant 0 : i32
          %dma_wait3A_233 = tpu.memref_slice %arg16[%run_scoped3A_212, %dma_wait3A_232] : memref<2x128xi32, #tpu.memory_space<vmem>> -> memref<1x128xi32, #tpu.memory_space<vmem>>
          %dma_wait3A_234 = tpu.memref_squeeze %dma_wait3A_233 : memref<1x128xi32, #tpu.memory_space<vmem>> -> memref<128xi32, #tpu.memory_space<vmem>>
          %dma_wait3A_235 = arith.constant 0 : i32
          %dma_wait3A_236 = arith.constant 0 : i32
          %dma_wait3A_237 = tpu.memref_slice %arg10[%dma_wait3A_235, %dma_wait3A_236] : memref<10000x64xf32, #tpu.memory_space<vmem_shared>> -> memref<10000x64xf32, #tpu.memory_space<vmem_shared>>
          tpu.wait_indirect_dma semaphore(%run_scoped3A_219 : memref<!tpu.dma_semaphore, #tpu.memory_space<semaphore_mem>>) src(%dma_wait3A_231 : memref<128x64xf32, #tpu.memory_space<vmem>>) dst(%dma_wait3A_237 : memref<10000x64xf32, #tpu.memory_space<vmem_shared>>)
          tpu.yield
        }) : () -> ()
        %run_scoped3A_213 = arith.constant 1 : i32
        "tpu.region"() ({
          %run_scoped3A_219 = tpu.sem_alloc : memref<!tpu.dma_semaphore, #tpu.memory_space<semaphore_mem>>
          %dma_start3A_220 = arith.constant 128 : i32
          %dma_start3A_221 = arith.constant 0 : i32
          %dma_start3A_222 = tpu.memref_slice %arg14[%dma_start3A_220, %dma_start3A_221] : memref<256x64xf32, #tpu.memory_space<vmem>> -> memref<128x64xf32, #tpu.memory_space<vmem>>
          %dma_start3A_223 = arith.constant 0 : i32
          %dma_start3A_224 = tpu.memref_slice %arg18[%run_scoped3A_213, %dma_start3A_223] : memref<2x128xi32, #tpu.memory_space<vmem>> -> memref<1x128xi32, #tpu.memory_space<vmem>>
          %dma_start3A_225 = tpu.memref_squeeze %dma_start3A_224 : memref<1x128xi32, #tpu.memory_space<vmem>> -> memref<128xi32, #tpu.memory_space<vmem>>
          %dma_start3A_226 = arith.constant 0 : i32
          %dma_start3A_227 = arith.constant 0 : i32
          %dma_start3A_228 = tpu.memref_slice %arg11[%dma_start3A_226, %dma_start3A_227] : memref<10000x64xf32, #tpu.memory_space<vmem_shared>> -> memref<10000x64xf32, #tpu.memory_space<vmem_shared>>
          tpu.enqueue_indirect_dma source(%dma_start3A_222 : memref<128x64xf32, #tpu.memory_space<vmem>>) target(%dma_start3A_228 : memref<10000x64xf32, #tpu.memory_space<vmem_shared>>) offsets(%dma_start3A_225 : memref<128xi32, #tpu.memory_space<vmem>>) semaphore(%run_scoped3A_219 : memref<!tpu.dma_semaphore, #tpu.memory_space<semaphore_mem>>) {add = true}
          %dma_wait3A_229 = arith.constant 128 : i32
          %dma_wait3A_230 = arith.constant 0 : i32
          %dma_wait3A_231 = tpu.memref_slice %arg14[%dma_wait3A_229, %dma_wait3A_230] : memref<256x64xf32, #tpu.memory_space<vmem>> -> memref<128x64xf32, #tpu.memory_space<vmem>>
          %dma_wait3A_232 = arith.constant 0 : i32
          %dma_wait3A_233 = tpu.memref_slice %arg18[%run_scoped3A_213, %dma_wait3A_232] : memref<2x128xi32, #tpu.memory_space<vmem>> -> memref<1x128xi32, #tpu.memory_space<vmem>>
          %dma_wait3A_234 = tpu.memref_squeeze %dma_wait3A_233 : memref<1x128xi32, #tpu.memory_space<vmem>> -> memref<128xi32, #tpu.memory_space<vmem>>
          %dma_wait3A_235 = arith.constant 0 : i32
          %dma_wait3A_236 = arith.constant 0 : i32
          %dma_wait3A_237 = tpu.memref_slice %arg11[%dma_wait3A_235, %dma_wait3A_236] : memref<10000x64xf32, #tpu.memory_space<vmem_shared>> -> memref<10000x64xf32, #tpu.memory_space<vmem_shared>>
          tpu.wait_indirect_dma semaphore(%run_scoped3A_219 : memref<!tpu.dma_semaphore, #tpu.memory_space<semaphore_mem>>) src(%dma_wait3A_231 : memref<128x64xf32, #tpu.memory_space<vmem>>) dst(%dma_wait3A_237 : memref<10000x64xf32, #tpu.memory_space<vmem_shared>>)
          tpu.yield
        }) : () -> ()
        %eq3A_214 = arith.constant 0 : i32
        %eq3A_215 = arith.cmpi eq, %arg0, %eq3A_214 : i32
        %convert_element_type3A_216 = arith.extui %eq3A_215 : i1 to i32
        %cond3A_217 = arith.constant 0 : i32
        %cond3A_218 = arith.cmpi ne, %convert_element_type3A_216, %cond3A_217 : i32
        scf.if %cond3A_218 {
          %run_scoped3A_219 = arith.constant 1 : i32
          "tpu.region"() ({
            %run_scoped3A_220 = tpu.sem_alloc : memref<!tpu.dma_semaphore, #tpu.memory_space<semaphore_mem>>
            %dma_start3A_221 = arith.constant 0 : i32
            %dma_start3A_222 = tpu.memref_slice %arg16[%run_scoped3A_219, %dma_start3A_221] : memref<2x128xi32, #tpu.memory_space<vmem>> -> memref<1x128xi32, #tpu.memory_space<vmem>>
            %dma_start3A_223 = tpu.memref_squeeze %dma_start3A_222 : memref<1x128xi32, #tpu.memory_space<vmem>> -> memref<128xi32, #tpu.memory_space<vmem>>
            %dma_start3A_224 = arith.constant 0 : i32
            %dma_start3A_225 = arith.constant 0 : i32
            %dma_start3A_226 = tpu.memref_slice %arg12[%dma_start3A_224, %dma_start3A_225] : memref<10000x16xf32, #tpu.memory_space<vmem_shared>> -> memref<10000x16xf32, #tpu.memory_space<vmem_shared>>
            tpu.enqueue_indirect_dma source(%arg21 : memref<128x16xf32, #tpu.memory_space<vmem>>) target(%dma_start3A_226 : memref<10000x16xf32, #tpu.memory_space<vmem_shared>>) offsets(%dma_start3A_223 : memref<128xi32, #tpu.memory_space<vmem>>) semaphore(%run_scoped3A_220 : memref<!tpu.dma_semaphore, #tpu.memory_space<semaphore_mem>>) {add = true}
            %dma_wait3A_227 = arith.constant 0 : i32
            %dma_wait3A_228 = tpu.memref_slice %arg16[%run_scoped3A_219, %dma_wait3A_227] : memref<2x128xi32, #tpu.memory_space<vmem>> -> memref<1x128xi32, #tpu.memory_space<vmem>>
            %dma_wait3A_229 = tpu.memref_squeeze %dma_wait3A_228 : memref<1x128xi32, #tpu.memory_space<vmem>> -> memref<128xi32, #tpu.memory_space<vmem>>
            %dma_wait3A_230 = arith.constant 0 : i32
            %dma_wait3A_231 = arith.constant 0 : i32
            %dma_wait3A_232 = tpu.memref_slice %arg12[%dma_wait3A_230, %dma_wait3A_231] : memref<10000x16xf32, #tpu.memory_space<vmem_shared>> -> memref<10000x16xf32, #tpu.memory_space<vmem_shared>>
            tpu.wait_indirect_dma semaphore(%run_scoped3A_220 : memref<!tpu.dma_semaphore, #tpu.memory_space<semaphore_mem>>) src(%arg21 : memref<128x16xf32, #tpu.memory_space<vmem>>) dst(%dma_wait3A_232 : memref<10000x16xf32, #tpu.memory_space<vmem_shared>>)
            tpu.yield
          }) : () -> ()
        } else {
        }
      } else {
      }
    }
    %scan3A_152 = arith.constant 79 : i32
    %barrier3A_153 = arith.constant 0 : index
    tpu.barrier barrier_id(%barrier3A_153)
    "tpu.region"() ({
      %run_scoped3A_156 = tpu.sem_alloc : memref<!tpu.dma_semaphore, #tpu.memory_space<semaphore_mem>>
      %dma_start3A_157 = tpu.memref_slice %arg7[%mul3A_0, %mul3A_2] : memref<10000x128xf32, #tpu.memory_space<hbm>> -> memref<625x64xf32, #tpu.memory_space<hbm>>
      %dma_start3A_158 = arith.constant 0 : i32
      %dma_start3A_159 = tpu.memref_slice %arg10[%mul3A_0, %dma_start3A_158] : memref<10000x64xf32, #tpu.memory_space<vmem_shared>> -> memref<625x64xf32, #tpu.memory_space<vmem_shared>>
      tpu.enqueue_dma source(%dma_start3A_159 : memref<625x64xf32, #tpu.memory_space<vmem_shared>>) target(%dma_start3A_157 : memref<625x64xf32, #tpu.memory_space<hbm>>) target_semaphore(%run_scoped3A_156 : memref<!tpu.dma_semaphore, #tpu.memory_space<semaphore_mem>>)
      %dma_wait3A = tpu.memref_slice %arg7[%mul3A_0, %mul3A_2] : memref<10000x128xf32, #tpu.memory_space<hbm>> -> memref<625x64xf32, #tpu.memory_space<hbm>>
      %dma_wait3A_160 = arith.constant 0 : i32
      %dma_wait3A_161 = tpu.memref_slice %arg10[%mul3A_0, %dma_wait3A_160] : memref<10000x64xf32, #tpu.memory_space<vmem_shared>> -> memref<625x64xf32, #tpu.memory_space<vmem_shared>>
      tpu.wait_dma2 semaphore(%run_scoped3A_156 : memref<!tpu.dma_semaphore, #tpu.memory_space<semaphore_mem>>) src(%dma_wait3A_161 : memref<625x64xf32, #tpu.memory_space<vmem_shared>>) dst(%dma_wait3A : memref<625x64xf32, #tpu.memory_space<hbm>>)
      tpu.yield
    }) : () -> ()
    "tpu.region"() ({
      %run_scoped3A_156 = tpu.sem_alloc : memref<!tpu.dma_semaphore, #tpu.memory_space<semaphore_mem>>
      %dma_start3A_157 = tpu.memref_slice %arg8[%mul3A_0, %mul3A_2] : memref<10000x128xf32, #tpu.memory_space<hbm>> -> memref<625x64xf32, #tpu.memory_space<hbm>>
      %dma_start3A_158 = arith.constant 0 : i32
      %dma_start3A_159 = tpu.memref_slice %arg11[%mul3A_0, %dma_start3A_158] : memref<10000x64xf32, #tpu.memory_space<vmem_shared>> -> memref<625x64xf32, #tpu.memory_space<vmem_shared>>
      tpu.enqueue_dma source(%dma_start3A_159 : memref<625x64xf32, #tpu.memory_space<vmem_shared>>) target(%dma_start3A_157 : memref<625x64xf32, #tpu.memory_space<hbm>>) target_semaphore(%run_scoped3A_156 : memref<!tpu.dma_semaphore, #tpu.memory_space<semaphore_mem>>)
      %dma_wait3A = tpu.memref_slice %arg8[%mul3A_0, %mul3A_2] : memref<10000x128xf32, #tpu.memory_space<hbm>> -> memref<625x64xf32, #tpu.memory_space<hbm>>
      %dma_wait3A_160 = arith.constant 0 : i32
      %dma_wait3A_161 = tpu.memref_slice %arg11[%mul3A_0, %dma_wait3A_160] : memref<10000x64xf32, #tpu.memory_space<vmem_shared>> -> memref<625x64xf32, #tpu.memory_space<vmem_shared>>
      tpu.wait_dma2 semaphore(%run_scoped3A_156 : memref<!tpu.dma_semaphore, #tpu.memory_space<semaphore_mem>>) src(%dma_wait3A_161 : memref<625x64xf32, #tpu.memory_space<vmem_shared>>) dst(%dma_wait3A : memref<625x64xf32, #tpu.memory_space<hbm>>)
      tpu.yield
    }) : () -> ()
    %eq3A = arith.constant 0 : i32
    %eq3A_154 = arith.cmpi eq, %arg0, %eq3A : i32
    %convert_element_type3A = arith.extui %eq3A_154 : i1 to i32
    %cond3A = arith.constant 0 : i32
    %cond3A_155 = arith.cmpi ne, %convert_element_type3A, %cond3A : i32
    scf.if %cond3A_155 {
      "tpu.region"() ({
        %run_scoped3A_156 = tpu.sem_alloc : memref<!tpu.dma_semaphore, #tpu.memory_space<semaphore_mem>>
        %dma_start3A_157 = arith.constant 0 : i32
        %dma_start3A_158 = tpu.memref_slice %arg9[%mul3A_0, %dma_start3A_157] : memref<10000x16xf32, #tpu.memory_space<hbm>> -> memref<625x16xf32, #tpu.memory_space<hbm>>
        %dma_start3A_159 = arith.constant 0 : i32
        %dma_start3A_160 = tpu.memref_slice %arg12[%mul3A_0, %dma_start3A_159] : memref<10000x16xf32, #tpu.memory_space<vmem_shared>> -> memref<625x16xf32, #tpu.memory_space<vmem_shared>>
        tpu.enqueue_dma source(%dma_start3A_160 : memref<625x16xf32, #tpu.memory_space<vmem_shared>>) target(%dma_start3A_158 : memref<625x16xf32, #tpu.memory_space<hbm>>) target_semaphore(%run_scoped3A_156 : memref<!tpu.dma_semaphore, #tpu.memory_space<semaphore_mem>>)
        %dma_wait3A = arith.constant 0 : i32
        %dma_wait3A_161 = tpu.memref_slice %arg9[%mul3A_0, %dma_wait3A] : memref<10000x16xf32, #tpu.memory_space<hbm>> -> memref<625x16xf32, #tpu.memory_space<hbm>>
        %dma_wait3A_162 = arith.constant 0 : i32
        %dma_wait3A_163 = tpu.memref_slice %arg12[%mul3A_0, %dma_wait3A_162] : memref<10000x16xf32, #tpu.memory_space<vmem_shared>> -> memref<625x16xf32, #tpu.memory_space<vmem_shared>>
        tpu.wait_dma2 semaphore(%run_scoped3A_156 : memref<!tpu.dma_semaphore, #tpu.memory_space<semaphore_mem>>) src(%dma_wait3A_163 : memref<625x16xf32, #tpu.memory_space<vmem_shared>>) dst(%dma_wait3A_161 : memref<625x16xf32, #tpu.memory_space<hbm>>)
        tpu.yield
      }) : () -> ()
    } else {
    }
    return
  }
}

#map = affine_map<(d0, d1) -> (0, 0)>
module attributes {stable_mosaic.version = 14 : i64} {
  func.func @_sc_gather_body(%arg0: i32, %arg1: i32, %arg2: memref<10000x256xbf16, #tpu.memory_space<hbm>>, %arg3: memref<10000x256xbf16, #tpu.memory_space<hbm>>, %arg4: memref<2x320000xi32, #tpu.memory_space<hbm>>, %arg5: memref<640000x256xbf16, #tpu.memory_space<hbm>>, %arg6: memref<128x256xbf16, #tpu.memory_space<vmem>>, %arg7: memref<128x256xbf16, #tpu.memory_space<vmem>>, %arg8: memref<128x256xbf16, #tpu.memory_space<vmem>>, %arg9: memref<128x256xbf16, #tpu.memory_space<vmem>>, %arg10: memref<128xi32, #tpu.memory_space<vmem>>, %arg11: memref<128xi32, #tpu.memory_space<vmem>>, %arg12: memref<128xi32, #tpu.memory_space<vmem>>, %arg13: memref<128xi32, #tpu.memory_space<vmem>>, %arg14: memref<64xi32, #tpu.memory_space<vmem>>, %arg15: memref<64xi32, #tpu.memory_space<vmem>>, %arg16: memref<!tpu.dma_semaphore, #tpu.memory_space<semaphore_mem>>, %arg17: memref<!tpu.dma_semaphore, #tpu.memory_space<semaphore_mem>>) attributes {dimension_semantics = [#tpu.dimension_semantics<core_parallel>, #tpu.dimension_semantics<subcore_parallel>], iteration_bounds = array<i64: 2, 16>, scalar_prefetch = 0 : i64, scratch_operands = 12 : i64, tpu.core_type = #tpu.core_type<sc_vector_subcore>, window_params = [{transform_indices = #map}, {transform_indices = #map}, {transform_indices = #map}, {transform_indices = #map}]} {
    %mul3A = arith.constant 2 : i32
    %mul3A_0 = arith.muli %arg1, %mul3A : i32
    %add3A = arith.addi %mul3A_0, %arg0 : i32
    %iota3A = tpu.iota {dimensions = array<i32: 0>} : vector<16xi32>
    %add3A_1 = arith.constant 0 : i32
    %add3A_2 = arith.addi %add3A_1, %add3A : i32
    %mul3A_3 = arith.constant 64 : i32
    %mul3A_4 = arith.muli %add3A_2, %mul3A_3 : i32
    %run_scoped3A = arith.constant 0 : i32
    "tpu.region"() ({
      %run_scoped3A_78 = tpu.sem_alloc : memref<!tpu.dma_semaphore, #tpu.memory_space<semaphore_mem>>
      %dma_start3A_79 = tpu.memref_slice %arg4[%run_scoped3A, %mul3A_4] : memref<2x320000xi32, #tpu.memory_space<hbm>> -> memref<1x64xi32, #tpu.memory_space<hbm>>
      %dma_start3A_80 = tpu.memref_squeeze %dma_start3A_79 : memref<1x64xi32, #tpu.memory_space<hbm>> -> memref<64xi32, #tpu.memory_space<hbm>>
      %dma_start3A_81 = tpu.memref_slice %arg4[%run_scoped3A, %mul3A_4] : memref<2x320000xi32, #tpu.memory_space<hbm>> -> memref<1x64xi32, #tpu.memory_space<hbm>>
      %dma_start3A_82 = tpu.memref_squeeze %dma_start3A_81 : memref<1x64xi32, #tpu.memory_space<hbm>> -> memref<64xi32, #tpu.memory_space<hbm>>
      tpu.enqueue_dma source(%dma_start3A_82 : memref<64xi32, #tpu.memory_space<hbm>>) target(%arg14 : memref<64xi32, #tpu.memory_space<vmem>>) target_semaphore(%run_scoped3A_78 : memref<!tpu.dma_semaphore, #tpu.memory_space<semaphore_mem>>)
      %dma_wait3A = tpu.memref_slice %arg4[%run_scoped3A, %mul3A_4] : memref<2x320000xi32, #tpu.memory_space<hbm>> -> memref<1x64xi32, #tpu.memory_space<hbm>>
      %dma_wait3A_83 = tpu.memref_squeeze %dma_wait3A : memref<1x64xi32, #tpu.memory_space<hbm>> -> memref<64xi32, #tpu.memory_space<hbm>>
      %dma_wait3A_84 = tpu.memref_slice %arg4[%run_scoped3A, %mul3A_4] : memref<2x320000xi32, #tpu.memory_space<hbm>> -> memref<1x64xi32, #tpu.memory_space<hbm>>
      %dma_wait3A_85 = tpu.memref_squeeze %dma_wait3A_84 : memref<1x64xi32, #tpu.memory_space<hbm>> -> memref<64xi32, #tpu.memory_space<hbm>>
      tpu.wait_dma2 semaphore(%run_scoped3A_78 : memref<!tpu.dma_semaphore, #tpu.memory_space<semaphore_mem>>) src(%dma_wait3A_85 : memref<64xi32, #tpu.memory_space<hbm>>) dst(%arg14 : memref<64xi32, #tpu.memory_space<vmem>>)
      tpu.yield
    }) : () -> ()
    %run_scoped3A_5 = arith.constant 1 : i32
    "tpu.region"() ({
      %run_scoped3A_78 = tpu.sem_alloc : memref<!tpu.dma_semaphore, #tpu.memory_space<semaphore_mem>>
      %dma_start3A_79 = tpu.memref_slice %arg4[%run_scoped3A_5, %mul3A_4] : memref<2x320000xi32, #tpu.memory_space<hbm>> -> memref<1x64xi32, #tpu.memory_space<hbm>>
      %dma_start3A_80 = tpu.memref_squeeze %dma_start3A_79 : memref<1x64xi32, #tpu.memory_space<hbm>> -> memref<64xi32, #tpu.memory_space<hbm>>
      %dma_start3A_81 = tpu.memref_slice %arg4[%run_scoped3A_5, %mul3A_4] : memref<2x320000xi32, #tpu.memory_space<hbm>> -> memref<1x64xi32, #tpu.memory_space<hbm>>
      %dma_start3A_82 = tpu.memref_squeeze %dma_start3A_81 : memref<1x64xi32, #tpu.memory_space<hbm>> -> memref<64xi32, #tpu.memory_space<hbm>>
      tpu.enqueue_dma source(%dma_start3A_82 : memref<64xi32, #tpu.memory_space<hbm>>) target(%arg15 : memref<64xi32, #tpu.memory_space<vmem>>) target_semaphore(%run_scoped3A_78 : memref<!tpu.dma_semaphore, #tpu.memory_space<semaphore_mem>>)
      %dma_wait3A = tpu.memref_slice %arg4[%run_scoped3A_5, %mul3A_4] : memref<2x320000xi32, #tpu.memory_space<hbm>> -> memref<1x64xi32, #tpu.memory_space<hbm>>
      %dma_wait3A_83 = tpu.memref_squeeze %dma_wait3A : memref<1x64xi32, #tpu.memory_space<hbm>> -> memref<64xi32, #tpu.memory_space<hbm>>
      %dma_wait3A_84 = tpu.memref_slice %arg4[%run_scoped3A_5, %mul3A_4] : memref<2x320000xi32, #tpu.memory_space<hbm>> -> memref<1x64xi32, #tpu.memory_space<hbm>>
      %dma_wait3A_85 = tpu.memref_squeeze %dma_wait3A_84 : memref<1x64xi32, #tpu.memory_space<hbm>> -> memref<64xi32, #tpu.memory_space<hbm>>
      tpu.wait_dma2 semaphore(%run_scoped3A_78 : memref<!tpu.dma_semaphore, #tpu.memory_space<semaphore_mem>>) src(%dma_wait3A_85 : memref<64xi32, #tpu.memory_space<hbm>>) dst(%arg15 : memref<64xi32, #tpu.memory_space<vmem>>)
      tpu.yield
    }) : () -> ()
    %get3A = arith.constant 0 : index
    %get3A_6 = tpu.vector_load %arg14[%get3A] {strides = array<i32>} : memref<64xi32, #tpu.memory_space<vmem>>, vector<16xi32>,
    %get3A_7 = arith.constant 0 : index
    %get3A_8 = tpu.vector_load %arg15[%get3A_7] {strides = array<i32>} : memref<64xi32, #tpu.memory_space<vmem>>, vector<16xi32>,
    %mul3A_9 = arith.constant 2 : i32
    %mul3A_10 = vector.broadcast %mul3A_9 : i32 to vector<16xi32>
    %mul3A_11 = arith.muli %mul3A_10, %iota3A : vector<16xi32>
    %add3A_12 = arith.constant 0 : i32
    %add3A_13 = vector.broadcast %add3A_12 : i32 to vector<16xi32>
    %add3A_14 = arith.addi %add3A_13, %mul3A_11 : vector<16xi32>
    tpu.vector_store_idx %arg10[%add3A_14], %get3A_6 : memref<128xi32, #tpu.memory_space<vmem>>[vector<16xi32>], vector<16xi32>,
    %add3A_15 = arith.constant 1 : i32
    %add3A_16 = vector.broadcast %add3A_15 : i32 to vector<16xi32>
    %add3A_17 = arith.addi %add3A_14, %add3A_16 : vector<16xi32>
    tpu.vector_store_idx %arg10[%add3A_17], %get3A_8 : memref<128xi32, #tpu.memory_space<vmem>>[vector<16xi32>], vector<16xi32>,
    tpu.vector_store_idx %arg11[%add3A_14], %get3A_8 : memref<128xi32, #tpu.memory_space<vmem>>[vector<16xi32>], vector<16xi32>,
    %add3A_18 = arith.constant 1 : i32
    %add3A_19 = vector.broadcast %add3A_18 : i32 to vector<16xi32>
    %add3A_20 = arith.addi %add3A_14, %add3A_19 : vector<16xi32>
    tpu.vector_store_idx %arg11[%add3A_20], %get3A_6 : memref<128xi32, #tpu.memory_space<vmem>>[vector<16xi32>], vector<16xi32>,
    %get3A_21 = arith.constant 16 : index
    %get3A_22 = tpu.vector_load %arg14[%get3A_21] {strides = array<i32>} : memref<64xi32, #tpu.memory_space<vmem>>, vector<16xi32>,
    %get3A_23 = arith.constant 16 : index
    %get3A_24 = tpu.vector_load %arg15[%get3A_23] {strides = array<i32>} : memref<64xi32, #tpu.memory_space<vmem>>, vector<16xi32>,
    %mul3A_25 = arith.constant 2 : i32
    %mul3A_26 = vector.broadcast %mul3A_25 : i32 to vector<16xi32>
    %mul3A_27 = arith.muli %mul3A_26, %iota3A : vector<16xi32>
    %add3A_28 = arith.constant 32 : i32
    %add3A_29 = vector.broadcast %add3A_28 : i32 to vector<16xi32>
    %add3A_30 = arith.addi %add3A_29, %mul3A_27 : vector<16xi32>
    tpu.vector_store_idx %arg10[%add3A_30], %get3A_22 : memref<128xi32, #tpu.memory_space<vmem>>[vector<16xi32>], vector<16xi32>,
    %add3A_31 = arith.constant 1 : i32
    %add3A_32 = vector.broadcast %add3A_31 : i32 to vector<16xi32>
    %add3A_33 = arith.addi %add3A_30, %add3A_32 : vector<16xi32>
    tpu.vector_store_idx %arg10[%add3A_33], %get3A_24 : memref<128xi32, #tpu.memory_space<vmem>>[vector<16xi32>], vector<16xi32>,
    tpu.vector_store_idx %arg11[%add3A_30], %get3A_24 : memref<128xi32, #tpu.memory_space<vmem>>[vector<16xi32>], vector<16xi32>,
    %add3A_34 = arith.constant 1 : i32
    %add3A_35 = vector.broadcast %add3A_34 : i32 to vector<16xi32>
    %add3A_36 = arith.addi %add3A_30, %add3A_35 : vector<16xi32>
    tpu.vector_store_idx %arg11[%add3A_36], %get3A_22 : memref<128xi32, #tpu.memory_space<vmem>>[vector<16xi32>], vector<16xi32>,
    %get3A_37 = arith.constant 32 : index
    %get3A_38 = tpu.vector_load %arg14[%get3A_37] {strides = array<i32>} : memref<64xi32, #tpu.memory_space<vmem>>, vector<16xi32>,
    %get3A_39 = arith.constant 32 : index
    %get3A_40 = tpu.vector_load %arg15[%get3A_39] {strides = array<i32>} : memref<64xi32, #tpu.memory_space<vmem>>, vector<16xi32>,
    %mul3A_41 = arith.constant 2 : i32
    %mul3A_42 = vector.broadcast %mul3A_41 : i32 to vector<16xi32>
    %mul3A_43 = arith.muli %mul3A_42, %iota3A : vector<16xi32>
    %add3A_44 = arith.constant 64 : i32
    %add3A_45 = vector.broadcast %add3A_44 : i32 to vector<16xi32>
    %add3A_46 = arith.addi %add3A_45, %mul3A_43 : vector<16xi32>
    tpu.vector_store_idx %arg10[%add3A_46], %get3A_38 : memref<128xi32, #tpu.memory_space<vmem>>[vector<16xi32>], vector<16xi32>,
    %add3A_47 = arith.constant 1 : i32
    %add3A_48 = vector.broadcast %add3A_47 : i32 to vector<16xi32>
    %add3A_49 = arith.addi %add3A_46, %add3A_48 : vector<16xi32>
    tpu.vector_store_idx %arg10[%add3A_49], %get3A_40 : memref<128xi32, #tpu.memory_space<vmem>>[vector<16xi32>], vector<16xi32>,
    tpu.vector_store_idx %arg11[%add3A_46], %get3A_40 : memref<128xi32, #tpu.memory_space<vmem>>[vector<16xi32>], vector<16xi32>,
    %add3A_50 = arith.constant 1 : i32
    %add3A_51 = vector.broadcast %add3A_50 : i32 to vector<16xi32>
    %add3A_52 = arith.addi %add3A_46, %add3A_51 : vector<16xi32>
    tpu.vector_store_idx %arg11[%add3A_52], %get3A_38 : memref<128xi32, #tpu.memory_space<vmem>>[vector<16xi32>], vector<16xi32>,
    %get3A_53 = arith.constant 48 : index
    %get3A_54 = tpu.vector_load %arg14[%get3A_53] {strides = array<i32>} : memref<64xi32, #tpu.memory_space<vmem>>, vector<16xi32>,
    %get3A_55 = arith.constant 48 : index
    %get3A_56 = tpu.vector_load %arg15[%get3A_55] {strides = array<i32>} : memref<64xi32, #tpu.memory_space<vmem>>, vector<16xi32>,
    %mul3A_57 = arith.constant 2 : i32
    %mul3A_58 = vector.broadcast %mul3A_57 : i32 to vector<16xi32>
    %mul3A_59 = arith.muli %mul3A_58, %iota3A : vector<16xi32>
    %add3A_60 = arith.constant 96 : i32
    %add3A_61 = vector.broadcast %add3A_60 : i32 to vector<16xi32>
    %add3A_62 = arith.addi %add3A_61, %mul3A_59 : vector<16xi32>
    tpu.vector_store_idx %arg10[%add3A_62], %get3A_54 : memref<128xi32, #tpu.memory_space<vmem>>[vector<16xi32>], vector<16xi32>,
    %add3A_63 = arith.constant 1 : i32
    %add3A_64 = vector.broadcast %add3A_63 : i32 to vector<16xi32>
    %add3A_65 = arith.addi %add3A_62, %add3A_64 : vector<16xi32>
    tpu.vector_store_idx %arg10[%add3A_65], %get3A_56 : memref<128xi32, #tpu.memory_space<vmem>>[vector<16xi32>], vector<16xi32>,
    tpu.vector_store_idx %arg11[%add3A_62], %get3A_56 : memref<128xi32, #tpu.memory_space<vmem>>[vector<16xi32>], vector<16xi32>,
    %add3A_66 = arith.constant 1 : i32
    %add3A_67 = vector.broadcast %add3A_66 : i32 to vector<16xi32>
    %add3A_68 = arith.addi %add3A_62, %add3A_67 : vector<16xi32>
    tpu.vector_store_idx %arg11[%add3A_68], %get3A_54 : memref<128xi32, #tpu.memory_space<vmem>>[vector<16xi32>], vector<16xi32>,
    %dma_start3A = arith.constant 0 : i32
    %dma_start3A_69 = arith.constant 0 : i32
    %dma_start3A_70 = tpu.memref_slice %arg2[%dma_start3A, %dma_start3A_69] : memref<10000x256xbf16, #tpu.memory_space<hbm>> -> memref<10000x256xbf16, #tpu.memory_space<hbm>>
    tpu.enqueue_indirect_dma source(%dma_start3A_70 : memref<10000x256xbf16, #tpu.memory_space<hbm>>) target(%arg6 : memref<128x256xbf16, #tpu.memory_space<vmem>>) offsets(%arg11 : memref<128xi32, #tpu.memory_space<vmem>>) semaphore(%arg16 : memref<!tpu.dma_semaphore, #tpu.memory_space<semaphore_mem>>)
    %dma_start3A_71 = arith.constant 0 : i32
    %dma_start3A_72 = arith.constant 0 : i32
    %dma_start3A_73 = tpu.memref_slice %arg3[%dma_start3A_71, %dma_start3A_72] : memref<10000x256xbf16, #tpu.memory_space<hbm>> -> memref<10000x256xbf16, #tpu.memory_space<hbm>>
    tpu.enqueue_indirect_dma source(%dma_start3A_73 : memref<10000x256xbf16, #tpu.memory_space<hbm>>) target(%arg7 : memref<128x256xbf16, #tpu.memory_space<vmem>>) offsets(%arg10 : memref<128xi32, #tpu.memory_space<vmem>>) semaphore(%arg16 : memref<!tpu.dma_semaphore, #tpu.memory_space<semaphore_mem>>)
    %scan3A = arith.constant 0 : i32
    %scan3A_74 = arith.constant 79 : i32
    %scan3A_75 = arith.addi %scan3A, %scan3A_74 : i32
    %scan3A_76 = arith.constant 1 : i32
    scf.for %scan3A_78 = %scan3A to %scan3A_75 step %scan3A_76  : i32 {
      %mul3A_79 = arith.constant 2 : i32
      %mul3A_80 = arith.muli %scan3A_78, %mul3A_79 : i32
      %add3A_81 = arith.constant 0 : i32
      %add3A_82 = arith.addi %mul3A_80, %add3A_81 : i32
      %add3A_83 = arith.constant 1 : i32
      %add3A_84 = arith.addi %add3A_82, %add3A_83 : i32
      %mul3A_85 = arith.constant 32 : i32
      %mul3A_86 = arith.muli %add3A_84, %mul3A_85 : i32
      %add3A_87 = arith.addi %mul3A_86, %add3A : i32
      %lt3A = arith.constant 5000 : i32
      %lt3A_88 = arith.cmpi slt, %add3A_87, %lt3A : i32
      %convert_element_type3A = arith.extui %lt3A_88 : i1 to i32
      %cond3A = arith.constant 0 : i32
      %cond3A_89 = arith.cmpi ne, %convert_element_type3A, %cond3A : i32
      scf.if %cond3A_89 {
        %add3A_120 = arith.constant 1 : i32
        %add3A_121 = arith.addi %add3A_82, %add3A_120 : i32
        %mul3A_122 = arith.constant 32 : i32
        %mul3A_123 = arith.muli %add3A_121, %mul3A_122 : i32
        %add3A_124 = arith.addi %mul3A_123, %add3A : i32
        %mul3A_125 = arith.constant 64 : i32
        %mul3A_126 = arith.muli %add3A_124, %mul3A_125 : i32
        %run_scoped3A_127 = arith.constant 0 : i32
        "tpu.region"() ({
          %run_scoped3A_199 = tpu.sem_alloc : memref<!tpu.dma_semaphore, #tpu.memory_space<semaphore_mem>>
          %dma_start3A_200 = tpu.memref_slice %arg4[%run_scoped3A_127, %mul3A_126] : memref<2x320000xi32, #tpu.memory_space<hbm>> -> memref<1x64xi32, #tpu.memory_space<hbm>>
          %dma_start3A_201 = tpu.memref_squeeze %dma_start3A_200 : memref<1x64xi32, #tpu.memory_space<hbm>> -> memref<64xi32, #tpu.memory_space<hbm>>
          %dma_start3A_202 = tpu.memref_slice %arg4[%run_scoped3A_127, %mul3A_126] : memref<2x320000xi32, #tpu.memory_space<hbm>> -> memref<1x64xi32, #tpu.memory_space<hbm>>
          %dma_start3A_203 = tpu.memref_squeeze %dma_start3A_202 : memref<1x64xi32, #tpu.memory_space<hbm>> -> memref<64xi32, #tpu.memory_space<hbm>>
          tpu.enqueue_dma source(%dma_start3A_203 : memref<64xi32, #tpu.memory_space<hbm>>) target(%arg14 : memref<64xi32, #tpu.memory_space<vmem>>) target_semaphore(%run_scoped3A_199 : memref<!tpu.dma_semaphore, #tpu.memory_space<semaphore_mem>>)
          %dma_wait3A = tpu.memref_slice %arg4[%run_scoped3A_127, %mul3A_126] : memref<2x320000xi32, #tpu.memory_space<hbm>> -> memref<1x64xi32, #tpu.memory_space<hbm>>
          %dma_wait3A_204 = tpu.memref_squeeze %dma_wait3A : memref<1x64xi32, #tpu.memory_space<hbm>> -> memref<64xi32, #tpu.memory_space<hbm>>
          %dma_wait3A_205 = tpu.memref_slice %arg4[%run_scoped3A_127, %mul3A_126] : memref<2x320000xi32, #tpu.memory_space<hbm>> -> memref<1x64xi32, #tpu.memory_space<hbm>>
          %dma_wait3A_206 = tpu.memref_squeeze %dma_wait3A_205 : memref<1x64xi32, #tpu.memory_space<hbm>> -> memref<64xi32, #tpu.memory_space<hbm>>
          tpu.wait_dma2 semaphore(%run_scoped3A_199 : memref<!tpu.dma_semaphore, #tpu.memory_space<semaphore_mem>>) src(%dma_wait3A_206 : memref<64xi32, #tpu.memory_space<hbm>>) dst(%arg14 : memref<64xi32, #tpu.memory_space<vmem>>)
          tpu.yield
        }) : () -> ()
        %run_scoped3A_128 = arith.constant 1 : i32
        "tpu.region"() ({
          %run_scoped3A_199 = tpu.sem_alloc : memref<!tpu.dma_semaphore, #tpu.memory_space<semaphore_mem>>
          %dma_start3A_200 = tpu.memref_slice %arg4[%run_scoped3A_128, %mul3A_126] : memref<2x320000xi32, #tpu.memory_space<hbm>> -> memref<1x64xi32, #tpu.memory_space<hbm>>
          %dma_start3A_201 = tpu.memref_squeeze %dma_start3A_200 : memref<1x64xi32, #tpu.memory_space<hbm>> -> memref<64xi32, #tpu.memory_space<hbm>>
          %dma_start3A_202 = tpu.memref_slice %arg4[%run_scoped3A_128, %mul3A_126] : memref<2x320000xi32, #tpu.memory_space<hbm>> -> memref<1x64xi32, #tpu.memory_space<hbm>>
          %dma_start3A_203 = tpu.memref_squeeze %dma_start3A_202 : memref<1x64xi32, #tpu.memory_space<hbm>> -> memref<64xi32, #tpu.memory_space<hbm>>
          tpu.enqueue_dma source(%dma_start3A_203 : memref<64xi32, #tpu.memory_space<hbm>>) target(%arg15 : memref<64xi32, #tpu.memory_space<vmem>>) target_semaphore(%run_scoped3A_199 : memref<!tpu.dma_semaphore, #tpu.memory_space<semaphore_mem>>)
          %dma_wait3A = tpu.memref_slice %arg4[%run_scoped3A_128, %mul3A_126] : memref<2x320000xi32, #tpu.memory_space<hbm>> -> memref<1x64xi32, #tpu.memory_space<hbm>>
          %dma_wait3A_204 = tpu.memref_squeeze %dma_wait3A : memref<1x64xi32, #tpu.memory_space<hbm>> -> memref<64xi32, #tpu.memory_space<hbm>>
          %dma_wait3A_205 = tpu.memref_slice %arg4[%run_scoped3A_128, %mul3A_126] : memref<2x320000xi32, #tpu.memory_space<hbm>> -> memref<1x64xi32, #tpu.memory_space<hbm>>
          %dma_wait3A_206 = tpu.memref_squeeze %dma_wait3A_205 : memref<1x64xi32, #tpu.memory_space<hbm>> -> memref<64xi32, #tpu.memory_space<hbm>>
          tpu.wait_dma2 semaphore(%run_scoped3A_199 : memref<!tpu.dma_semaphore, #tpu.memory_space<semaphore_mem>>) src(%dma_wait3A_206 : memref<64xi32, #tpu.memory_space<hbm>>) dst(%arg15 : memref<64xi32, #tpu.memory_space<vmem>>)
          tpu.yield
        }) : () -> ()
        %get3A_129 = arith.constant 0 : index
        %get3A_130 = tpu.vector_load %arg14[%get3A_129] {strides = array<i32>} : memref<64xi32, #tpu.memory_space<vmem>>, vector<16xi32>,
        %get3A_131 = arith.constant 0 : index
        %get3A_132 = tpu.vector_load %arg15[%get3A_131] {strides = array<i32>} : memref<64xi32, #tpu.memory_space<vmem>>, vector<16xi32>,
        %mul3A_133 = arith.constant 2 : i32
        %mul3A_134 = vector.broadcast %mul3A_133 : i32 to vector<16xi32>
        %mul3A_135 = arith.muli %mul3A_134, %iota3A : vector<16xi32>
        %add3A_136 = arith.constant 0 : i32
        %add3A_137 = vector.broadcast %add3A_136 : i32 to vector<16xi32>
        %add3A_138 = arith.addi %add3A_137, %mul3A_135 : vector<16xi32>
        tpu.vector_store_idx %arg12[%add3A_138], %get3A_130 : memref<128xi32, #tpu.memory_space<vmem>>[vector<16xi32>], vector<16xi32>,
        %add3A_139 = arith.constant 1 : i32
        %add3A_140 = vector.broadcast %add3A_139 : i32 to vector<16xi32>
        %add3A_141 = arith.addi %add3A_138, %add3A_140 : vector<16xi32>
        tpu.vector_store_idx %arg12[%add3A_141], %get3A_132 : memref<128xi32, #tpu.memory_space<vmem>>[vector<16xi32>], vector<16xi32>,
        tpu.vector_store_idx %arg13[%add3A_138], %get3A_132 : memref<128xi32, #tpu.memory_space<vmem>>[vector<16xi32>], vector<16xi32>,
        %add3A_142 = arith.constant 1 : i32
        %add3A_143 = vector.broadcast %add3A_142 : i32 to vector<16xi32>
        %add3A_144 = arith.addi %add3A_138, %add3A_143 : vector<16xi32>
        tpu.vector_store_idx %arg13[%add3A_144], %get3A_130 : memref<128xi32, #tpu.memory_space<vmem>>[vector<16xi32>], vector<16xi32>,
        %get3A_145 = arith.constant 16 : index
        %get3A_146 = tpu.vector_load %arg14[%get3A_145] {strides = array<i32>} : memref<64xi32, #tpu.memory_space<vmem>>, vector<16xi32>,
        %get3A_147 = arith.constant 16 : index
        %get3A_148 = tpu.vector_load %arg15[%get3A_147] {strides = array<i32>} : memref<64xi32, #tpu.memory_space<vmem>>, vector<16xi32>,
        %mul3A_149 = arith.constant 2 : i32
        %mul3A_150 = vector.broadcast %mul3A_149 : i32 to vector<16xi32>
        %mul3A_151 = arith.muli %mul3A_150, %iota3A : vector<16xi32>
        %add3A_152 = arith.constant 32 : i32
        %add3A_153 = vector.broadcast %add3A_152 : i32 to vector<16xi32>
        %add3A_154 = arith.addi %add3A_153, %mul3A_151 : vector<16xi32>
        tpu.vector_store_idx %arg12[%add3A_154], %get3A_146 : memref<128xi32, #tpu.memory_space<vmem>>[vector<16xi32>], vector<16xi32>,
        %add3A_155 = arith.constant 1 : i32
        %add3A_156 = vector.broadcast %add3A_155 : i32 to vector<16xi32>
        %add3A_157 = arith.addi %add3A_154, %add3A_156 : vector<16xi32>
        tpu.vector_store_idx %arg12[%add3A_157], %get3A_148 : memref<128xi32, #tpu.memory_space<vmem>>[vector<16xi32>], vector<16xi32>,
        tpu.vector_store_idx %arg13[%add3A_154], %get3A_148 : memref<128xi32, #tpu.memory_space<vmem>>[vector<16xi32>], vector<16xi32>,
        %add3A_158 = arith.constant 1 : i32
        %add3A_159 = vector.broadcast %add3A_158 : i32 to vector<16xi32>
        %add3A_160 = arith.addi %add3A_154, %add3A_159 : vector<16xi32>
        tpu.vector_store_idx %arg13[%add3A_160], %get3A_146 : memref<128xi32, #tpu.memory_space<vmem>>[vector<16xi32>], vector<16xi32>,
        %get3A_161 = arith.constant 32 : index
        %get3A_162 = tpu.vector_load %arg14[%get3A_161] {strides = array<i32>} : memref<64xi32, #tpu.memory_space<vmem>>, vector<16xi32>,
        %get3A_163 = arith.constant 32 : index
        %get3A_164 = tpu.vector_load %arg15[%get3A_163] {strides = array<i32>} : memref<64xi32, #tpu.memory_space<vmem>>, vector<16xi32>,
        %mul3A_165 = arith.constant 2 : i32
        %mul3A_166 = vector.broadcast %mul3A_165 : i32 to vector<16xi32>
        %mul3A_167 = arith.muli %mul3A_166, %iota3A : vector<16xi32>
        %add3A_168 = arith.constant 64 : i32
        %add3A_169 = vector.broadcast %add3A_168 : i32 to vector<16xi32>
        %add3A_170 = arith.addi %add3A_169, %mul3A_167 : vector<16xi32>
        tpu.vector_store_idx %arg12[%add3A_170], %get3A_162 : memref<128xi32, #tpu.memory_space<vmem>>[vector<16xi32>], vector<16xi32>,
        %add3A_171 = arith.constant 1 : i32
        %add3A_172 = vector.broadcast %add3A_171 : i32 to vector<16xi32>
        %add3A_173 = arith.addi %add3A_170, %add3A_172 : vector<16xi32>
        tpu.vector_store_idx %arg12[%add3A_173], %get3A_164 : memref<128xi32, #tpu.memory_space<vmem>>[vector<16xi32>], vector<16xi32>,
        tpu.vector_store_idx %arg13[%add3A_170], %get3A_164 : memref<128xi32, #tpu.memory_space<vmem>>[vector<16xi32>], vector<16xi32>,
        %add3A_174 = arith.constant 1 : i32
        %add3A_175 = vector.broadcast %add3A_174 : i32 to vector<16xi32>
        %add3A_176 = arith.addi %add3A_170, %add3A_175 : vector<16xi32>
        tpu.vector_store_idx %arg13[%add3A_176], %get3A_162 : memref<128xi32, #tpu.memory_space<vmem>>[vector<16xi32>], vector<16xi32>,
        %get3A_177 = arith.constant 48 : index
        %get3A_178 = tpu.vector_load %arg14[%get3A_177] {strides = array<i32>} : memref<64xi32, #tpu.memory_space<vmem>>, vector<16xi32>,
        %get3A_179 = arith.constant 48 : index
        %get3A_180 = tpu.vector_load %arg15[%get3A_179] {strides = array<i32>} : memref<64xi32, #tpu.memory_space<vmem>>, vector<16xi32>,
        %mul3A_181 = arith.constant 2 : i32
        %mul3A_182 = vector.broadcast %mul3A_181 : i32 to vector<16xi32>
        %mul3A_183 = arith.muli %mul3A_182, %iota3A : vector<16xi32>
        %add3A_184 = arith.constant 96 : i32
        %add3A_185 = vector.broadcast %add3A_184 : i32 to vector<16xi32>
        %add3A_186 = arith.addi %add3A_185, %mul3A_183 : vector<16xi32>
        tpu.vector_store_idx %arg12[%add3A_186], %get3A_178 : memref<128xi32, #tpu.memory_space<vmem>>[vector<16xi32>], vector<16xi32>,
        %add3A_187 = arith.constant 1 : i32
        %add3A_188 = vector.broadcast %add3A_187 : i32 to vector<16xi32>
        %add3A_189 = arith.addi %add3A_186, %add3A_188 : vector<16xi32>
        tpu.vector_store_idx %arg12[%add3A_189], %get3A_180 : memref<128xi32, #tpu.memory_space<vmem>>[vector<16xi32>], vector<16xi32>,
        tpu.vector_store_idx %arg13[%add3A_186], %get3A_180 : memref<128xi32, #tpu.memory_space<vmem>>[vector<16xi32>], vector<16xi32>,
        %add3A_190 = arith.constant 1 : i32
        %add3A_191 = vector.broadcast %add3A_190 : i32 to vector<16xi32>
        %add3A_192 = arith.addi %add3A_186, %add3A_191 : vector<16xi32>
        tpu.vector_store_idx %arg13[%add3A_192], %get3A_178 : memref<128xi32, #tpu.memory_space<vmem>>[vector<16xi32>], vector<16xi32>,
        %dma_start3A_193 = arith.constant 0 : i32
        %dma_start3A_194 = arith.constant 0 : i32
        %dma_start3A_195 = tpu.memref_slice %arg2[%dma_start3A_193, %dma_start3A_194] : memref<10000x256xbf16, #tpu.memory_space<hbm>> -> memref<10000x256xbf16, #tpu.memory_space<hbm>>
        tpu.enqueue_indirect_dma source(%dma_start3A_195 : memref<10000x256xbf16, #tpu.memory_space<hbm>>) target(%arg8 : memref<128x256xbf16, #tpu.memory_space<vmem>>) offsets(%arg13 : memref<128xi32, #tpu.memory_space<vmem>>) semaphore(%arg17 : memref<!tpu.dma_semaphore, #tpu.memory_space<semaphore_mem>>)
        %dma_start3A_196 = arith.constant 0 : i32
        %dma_start3A_197 = arith.constant 0 : i32
        %dma_start3A_198 = tpu.memref_slice %arg3[%dma_start3A_196, %dma_start3A_197] : memref<10000x256xbf16, #tpu.memory_space<hbm>> -> memref<10000x256xbf16, #tpu.memory_space<hbm>>
        tpu.enqueue_indirect_dma source(%dma_start3A_198 : memref<10000x256xbf16, #tpu.memory_space<hbm>>) target(%arg9 : memref<128x256xbf16, #tpu.memory_space<vmem>>) offsets(%arg12 : memref<128xi32, #tpu.memory_space<vmem>>) semaphore(%arg17 : memref<!tpu.dma_semaphore, #tpu.memory_space<semaphore_mem>>)
      } else {
      }
      %mul3A_90 = arith.constant 32 : i32
      %mul3A_91 = arith.muli %add3A_82, %mul3A_90 : i32
      %add3A_92 = arith.addi %mul3A_91, %add3A : i32
      %lt3A_93 = arith.constant 5000 : i32
      %lt3A_94 = arith.cmpi slt, %add3A_92, %lt3A_93 : i32
      %convert_element_type3A_95 = arith.extui %lt3A_94 : i1 to i32
      %cond3A_96 = arith.constant 0 : i32
      %cond3A_97 = arith.cmpi ne, %convert_element_type3A_95, %cond3A_96 : i32
      scf.if %cond3A_97 {
        %dma_wait3A = arith.constant 0 : i32
        %dma_wait3A_120 = arith.constant 0 : i32
        %dma_wait3A_121 = tpu.memref_slice %arg2[%dma_wait3A, %dma_wait3A_120] : memref<10000x256xbf16, #tpu.memory_space<hbm>> -> memref<128x256xbf16, #tpu.memory_space<hbm>>
        %dma_wait3A_122 = arith.constant 0 : i32
        %dma_wait3A_123 = arith.constant 0 : i32
        %dma_wait3A_124 = tpu.memref_slice %arg2[%dma_wait3A_122, %dma_wait3A_123] : memref<10000x256xbf16, #tpu.memory_space<hbm>> -> memref<128x256xbf16, #tpu.memory_space<hbm>>
        tpu.wait_dma2 semaphore(%arg16 : memref<!tpu.dma_semaphore, #tpu.memory_space<semaphore_mem>>) src(%dma_wait3A_124 : memref<128x256xbf16, #tpu.memory_space<hbm>>) dst(%arg6 : memref<128x256xbf16, #tpu.memory_space<vmem>>)
        %dma_wait3A_125 = arith.constant 0 : i32
        %dma_wait3A_126 = arith.constant 0 : i32
        %dma_wait3A_127 = tpu.memref_slice %arg2[%dma_wait3A_125, %dma_wait3A_126] : memref<10000x256xbf16, #tpu.memory_space<hbm>> -> memref<128x256xbf16, #tpu.memory_space<hbm>>
        %dma_wait3A_128 = arith.constant 0 : i32
        %dma_wait3A_129 = arith.constant 0 : i32
        %dma_wait3A_130 = tpu.memref_slice %arg2[%dma_wait3A_128, %dma_wait3A_129] : memref<10000x256xbf16, #tpu.memory_space<hbm>> -> memref<128x256xbf16, #tpu.memory_space<hbm>>
        tpu.wait_dma2 semaphore(%arg16 : memref<!tpu.dma_semaphore, #tpu.memory_space<semaphore_mem>>) src(%dma_wait3A_130 : memref<128x256xbf16, #tpu.memory_space<hbm>>) dst(%arg7 : memref<128x256xbf16, #tpu.memory_space<vmem>>)
        %scan3A_131 = arith.constant 0 : i32
        %scan3A_132 = arith.constant 128 : i32
        %scan3A_133 = arith.addi %scan3A_131, %scan3A_132 : i32
        %scan3A_134 = arith.constant 1 : i32
        scf.for %scan3A_141 = %scan3A_131 to %scan3A_133 step %scan3A_134  : i32 {
          %get3A_142 = arith.index_cast %scan3A_141 : i32 to index
          %get3A_143 = arith.constant 0 : index
          %get3A_144 = tpu.vector_load %arg6[%get3A_142, %get3A_143] {strides = array<i32>} : memref<128x256xbf16, #tpu.memory_space<vmem>>, vector<32xbf16>,
          %get3A_145 = arith.index_cast %scan3A_141 : i32 to index
          %get3A_146 = arith.constant 0 : index
          %get3A_147 = tpu.vector_load %arg7[%get3A_145, %get3A_146] {strides = array<i32>} : memref<128x256xbf16, #tpu.memory_space<vmem>>, vector<32xbf16>,
          %add3A_148 = arith.addf %get3A_144, %get3A_147 : vector<32xbf16>
          %swap3A = arith.index_cast %scan3A_141 : i32 to index
          %swap3A_149 = arith.constant 0 : index
          %swap3A_150 = tpu.vector_load %arg6[%swap3A, %swap3A_149] {strides = array<i32>} : memref<128x256xbf16, #tpu.memory_space<vmem>>, vector<32xbf16>,
          tpu.vector_store %arg6[%swap3A, %swap3A_149], %add3A_148 {strides = array<i32>} : memref<128x256xbf16, #tpu.memory_space<vmem>>, vector<32xbf16>,
          %get3A_151 = arith.index_cast %scan3A_141 : i32 to index
          %get3A_152 = arith.constant 32 : index
          %get3A_153 = tpu.vector_load %arg6[%get3A_151, %get3A_152] {strides = array<i32>} : memref<128x256xbf16, #tpu.memory_space<vmem>>, vector<32xbf16>,
          %get3A_154 = arith.index_cast %scan3A_141 : i32 to index
          %get3A_155 = arith.constant 32 : index
          %get3A_156 = tpu.vector_load %arg7[%get3A_154, %get3A_155] {strides = array<i32>} : memref<128x256xbf16, #tpu.memory_space<vmem>>, vector<32xbf16>,
          %add3A_157 = arith.addf %get3A_153, %get3A_156 : vector<32xbf16>
          %swap3A_158 = arith.index_cast %scan3A_141 : i32 to index
          %swap3A_159 = arith.constant 32 : index
          %swap3A_160 = tpu.vector_load %arg6[%swap3A_158, %swap3A_159] {strides = array<i32>} : memref<128x256xbf16, #tpu.memory_space<vmem>>, vector<32xbf16>,
          tpu.vector_store %arg6[%swap3A_158, %swap3A_159], %add3A_157 {strides = array<i32>} : memref<128x256xbf16, #tpu.memory_space<vmem>>, vector<32xbf16>,
          %get3A_161 = arith.index_cast %scan3A_141 : i32 to index
          %get3A_162 = arith.constant 64 : index
          %get3A_163 = tpu.vector_load %arg6[%get3A_161, %get3A_162] {strides = array<i32>} : memref<128x256xbf16, #tpu.memory_space<vmem>>, vector<32xbf16>,
          %get3A_164 = arith.index_cast %scan3A_141 : i32 to index
          %get3A_165 = arith.constant 64 : index
          %get3A_166 = tpu.vector_load %arg7[%get3A_164, %get3A_165] {strides = array<i32>} : memref<128x256xbf16, #tpu.memory_space<vmem>>, vector<32xbf16>,
          %add3A_167 = arith.addf %get3A_163, %get3A_166 : vector<32xbf16>
          %swap3A_168 = arith.index_cast %scan3A_141 : i32 to index
          %swap3A_169 = arith.constant 64 : index
          %swap3A_170 = tpu.vector_load %arg6[%swap3A_168, %swap3A_169] {strides = array<i32>} : memref<128x256xbf16, #tpu.memory_space<vmem>>, vector<32xbf16>,
          tpu.vector_store %arg6[%swap3A_168, %swap3A_169], %add3A_167 {strides = array<i32>} : memref<128x256xbf16, #tpu.memory_space<vmem>>, vector<32xbf16>,
          %get3A_171 = arith.index_cast %scan3A_141 : i32 to index
          %get3A_172 = arith.constant 96 : index
          %get3A_173 = tpu.vector_load %arg6[%get3A_171, %get3A_172] {strides = array<i32>} : memref<128x256xbf16, #tpu.memory_space<vmem>>, vector<32xbf16>,
          %get3A_174 = arith.index_cast %scan3A_141 : i32 to index
          %get3A_175 = arith.constant 96 : index
          %get3A_176 = tpu.vector_load %arg7[%get3A_174, %get3A_175] {strides = array<i32>} : memref<128x256xbf16, #tpu.memory_space<vmem>>, vector<32xbf16>,
          %add3A_177 = arith.addf %get3A_173, %get3A_176 : vector<32xbf16>
          %swap3A_178 = arith.index_cast %scan3A_141 : i32 to index
          %swap3A_179 = arith.constant 96 : index
          %swap3A_180 = tpu.vector_load %arg6[%swap3A_178, %swap3A_179] {strides = array<i32>} : memref<128x256xbf16, #tpu.memory_space<vmem>>, vector<32xbf16>,
          tpu.vector_store %arg6[%swap3A_178, %swap3A_179], %add3A_177 {strides = array<i32>} : memref<128x256xbf16, #tpu.memory_space<vmem>>, vector<32xbf16>,
          %get3A_181 = arith.index_cast %scan3A_141 : i32 to index
          %get3A_182 = arith.constant 128 : index
          %get3A_183 = tpu.vector_load %arg6[%get3A_181, %get3A_182] {strides = array<i32>} : memref<128x256xbf16, #tpu.memory_space<vmem>>, vector<32xbf16>,
          %get3A_184 = arith.index_cast %scan3A_141 : i32 to index
          %get3A_185 = arith.constant 128 : index
          %get3A_186 = tpu.vector_load %arg7[%get3A_184, %get3A_185] {strides = array<i32>} : memref<128x256xbf16, #tpu.memory_space<vmem>>, vector<32xbf16>,
          %add3A_187 = arith.addf %get3A_183, %get3A_186 : vector<32xbf16>
          %swap3A_188 = arith.index_cast %scan3A_141 : i32 to index
          %swap3A_189 = arith.constant 128 : index
          %swap3A_190 = tpu.vector_load %arg6[%swap3A_188, %swap3A_189] {strides = array<i32>} : memref<128x256xbf16, #tpu.memory_space<vmem>>, vector<32xbf16>,
          tpu.vector_store %arg6[%swap3A_188, %swap3A_189], %add3A_187 {strides = array<i32>} : memref<128x256xbf16, #tpu.memory_space<vmem>>, vector<32xbf16>,
          %get3A_191 = arith.index_cast %scan3A_141 : i32 to index
          %get3A_192 = arith.constant 160 : index
          %get3A_193 = tpu.vector_load %arg6[%get3A_191, %get3A_192] {strides = array<i32>} : memref<128x256xbf16, #tpu.memory_space<vmem>>, vector<32xbf16>,
          %get3A_194 = arith.index_cast %scan3A_141 : i32 to index
          %get3A_195 = arith.constant 160 : index
          %get3A_196 = tpu.vector_load %arg7[%get3A_194, %get3A_195] {strides = array<i32>} : memref<128x256xbf16, #tpu.memory_space<vmem>>, vector<32xbf16>,
          %add3A_197 = arith.addf %get3A_193, %get3A_196 : vector<32xbf16>
          %swap3A_198 = arith.index_cast %scan3A_141 : i32 to index
          %swap3A_199 = arith.constant 160 : index
          %swap3A_200 = tpu.vector_load %arg6[%swap3A_198, %swap3A_199] {strides = array<i32>} : memref<128x256xbf16, #tpu.memory_space<vmem>>, vector<32xbf16>,
          tpu.vector_store %arg6[%swap3A_198, %swap3A_199], %add3A_197 {strides = array<i32>} : memref<128x256xbf16, #tpu.memory_space<vmem>>, vector<32xbf16>,
          %get3A_201 = arith.index_cast %scan3A_141 : i32 to index
          %get3A_202 = arith.constant 192 : index
          %get3A_203 = tpu.vector_load %arg6[%get3A_201, %get3A_202] {strides = array<i32>} : memref<128x256xbf16, #tpu.memory_space<vmem>>, vector<32xbf16>,
          %get3A_204 = arith.index_cast %scan3A_141 : i32 to index
          %get3A_205 = arith.constant 192 : index
          %get3A_206 = tpu.vector_load %arg7[%get3A_204, %get3A_205] {strides = array<i32>} : memref<128x256xbf16, #tpu.memory_space<vmem>>, vector<32xbf16>,
          %add3A_207 = arith.addf %get3A_203, %get3A_206 : vector<32xbf16>
          %swap3A_208 = arith.index_cast %scan3A_141 : i32 to index
          %swap3A_209 = arith.constant 192 : index
          %swap3A_210 = tpu.vector_load %arg6[%swap3A_208, %swap3A_209] {strides = array<i32>} : memref<128x256xbf16, #tpu.memory_space<vmem>>, vector<32xbf16>,
          tpu.vector_store %arg6[%swap3A_208, %swap3A_209], %add3A_207 {strides = array<i32>} : memref<128x256xbf16, #tpu.memory_space<vmem>>, vector<32xbf16>,
          %get3A_211 = arith.index_cast %scan3A_141 : i32 to index
          %get3A_212 = arith.constant 224 : index
          %get3A_213 = tpu.vector_load %arg6[%get3A_211, %get3A_212] {strides = array<i32>} : memref<128x256xbf16, #tpu.memory_space<vmem>>, vector<32xbf16>,
          %get3A_214 = arith.index_cast %scan3A_141 : i32 to index
          %get3A_215 = arith.constant 224 : index
          %get3A_216 = tpu.vector_load %arg7[%get3A_214, %get3A_215] {strides = array<i32>} : memref<128x256xbf16, #tpu.memory_space<vmem>>, vector<32xbf16>,
          %add3A_217 = arith.addf %get3A_213, %get3A_216 : vector<32xbf16>
          %swap3A_218 = arith.index_cast %scan3A_141 : i32 to index
          %swap3A_219 = arith.constant 224 : index
          %swap3A_220 = tpu.vector_load %arg6[%swap3A_218, %swap3A_219] {strides = array<i32>} : memref<128x256xbf16, #tpu.memory_space<vmem>>, vector<32xbf16>,
          tpu.vector_store %arg6[%swap3A_218, %swap3A_219], %add3A_217 {strides = array<i32>} : memref<128x256xbf16, #tpu.memory_space<vmem>>, vector<32xbf16>,
        }
        %scan3A_135 = arith.constant 128 : i32
        %mul3A_136 = arith.constant 32 : i32
        %mul3A_137 = arith.muli %add3A_82, %mul3A_136 : i32
        %add3A_138 = arith.addi %mul3A_137, %add3A : i32
        %mul3A_139 = arith.constant 128 : i32
        %mul3A_140 = arith.muli %add3A_138, %mul3A_139 : i32
        "tpu.region"() ({
          %run_scoped3A_141 = tpu.sem_alloc : memref<!tpu.dma_semaphore, #tpu.memory_space<semaphore_mem>>
          %dma_start3A_142 = arith.constant 0 : i32
          %dma_start3A_143 = tpu.memref_slice %arg5[%mul3A_140, %dma_start3A_142] : memref<640000x256xbf16, #tpu.memory_space<hbm>> -> memref<128x256xbf16, #tpu.memory_space<hbm>>
          %dma_start3A_144 = arith.constant 0 : i32
          %dma_start3A_145 = tpu.memref_slice %arg5[%mul3A_140, %dma_start3A_144] : memref<640000x256xbf16, #tpu.memory_space<hbm>> -> memref<128x256xbf16, #tpu.memory_space<hbm>>
          tpu.enqueue_dma source(%arg6 : memref<128x256xbf16, #tpu.memory_space<vmem>>) target(%dma_start3A_145 : memref<128x256xbf16, #tpu.memory_space<hbm>>) target_semaphore(%run_scoped3A_141 : memref<!tpu.dma_semaphore, #tpu.memory_space<semaphore_mem>>)
          %dma_wait3A_146 = arith.constant 0 : i32
          %dma_wait3A_147 = tpu.memref_slice %arg5[%mul3A_140, %dma_wait3A_146] : memref<640000x256xbf16, #tpu.memory_space<hbm>> -> memref<128x256xbf16, #tpu.memory_space<hbm>>
          %dma_wait3A_148 = arith.constant 0 : i32
          %dma_wait3A_149 = tpu.memref_slice %arg5[%mul3A_140, %dma_wait3A_148] : memref<640000x256xbf16, #tpu.memory_space<hbm>> -> memref<128x256xbf16, #tpu.memory_space<hbm>>
          tpu.wait_dma2 semaphore(%run_scoped3A_141 : memref<!tpu.dma_semaphore, #tpu.memory_space<semaphore_mem>>) src(%arg6 : memref<128x256xbf16, #tpu.memory_space<vmem>>) dst(%dma_wait3A_149 : memref<128x256xbf16, #tpu.memory_space<hbm>>)
          tpu.yield
        }) : () -> ()
      } else {
      }
      %mul3A_98 = arith.constant 2 : i32
      %mul3A_99 = arith.muli %scan3A_78, %mul3A_98 : i32
      %add3A_100 = arith.constant 1 : i32
      %add3A_101 = arith.addi %mul3A_99, %add3A_100 : i32
      %add3A_102 = arith.constant 1 : i32
      %add3A_103 = arith.addi %add3A_101, %add3A_102 : i32
      %mul3A_104 = arith.constant 32 : i32
      %mul3A_105 = arith.muli %add3A_103, %mul3A_104 : i32
      %add3A_106 = arith.addi %mul3A_105, %add3A : i32
      %lt3A_107 = arith.constant 5000 : i32
      %lt3A_108 = arith.cmpi slt, %add3A_106, %lt3A_107 : i32
      %convert_element_type3A_109 = arith.extui %lt3A_108 : i1 to i32
      %cond3A_110 = arith.constant 0 : i32
      %cond3A_111 = arith.cmpi ne, %convert_element_type3A_109, %cond3A_110 : i32
      scf.if %cond3A_111 {
        %add3A_120 = arith.constant 1 : i32
        %add3A_121 = arith.addi %add3A_101, %add3A_120 : i32
        %mul3A_122 = arith.constant 32 : i32
        %mul3A_123 = arith.muli %add3A_121, %mul3A_122 : i32
        %add3A_124 = arith.addi %mul3A_123, %add3A : i32
        %mul3A_125 = arith.constant 64 : i32
        %mul3A_126 = arith.muli %add3A_124, %mul3A_125 : i32
        %run_scoped3A_127 = arith.constant 0 : i32
        "tpu.region"() ({
          %run_scoped3A_199 = tpu.sem_alloc : memref<!tpu.dma_semaphore, #tpu.memory_space<semaphore_mem>>
          %dma_start3A_200 = tpu.memref_slice %arg4[%run_scoped3A_127, %mul3A_126] : memref<2x320000xi32, #tpu.memory_space<hbm>> -> memref<1x64xi32, #tpu.memory_space<hbm>>
          %dma_start3A_201 = tpu.memref_squeeze %dma_start3A_200 : memref<1x64xi32, #tpu.memory_space<hbm>> -> memref<64xi32, #tpu.memory_space<hbm>>
          %dma_start3A_202 = tpu.memref_slice %arg4[%run_scoped3A_127, %mul3A_126] : memref<2x320000xi32, #tpu.memory_space<hbm>> -> memref<1x64xi32, #tpu.memory_space<hbm>>
          %dma_start3A_203 = tpu.memref_squeeze %dma_start3A_202 : memref<1x64xi32, #tpu.memory_space<hbm>> -> memref<64xi32, #tpu.memory_space<hbm>>
          tpu.enqueue_dma source(%dma_start3A_203 : memref<64xi32, #tpu.memory_space<hbm>>) target(%arg14 : memref<64xi32, #tpu.memory_space<vmem>>) target_semaphore(%run_scoped3A_199 : memref<!tpu.dma_semaphore, #tpu.memory_space<semaphore_mem>>)
          %dma_wait3A = tpu.memref_slice %arg4[%run_scoped3A_127, %mul3A_126] : memref<2x320000xi32, #tpu.memory_space<hbm>> -> memref<1x64xi32, #tpu.memory_space<hbm>>
          %dma_wait3A_204 = tpu.memref_squeeze %dma_wait3A : memref<1x64xi32, #tpu.memory_space<hbm>> -> memref<64xi32, #tpu.memory_space<hbm>>
          %dma_wait3A_205 = tpu.memref_slice %arg4[%run_scoped3A_127, %mul3A_126] : memref<2x320000xi32, #tpu.memory_space<hbm>> -> memref<1x64xi32, #tpu.memory_space<hbm>>
          %dma_wait3A_206 = tpu.memref_squeeze %dma_wait3A_205 : memref<1x64xi32, #tpu.memory_space<hbm>> -> memref<64xi32, #tpu.memory_space<hbm>>
          tpu.wait_dma2 semaphore(%run_scoped3A_199 : memref<!tpu.dma_semaphore, #tpu.memory_space<semaphore_mem>>) src(%dma_wait3A_206 : memref<64xi32, #tpu.memory_space<hbm>>) dst(%arg14 : memref<64xi32, #tpu.memory_space<vmem>>)
          tpu.yield
        }) : () -> ()
        %run_scoped3A_128 = arith.constant 1 : i32
        "tpu.region"() ({
          %run_scoped3A_199 = tpu.sem_alloc : memref<!tpu.dma_semaphore, #tpu.memory_space<semaphore_mem>>
          %dma_start3A_200 = tpu.memref_slice %arg4[%run_scoped3A_128, %mul3A_126] : memref<2x320000xi32, #tpu.memory_space<hbm>> -> memref<1x64xi32, #tpu.memory_space<hbm>>
          %dma_start3A_201 = tpu.memref_squeeze %dma_start3A_200 : memref<1x64xi32, #tpu.memory_space<hbm>> -> memref<64xi32, #tpu.memory_space<hbm>>
          %dma_start3A_202 = tpu.memref_slice %arg4[%run_scoped3A_128, %mul3A_126] : memref<2x320000xi32, #tpu.memory_space<hbm>> -> memref<1x64xi32, #tpu.memory_space<hbm>>
          %dma_start3A_203 = tpu.memref_squeeze %dma_start3A_202 : memref<1x64xi32, #tpu.memory_space<hbm>> -> memref<64xi32, #tpu.memory_space<hbm>>
          tpu.enqueue_dma source(%dma_start3A_203 : memref<64xi32, #tpu.memory_space<hbm>>) target(%arg15 : memref<64xi32, #tpu.memory_space<vmem>>) target_semaphore(%run_scoped3A_199 : memref<!tpu.dma_semaphore, #tpu.memory_space<semaphore_mem>>)
          %dma_wait3A = tpu.memref_slice %arg4[%run_scoped3A_128, %mul3A_126] : memref<2x320000xi32, #tpu.memory_space<hbm>> -> memref<1x64xi32, #tpu.memory_space<hbm>>
          %dma_wait3A_204 = tpu.memref_squeeze %dma_wait3A : memref<1x64xi32, #tpu.memory_space<hbm>> -> memref<64xi32, #tpu.memory_space<hbm>>
          %dma_wait3A_205 = tpu.memref_slice %arg4[%run_scoped3A_128, %mul3A_126] : memref<2x320000xi32, #tpu.memory_space<hbm>> -> memref<1x64xi32, #tpu.memory_space<hbm>>
          %dma_wait3A_206 = tpu.memref_squeeze %dma_wait3A_205 : memref<1x64xi32, #tpu.memory_space<hbm>> -> memref<64xi32, #tpu.memory_space<hbm>>
          tpu.wait_dma2 semaphore(%run_scoped3A_199 : memref<!tpu.dma_semaphore, #tpu.memory_space<semaphore_mem>>) src(%dma_wait3A_206 : memref<64xi32, #tpu.memory_space<hbm>>) dst(%arg15 : memref<64xi32, #tpu.memory_space<vmem>>)
          tpu.yield
        }) : () -> ()
        %get3A_129 = arith.constant 0 : index
        %get3A_130 = tpu.vector_load %arg14[%get3A_129] {strides = array<i32>} : memref<64xi32, #tpu.memory_space<vmem>>, vector<16xi32>,
        %get3A_131 = arith.constant 0 : index
        %get3A_132 = tpu.vector_load %arg15[%get3A_131] {strides = array<i32>} : memref<64xi32, #tpu.memory_space<vmem>>, vector<16xi32>,
        %mul3A_133 = arith.constant 2 : i32
        %mul3A_134 = vector.broadcast %mul3A_133 : i32 to vector<16xi32>
        %mul3A_135 = arith.muli %mul3A_134, %iota3A : vector<16xi32>
        %add3A_136 = arith.constant 0 : i32
        %add3A_137 = vector.broadcast %add3A_136 : i32 to vector<16xi32>
        %add3A_138 = arith.addi %add3A_137, %mul3A_135 : vector<16xi32>
        tpu.vector_store_idx %arg10[%add3A_138], %get3A_130 : memref<128xi32, #tpu.memory_space<vmem>>[vector<16xi32>], vector<16xi32>,
        %add3A_139 = arith.constant 1 : i32
        %add3A_140 = vector.broadcast %add3A_139 : i32 to vector<16xi32>
        %add3A_141 = arith.addi %add3A_138, %add3A_140 : vector<16xi32>
        tpu.vector_store_idx %arg10[%add3A_141], %get3A_132 : memref<128xi32, #tpu.memory_space<vmem>>[vector<16xi32>], vector<16xi32>,
        tpu.vector_store_idx %arg11[%add3A_138], %get3A_132 : memref<128xi32, #tpu.memory_space<vmem>>[vector<16xi32>], vector<16xi32>,
        %add3A_142 = arith.constant 1 : i32
        %add3A_143 = vector.broadcast %add3A_142 : i32 to vector<16xi32>
        %add3A_144 = arith.addi %add3A_138, %add3A_143 : vector<16xi32>
        tpu.vector_store_idx %arg11[%add3A_144], %get3A_130 : memref<128xi32, #tpu.memory_space<vmem>>[vector<16xi32>], vector<16xi32>,
        %get3A_145 = arith.constant 16 : index
        %get3A_146 = tpu.vector_load %arg14[%get3A_145] {strides = array<i32>} : memref<64xi32, #tpu.memory_space<vmem>>, vector<16xi32>,
        %get3A_147 = arith.constant 16 : index
        %get3A_148 = tpu.vector_load %arg15[%get3A_147] {strides = array<i32>} : memref<64xi32, #tpu.memory_space<vmem>>, vector<16xi32>,
        %mul3A_149 = arith.constant 2 : i32
        %mul3A_150 = vector.broadcast %mul3A_149 : i32 to vector<16xi32>
        %mul3A_151 = arith.muli %mul3A_150, %iota3A : vector<16xi32>
        %add3A_152 = arith.constant 32 : i32
        %add3A_153 = vector.broadcast %add3A_152 : i32 to vector<16xi32>
        %add3A_154 = arith.addi %add3A_153, %mul3A_151 : vector<16xi32>
        tpu.vector_store_idx %arg10[%add3A_154], %get3A_146 : memref<128xi32, #tpu.memory_space<vmem>>[vector<16xi32>], vector<16xi32>,
        %add3A_155 = arith.constant 1 : i32
        %add3A_156 = vector.broadcast %add3A_155 : i32 to vector<16xi32>
        %add3A_157 = arith.addi %add3A_154, %add3A_156 : vector<16xi32>
        tpu.vector_store_idx %arg10[%add3A_157], %get3A_148 : memref<128xi32, #tpu.memory_space<vmem>>[vector<16xi32>], vector<16xi32>,
        tpu.vector_store_idx %arg11[%add3A_154], %get3A_148 : memref<128xi32, #tpu.memory_space<vmem>>[vector<16xi32>], vector<16xi32>,
        %add3A_158 = arith.constant 1 : i32
        %add3A_159 = vector.broadcast %add3A_158 : i32 to vector<16xi32>
        %add3A_160 = arith.addi %add3A_154, %add3A_159 : vector<16xi32>
        tpu.vector_store_idx %arg11[%add3A_160], %get3A_146 : memref<128xi32, #tpu.memory_space<vmem>>[vector<16xi32>], vector<16xi32>,
        %get3A_161 = arith.constant 32 : index
        %get3A_162 = tpu.vector_load %arg14[%get3A_161] {strides = array<i32>} : memref<64xi32, #tpu.memory_space<vmem>>, vector<16xi32>,
        %get3A_163 = arith.constant 32 : index
        %get3A_164 = tpu.vector_load %arg15[%get3A_163] {strides = array<i32>} : memref<64xi32, #tpu.memory_space<vmem>>, vector<16xi32>,
        %mul3A_165 = arith.constant 2 : i32
        %mul3A_166 = vector.broadcast %mul3A_165 : i32 to vector<16xi32>
        %mul3A_167 = arith.muli %mul3A_166, %iota3A : vector<16xi32>
        %add3A_168 = arith.constant 64 : i32
        %add3A_169 = vector.broadcast %add3A_168 : i32 to vector<16xi32>
        %add3A_170 = arith.addi %add3A_169, %mul3A_167 : vector<16xi32>
        tpu.vector_store_idx %arg10[%add3A_170], %get3A_162 : memref<128xi32, #tpu.memory_space<vmem>>[vector<16xi32>], vector<16xi32>,
        %add3A_171 = arith.constant 1 : i32
        %add3A_172 = vector.broadcast %add3A_171 : i32 to vector<16xi32>
        %add3A_173 = arith.addi %add3A_170, %add3A_172 : vector<16xi32>
        tpu.vector_store_idx %arg10[%add3A_173], %get3A_164 : memref<128xi32, #tpu.memory_space<vmem>>[vector<16xi32>], vector<16xi32>,
        tpu.vector_store_idx %arg11[%add3A_170], %get3A_164 : memref<128xi32, #tpu.memory_space<vmem>>[vector<16xi32>], vector<16xi32>,
        %add3A_174 = arith.constant 1 : i32
        %add3A_175 = vector.broadcast %add3A_174 : i32 to vector<16xi32>
        %add3A_176 = arith.addi %add3A_170, %add3A_175 : vector<16xi32>
        tpu.vector_store_idx %arg11[%add3A_176], %get3A_162 : memref<128xi32, #tpu.memory_space<vmem>>[vector<16xi32>], vector<16xi32>,
        %get3A_177 = arith.constant 48 : index
        %get3A_178 = tpu.vector_load %arg14[%get3A_177] {strides = array<i32>} : memref<64xi32, #tpu.memory_space<vmem>>, vector<16xi32>,
        %get3A_179 = arith.constant 48 : index
        %get3A_180 = tpu.vector_load %arg15[%get3A_179] {strides = array<i32>} : memref<64xi32, #tpu.memory_space<vmem>>, vector<16xi32>,
        %mul3A_181 = arith.constant 2 : i32
        %mul3A_182 = vector.broadcast %mul3A_181 : i32 to vector<16xi32>
        %mul3A_183 = arith.muli %mul3A_182, %iota3A : vector<16xi32>
        %add3A_184 = arith.constant 96 : i32
        %add3A_185 = vector.broadcast %add3A_184 : i32 to vector<16xi32>
        %add3A_186 = arith.addi %add3A_185, %mul3A_183 : vector<16xi32>
        tpu.vector_store_idx %arg10[%add3A_186], %get3A_178 : memref<128xi32, #tpu.memory_space<vmem>>[vector<16xi32>], vector<16xi32>,
        %add3A_187 = arith.constant 1 : i32
        %add3A_188 = vector.broadcast %add3A_187 : i32 to vector<16xi32>
        %add3A_189 = arith.addi %add3A_186, %add3A_188 : vector<16xi32>
        tpu.vector_store_idx %arg10[%add3A_189], %get3A_180 : memref<128xi32, #tpu.memory_space<vmem>>[vector<16xi32>], vector<16xi32>,
        tpu.vector_store_idx %arg11[%add3A_186], %get3A_180 : memref<128xi32, #tpu.memory_space<vmem>>[vector<16xi32>], vector<16xi32>,
        %add3A_190 = arith.constant 1 : i32
        %add3A_191 = vector.broadcast %add3A_190 : i32 to vector<16xi32>
        %add3A_192 = arith.addi %add3A_186, %add3A_191 : vector<16xi32>
        tpu.vector_store_idx %arg11[%add3A_192], %get3A_178 : memref<128xi32, #tpu.memory_space<vmem>>[vector<16xi32>], vector<16xi32>,
        %dma_start3A_193 = arith.constant 0 : i32
        %dma_start3A_194 = arith.constant 0 : i32
        %dma_start3A_195 = tpu.memref_slice %arg2[%dma_start3A_193, %dma_start3A_194] : memref<10000x256xbf16, #tpu.memory_space<hbm>> -> memref<10000x256xbf16, #tpu.memory_space<hbm>>
        tpu.enqueue_indirect_dma source(%dma_start3A_195 : memref<10000x256xbf16, #tpu.memory_space<hbm>>) target(%arg6 : memref<128x256xbf16, #tpu.memory_space<vmem>>) offsets(%arg11 : memref<128xi32, #tpu.memory_space<vmem>>) semaphore(%arg16 : memref<!tpu.dma_semaphore, #tpu.memory_space<semaphore_mem>>)
        %dma_start3A_196 = arith.constant 0 : i32
        %dma_start3A_197 = arith.constant 0 : i32
        %dma_start3A_198 = tpu.memref_slice %arg3[%dma_start3A_196, %dma_start3A_197] : memref<10000x256xbf16, #tpu.memory_space<hbm>> -> memref<10000x256xbf16, #tpu.memory_space<hbm>>
        tpu.enqueue_indirect_dma source(%dma_start3A_198 : memref<10000x256xbf16, #tpu.memory_space<hbm>>) target(%arg7 : memref<128x256xbf16, #tpu.memory_space<vmem>>) offsets(%arg10 : memref<128xi32, #tpu.memory_space<vmem>>) semaphore(%arg16 : memref<!tpu.dma_semaphore, #tpu.memory_space<semaphore_mem>>)
      } else {
      }
      %mul3A_112 = arith.constant 32 : i32
      %mul3A_113 = arith.muli %add3A_101, %mul3A_112 : i32
      %add3A_114 = arith.addi %mul3A_113, %add3A : i32
      %lt3A_115 = arith.constant 5000 : i32
      %lt3A_116 = arith.cmpi slt, %add3A_114, %lt3A_115 : i32
      %convert_element_type3A_117 = arith.extui %lt3A_116 : i1 to i32
      %cond3A_118 = arith.constant 0 : i32
      %cond3A_119 = arith.cmpi ne, %convert_element_type3A_117, %cond3A_118 : i32
      scf.if %cond3A_119 {
        %dma_wait3A = arith.constant 0 : i32
        %dma_wait3A_120 = arith.constant 0 : i32
        %dma_wait3A_121 = tpu.memref_slice %arg2[%dma_wait3A, %dma_wait3A_120] : memref<10000x256xbf16, #tpu.memory_space<hbm>> -> memref<128x256xbf16, #tpu.memory_space<hbm>>
        %dma_wait3A_122 = arith.constant 0 : i32
        %dma_wait3A_123 = arith.constant 0 : i32
        %dma_wait3A_124 = tpu.memref_slice %arg2[%dma_wait3A_122, %dma_wait3A_123] : memref<10000x256xbf16, #tpu.memory_space<hbm>> -> memref<128x256xbf16, #tpu.memory_space<hbm>>
        tpu.wait_dma2 semaphore(%arg17 : memref<!tpu.dma_semaphore, #tpu.memory_space<semaphore_mem>>) src(%dma_wait3A_124 : memref<128x256xbf16, #tpu.memory_space<hbm>>) dst(%arg8 : memref<128x256xbf16, #tpu.memory_space<vmem>>)
        %dma_wait3A_125 = arith.constant 0 : i32
        %dma_wait3A_126 = arith.constant 0 : i32
        %dma_wait3A_127 = tpu.memref_slice %arg2[%dma_wait3A_125, %dma_wait3A_126] : memref<10000x256xbf16, #tpu.memory_space<hbm>> -> memref<128x256xbf16, #tpu.memory_space<hbm>>
        %dma_wait3A_128 = arith.constant 0 : i32
        %dma_wait3A_129 = arith.constant 0 : i32
        %dma_wait3A_130 = tpu.memref_slice %arg2[%dma_wait3A_128, %dma_wait3A_129] : memref<10000x256xbf16, #tpu.memory_space<hbm>> -> memref<128x256xbf16, #tpu.memory_space<hbm>>
        tpu.wait_dma2 semaphore(%arg17 : memref<!tpu.dma_semaphore, #tpu.memory_space<semaphore_mem>>) src(%dma_wait3A_130 : memref<128x256xbf16, #tpu.memory_space<hbm>>) dst(%arg9 : memref<128x256xbf16, #tpu.memory_space<vmem>>)
        %scan3A_131 = arith.constant 0 : i32
        %scan3A_132 = arith.constant 128 : i32
        %scan3A_133 = arith.addi %scan3A_131, %scan3A_132 : i32
        %scan3A_134 = arith.constant 1 : i32
        scf.for %scan3A_141 = %scan3A_131 to %scan3A_133 step %scan3A_134  : i32 {
          %get3A_142 = arith.index_cast %scan3A_141 : i32 to index
          %get3A_143 = arith.constant 0 : index
          %get3A_144 = tpu.vector_load %arg8[%get3A_142, %get3A_143] {strides = array<i32>} : memref<128x256xbf16, #tpu.memory_space<vmem>>, vector<32xbf16>,
          %get3A_145 = arith.index_cast %scan3A_141 : i32 to index
          %get3A_146 = arith.constant 0 : index
          %get3A_147 = tpu.vector_load %arg9[%get3A_145, %get3A_146] {strides = array<i32>} : memref<128x256xbf16, #tpu.memory_space<vmem>>, vector<32xbf16>,
          %add3A_148 = arith.addf %get3A_144, %get3A_147 : vector<32xbf16>
          %swap3A = arith.index_cast %scan3A_141 : i32 to index
          %swap3A_149 = arith.constant 0 : index
          %swap3A_150 = tpu.vector_load %arg8[%swap3A, %swap3A_149] {strides = array<i32>} : memref<128x256xbf16, #tpu.memory_space<vmem>>, vector<32xbf16>,
          tpu.vector_store %arg8[%swap3A, %swap3A_149], %add3A_148 {strides = array<i32>} : memref<128x256xbf16, #tpu.memory_space<vmem>>, vector<32xbf16>,
          %get3A_151 = arith.index_cast %scan3A_141 : i32 to index
          %get3A_152 = arith.constant 32 : index
          %get3A_153 = tpu.vector_load %arg8[%get3A_151, %get3A_152] {strides = array<i32>} : memref<128x256xbf16, #tpu.memory_space<vmem>>, vector<32xbf16>,
          %get3A_154 = arith.index_cast %scan3A_141 : i32 to index
          %get3A_155 = arith.constant 32 : index
          %get3A_156 = tpu.vector_load %arg9[%get3A_154, %get3A_155] {strides = array<i32>} : memref<128x256xbf16, #tpu.memory_space<vmem>>, vector<32xbf16>,
          %add3A_157 = arith.addf %get3A_153, %get3A_156 : vector<32xbf16>
          %swap3A_158 = arith.index_cast %scan3A_141 : i32 to index
          %swap3A_159 = arith.constant 32 : index
          %swap3A_160 = tpu.vector_load %arg8[%swap3A_158, %swap3A_159] {strides = array<i32>} : memref<128x256xbf16, #tpu.memory_space<vmem>>, vector<32xbf16>,
          tpu.vector_store %arg8[%swap3A_158, %swap3A_159], %add3A_157 {strides = array<i32>} : memref<128x256xbf16, #tpu.memory_space<vmem>>, vector<32xbf16>,
          %get3A_161 = arith.index_cast %scan3A_141 : i32 to index
          %get3A_162 = arith.constant 64 : index
          %get3A_163 = tpu.vector_load %arg8[%get3A_161, %get3A_162] {strides = array<i32>} : memref<128x256xbf16, #tpu.memory_space<vmem>>, vector<32xbf16>,
          %get3A_164 = arith.index_cast %scan3A_141 : i32 to index
          %get3A_165 = arith.constant 64 : index
          %get3A_166 = tpu.vector_load %arg9[%get3A_164, %get3A_165] {strides = array<i32>} : memref<128x256xbf16, #tpu.memory_space<vmem>>, vector<32xbf16>,
          %add3A_167 = arith.addf %get3A_163, %get3A_166 : vector<32xbf16>
          %swap3A_168 = arith.index_cast %scan3A_141 : i32 to index
          %swap3A_169 = arith.constant 64 : index
          %swap3A_170 = tpu.vector_load %arg8[%swap3A_168, %swap3A_169] {strides = array<i32>} : memref<128x256xbf16, #tpu.memory_space<vmem>>, vector<32xbf16>,
          tpu.vector_store %arg8[%swap3A_168, %swap3A_169], %add3A_167 {strides = array<i32>} : memref<128x256xbf16, #tpu.memory_space<vmem>>, vector<32xbf16>,
          %get3A_171 = arith.index_cast %scan3A_141 : i32 to index
          %get3A_172 = arith.constant 96 : index
          %get3A_173 = tpu.vector_load %arg8[%get3A_171, %get3A_172] {strides = array<i32>} : memref<128x256xbf16, #tpu.memory_space<vmem>>, vector<32xbf16>,
          %get3A_174 = arith.index_cast %scan3A_141 : i32 to index
          %get3A_175 = arith.constant 96 : index
          %get3A_176 = tpu.vector_load %arg9[%get3A_174, %get3A_175] {strides = array<i32>} : memref<128x256xbf16, #tpu.memory_space<vmem>>, vector<32xbf16>,
          %add3A_177 = arith.addf %get3A_173, %get3A_176 : vector<32xbf16>
          %swap3A_178 = arith.index_cast %scan3A_141 : i32 to index
          %swap3A_179 = arith.constant 96 : index
          %swap3A_180 = tpu.vector_load %arg8[%swap3A_178, %swap3A_179] {strides = array<i32>} : memref<128x256xbf16, #tpu.memory_space<vmem>>, vector<32xbf16>,
          tpu.vector_store %arg8[%swap3A_178, %swap3A_179], %add3A_177 {strides = array<i32>} : memref<128x256xbf16, #tpu.memory_space<vmem>>, vector<32xbf16>,
          %get3A_181 = arith.index_cast %scan3A_141 : i32 to index
          %get3A_182 = arith.constant 128 : index
          %get3A_183 = tpu.vector_load %arg8[%get3A_181, %get3A_182] {strides = array<i32>} : memref<128x256xbf16, #tpu.memory_space<vmem>>, vector<32xbf16>,
          %get3A_184 = arith.index_cast %scan3A_141 : i32 to index
          %get3A_185 = arith.constant 128 : index
          %get3A_186 = tpu.vector_load %arg9[%get3A_184, %get3A_185] {strides = array<i32>} : memref<128x256xbf16, #tpu.memory_space<vmem>>, vector<32xbf16>,
          %add3A_187 = arith.addf %get3A_183, %get3A_186 : vector<32xbf16>
          %swap3A_188 = arith.index_cast %scan3A_141 : i32 to index
          %swap3A_189 = arith.constant 128 : index
          %swap3A_190 = tpu.vector_load %arg8[%swap3A_188, %swap3A_189] {strides = array<i32>} : memref<128x256xbf16, #tpu.memory_space<vmem>>, vector<32xbf16>,
          tpu.vector_store %arg8[%swap3A_188, %swap3A_189], %add3A_187 {strides = array<i32>} : memref<128x256xbf16, #tpu.memory_space<vmem>>, vector<32xbf16>,
          %get3A_191 = arith.index_cast %scan3A_141 : i32 to index
          %get3A_192 = arith.constant 160 : index
          %get3A_193 = tpu.vector_load %arg8[%get3A_191, %get3A_192] {strides = array<i32>} : memref<128x256xbf16, #tpu.memory_space<vmem>>, vector<32xbf16>,
          %get3A_194 = arith.index_cast %scan3A_141 : i32 to index
          %get3A_195 = arith.constant 160 : index
          %get3A_196 = tpu.vector_load %arg9[%get3A_194, %get3A_195] {strides = array<i32>} : memref<128x256xbf16, #tpu.memory_space<vmem>>, vector<32xbf16>,
          %add3A_197 = arith.addf %get3A_193, %get3A_196 : vector<32xbf16>
          %swap3A_198 = arith.index_cast %scan3A_141 : i32 to index
          %swap3A_199 = arith.constant 160 : index
          %swap3A_200 = tpu.vector_load %arg8[%swap3A_198, %swap3A_199] {strides = array<i32>} : memref<128x256xbf16, #tpu.memory_space<vmem>>, vector<32xbf16>,
          tpu.vector_store %arg8[%swap3A_198, %swap3A_199], %add3A_197 {strides = array<i32>} : memref<128x256xbf16, #tpu.memory_space<vmem>>, vector<32xbf16>,
          %get3A_201 = arith.index_cast %scan3A_141 : i32 to index
          %get3A_202 = arith.constant 192 : index
          %get3A_203 = tpu.vector_load %arg8[%get3A_201, %get3A_202] {strides = array<i32>} : memref<128x256xbf16, #tpu.memory_space<vmem>>, vector<32xbf16>,
          %get3A_204 = arith.index_cast %scan3A_141 : i32 to index
          %get3A_205 = arith.constant 192 : index
          %get3A_206 = tpu.vector_load %arg9[%get3A_204, %get3A_205] {strides = array<i32>} : memref<128x256xbf16, #tpu.memory_space<vmem>>, vector<32xbf16>,
          %add3A_207 = arith.addf %get3A_203, %get3A_206 : vector<32xbf16>
          %swap3A_208 = arith.index_cast %scan3A_141 : i32 to index
          %swap3A_209 = arith.constant 192 : index
          %swap3A_210 = tpu.vector_load %arg8[%swap3A_208, %swap3A_209] {strides = array<i32>} : memref<128x256xbf16, #tpu.memory_space<vmem>>, vector<32xbf16>,
          tpu.vector_store %arg8[%swap3A_208, %swap3A_209], %add3A_207 {strides = array<i32>} : memref<128x256xbf16, #tpu.memory_space<vmem>>, vector<32xbf16>,
          %get3A_211 = arith.index_cast %scan3A_141 : i32 to index
          %get3A_212 = arith.constant 224 : index
          %get3A_213 = tpu.vector_load %arg8[%get3A_211, %get3A_212] {strides = array<i32>} : memref<128x256xbf16, #tpu.memory_space<vmem>>, vector<32xbf16>,
          %get3A_214 = arith.index_cast %scan3A_141 : i32 to index
          %get3A_215 = arith.constant 224 : index
          %get3A_216 = tpu.vector_load %arg9[%get3A_214, %get3A_215] {strides = array<i32>} : memref<128x256xbf16, #tpu.memory_space<vmem>>, vector<32xbf16>,
          %add3A_217 = arith.addf %get3A_213, %get3A_216 : vector<32xbf16>
          %swap3A_218 = arith.index_cast %scan3A_141 : i32 to index
          %swap3A_219 = arith.constant 224 : index
          %swap3A_220 = tpu.vector_load %arg8[%swap3A_218, %swap3A_219] {strides = array<i32>} : memref<128x256xbf16, #tpu.memory_space<vmem>>, vector<32xbf16>,
          tpu.vector_store %arg8[%swap3A_218, %swap3A_219], %add3A_217 {strides = array<i32>} : memref<128x256xbf16, #tpu.memory_space<vmem>>, vector<32xbf16>,
        }
        %scan3A_135 = arith.constant 128 : i32
        %mul3A_136 = arith.constant 32 : i32
        %mul3A_137 = arith.muli %add3A_101, %mul3A_136 : i32
        %add3A_138 = arith.addi %mul3A_137, %add3A : i32
        %mul3A_139 = arith.constant 128 : i32
        %mul3A_140 = arith.muli %add3A_138, %mul3A_139 : i32
        "tpu.region"() ({
          %run_scoped3A_141 = tpu.sem_alloc : memref<!tpu.dma_semaphore, #tpu.memory_space<semaphore_mem>>
          %dma_start3A_142 = arith.constant 0 : i32
          %dma_start3A_143 = tpu.memref_slice %arg5[%mul3A_140, %dma_start3A_142] : memref<640000x256xbf16, #tpu.memory_space<hbm>> -> memref<128x256xbf16, #tpu.memory_space<hbm>>
          %dma_start3A_144 = arith.constant 0 : i32
          %dma_start3A_145 = tpu.memref_slice %arg5[%mul3A_140, %dma_start3A_144] : memref<640000x256xbf16, #tpu.memory_space<hbm>> -> memref<128x256xbf16, #tpu.memory_space<hbm>>
          tpu.enqueue_dma source(%arg8 : memref<128x256xbf16, #tpu.memory_space<vmem>>) target(%dma_start3A_145 : memref<128x256xbf16, #tpu.memory_space<hbm>>) target_semaphore(%run_scoped3A_141 : memref<!tpu.dma_semaphore, #tpu.memory_space<semaphore_mem>>)
          %dma_wait3A_146 = arith.constant 0 : i32
          %dma_wait3A_147 = tpu.memref_slice %arg5[%mul3A_140, %dma_wait3A_146] : memref<640000x256xbf16, #tpu.memory_space<hbm>> -> memref<128x256xbf16, #tpu.memory_space<hbm>>
          %dma_wait3A_148 = arith.constant 0 : i32
          %dma_wait3A_149 = tpu.memref_slice %arg5[%mul3A_140, %dma_wait3A_148] : memref<640000x256xbf16, #tpu.memory_space<hbm>> -> memref<128x256xbf16, #tpu.memory_space<hbm>>
          tpu.wait_dma2 semaphore(%run_scoped3A_141 : memref<!tpu.dma_semaphore, #tpu.memory_space<semaphore_mem>>) src(%arg8 : memref<128x256xbf16, #tpu.memory_space<vmem>>) dst(%dma_wait3A_149 : memref<128x256xbf16, #tpu.memory_space<hbm>>)
          tpu.yield
        }) : () -> ()
      } else {
      }
    }
    %scan3A_77 = arith.constant 79 : i32
    return
  }
}

module attributes {stable_mosaic.version = 14 : i64} {
  func.func @_tables_body(%arg0: i32, %arg1: memref<2000x128xf32, #tpu.memory_space<vmem>>, %arg2: memref<2000x128xf32, #tpu.memory_space<vmem>>, %arg3: memref<2000x16xf32, #tpu.memory_space<vmem>>, %arg4: memref<640x256xf32, #tpu.memory_space<vmem>>, %arg5: memref<2000x256xbf16, #tpu.memory_space<vmem>>, %arg6: memref<2000x256xbf16, #tpu.memory_space<vmem>>, %arg7: memref<128x256xf32, #tpu.memory_space<vmem>>, %arg8: memref<2x256xf32, #tpu.memory_space<vmem>>) attributes {dimension_semantics = [#tpu.dimension_semantics<arbitrary>], iteration_bounds = array<i64: 5>, scalar_prefetch = 0 : i64, scratch_operands = 0 : i64, tpu.core_type = #tpu.core_type<tc>, window_params = [{transform_indices = @transform_0, window_bounds = array<i64: 2000, 128>}, {transform_indices = @transform_1, window_bounds = array<i64: 2000, 128>}, {transform_indices = @transform_2, window_bounds = array<i64: 2000, 16>}, {pipeline_mode = #tpu.pipeline_mode<synchronous>, transform_indices = @transform_3, window_bounds = array<i64: 640, 256>}, {transform_indices = @transform_4, window_bounds = array<i64: 2000, 256>}, {transform_indices = @transform_5, window_bounds = array<i64: 2000, 256>}, {pipeline_mode = #tpu.pipeline_mode<synchronous>, transform_indices = @transform_6, window_bounds = array<i64: 128, 256>}, {pipeline_mode = #tpu.pipeline_mode<synchronous>, transform_indices = @transform_7, window_bounds = array<i64: 2, 256>}]} {
    %get3A = arith.constant 0 : index
    %get3A_0 = arith.constant 0 : index
    %get3A_1 = vector.load %arg1[%get3A, %get3A_0] : memref<2000x128xf32, #tpu.memory_space<vmem>>, vector<2000x128xf32>
    %get3A_2 = arith.constant 0 : index
    %get3A_3 = arith.constant 0 : index
    %get3A_4 = vector.load %arg2[%get3A_2, %get3A_3] : memref<2000x128xf32, #tpu.memory_space<vmem>>, vector<2000x128xf32>
    %get3A_5 = arith.constant 0 : index
    %get3A_6 = arith.constant 0 : index
    %get3A_7 = vector.load %arg3[%get3A_5, %get3A_6] : memref<2000x16xf32, #tpu.memory_space<vmem>>, vector<2000x1xf32>
    %get3A_8 = arith.constant 128 : index
    %get3A_9 = arith.constant 0 : index
    %get3A_10 = vector.load %arg4[%get3A_8, %get3A_9] : memref<640x256xf32, #tpu.memory_space<vmem>>, vector<128x256xf32>
    %get3A_11 = arith.constant 256 : index
    %get3A_12 = arith.constant 0 : index
    %get3A_13 = vector.load %arg4[%get3A_11, %get3A_12] : memref<640x256xf32, #tpu.memory_space<vmem>>, vector<128x256xf32>
    %get3A_14 = arith.constant 384 : index
    %get3A_15 = arith.constant 0 : index
    %get3A_16 = vector.load %arg4[%get3A_14, %get3A_15] : memref<640x256xf32, #tpu.memory_space<vmem>>, vector<128x256xf32>
    %get3A_17 = arith.constant 512 : index
    %get3A_18 = arith.constant 0 : index
    %get3A_19 = vector.load %arg4[%get3A_17, %get3A_18] : memref<640x256xf32, #tpu.memory_space<vmem>>, vector<128x256xf32>
    %get3A_20 = arith.constant 0 : index
    %get3A_21 = arith.constant 0 : index
    %get3A_22 = vector.load %arg4[%get3A_20, %get3A_21] : memref<640x256xf32, #tpu.memory_space<vmem>>, vector<128x256xf32>
    %add3A = arith.addf %get3A_22, %get3A_10 : vector<128x256xf32>
    %add3A_23 = arith.addf %get3A_10, %get3A_13 : vector<128x256xf32>
    %dot_general3A = arith.constant dense<0.000000e+00> : vector<2000x256xf32>
    %dot_general3A_24 = tpu.matmul %get3A_1, %add3A_23, %dot_general3A {dimension_numbers = #tpu.dot_dimension_numbers<[1], [0], [0], [1], [0, 0, 1, 1], [], []>, precision = #tpu.contract_precision<fp32>, transpose_lhs_hint = false} : vector<2000x128xf32>, vector<128x256xf32>, vector<2000x256xf32> -> vector<2000x256xf32>
    %mul3A = vector.broadcast %get3A_7 : vector<2000x1xf32> to vector<2000x128xf32>
    %mul3A_25 = arith.mulf %mul3A, %get3A_1 : vector<2000x128xf32>
    %add3A_26 = arith.addf %get3A_10, %get3A_13 : vector<128x256xf32>
    %add3A_27 = arith.addf %add3A_26, %get3A_16 : vector<128x256xf32>
    %add3A_28 = arith.addf %add3A_27, %get3A_19 : vector<128x256xf32>
    %dot_general3A_29 = arith.constant dense<0.000000e+00> : vector<2000x256xf32>
    %dot_general3A_30 = tpu.matmul %mul3A_25, %add3A_28, %dot_general3A_29 {dimension_numbers = #tpu.dot_dimension_numbers<[1], [0], [0], [1], [0, 0, 1, 1], [], []>, precision = #tpu.contract_precision<fp32>, transpose_lhs_hint = false} : vector<2000x128xf32>, vector<128x256xf32>, vector<2000x256xf32> -> vector<2000x256xf32>
    %add3A_31 = arith.addf %get3A_10, %get3A_16 : vector<128x256xf32>
    %dot_general3A_32 = arith.constant dense<0.000000e+00> : vector<2000x256xf32>
    %dot_general3A_33 = tpu.matmul %get3A_4, %add3A_31, %dot_general3A_32 {dimension_numbers = #tpu.dot_dimension_numbers<[1], [0], [0], [1], [0, 0, 1, 1], [], []>, precision = #tpu.contract_precision<fp32>, transpose_lhs_hint = false} : vector<2000x128xf32>, vector<128x256xf32>, vector<2000x256xf32> -> vector<2000x256xf32>
    %add3A_34 = arith.addf %dot_general3A_30, %dot_general3A_33 : vector<2000x256xf32>
    %convert_element_type3A = arith.truncf %dot_general3A_24 : vector<2000x256xf32> to vector<2000x256xbf16>
    %swap3A = arith.constant 0 : index
    %swap3A_35 = arith.constant 0 : index
    %swap3A_36 = vector.load %arg5[%swap3A, %swap3A_35] : memref<2000x256xbf16, #tpu.memory_space<vmem>>, vector<2000x256xbf16>
    tpu.vector_store %arg5[%swap3A, %swap3A_35], %convert_element_type3A {strides = array<i32>} : memref<2000x256xbf16, #tpu.memory_space<vmem>>, vector<2000x256xbf16>,
    %convert_element_type3A_37 = arith.truncf %add3A_34 : vector<2000x256xf32> to vector<2000x256xbf16>
    %swap3A_38 = arith.constant 0 : index
    %swap3A_39 = arith.constant 0 : index
    %swap3A_40 = vector.load %arg6[%swap3A_38, %swap3A_39] : memref<2000x256xbf16, #tpu.memory_space<vmem>>, vector<2000x256xbf16>
    tpu.vector_store %arg6[%swap3A_38, %swap3A_39], %convert_element_type3A_37 {strides = array<i32>} : memref<2000x256xbf16, #tpu.memory_space<vmem>>, vector<2000x256xbf16>,
    %swap3A_41 = arith.constant 0 : index
    %swap3A_42 = arith.constant 0 : index
    %swap3A_43 = vector.load %arg7[%swap3A_41, %swap3A_42] : memref<128x256xf32, #tpu.memory_space<vmem>>, vector<128x256xf32>
    tpu.vector_store %arg7[%swap3A_41, %swap3A_42], %add3A {strides = array<i32>} : memref<128x256xf32, #tpu.memory_space<vmem>>, vector<128x256xf32>,
    %dot_general3A_44 = arith.constant dense<0.000000e+00> : vector<2000x256xf32>
    %dot_general3A_45 = tpu.matmul %get3A_1, %add3A, %dot_general3A_44 {dimension_numbers = #tpu.dot_dimension_numbers<[1], [0], [0], [1], [0, 0, 1, 1], [], []>, precision = #tpu.contract_precision<fp32>, transpose_lhs_hint = false} : vector<2000x128xf32>, vector<128x256xf32>, vector<2000x256xf32> -> vector<2000x256xf32>
    %eq3A = arith.constant 0 : i32
    %eq3A_46 = arith.cmpi eq, %arg0, %eq3A : i32
    %convert_element_type3A_47 = arith.extui %eq3A_46 : i1 to i32
    %cond3A = arith.constant 0 : i32
    %cond3A_48 = arith.cmpi ne, %convert_element_type3A_47, %cond3A : i32
    scf.if %cond3A_48 {
      %broadcast_in_dim3A_76 = arith.constant 0.000000e+00 : f32
      %broadcast_in_dim3A_77 = vector.broadcast %broadcast_in_dim3A_76 : f32 to vector<2x256xf32>
      %swap3A_78 = arith.constant 0 : index
      %swap3A_79 = arith.constant 0 : index
      %swap3A_80 = vector.load %arg8[%swap3A_78, %swap3A_79] : memref<2x256xf32, #tpu.memory_space<vmem>>, vector<2x256xf32>
      tpu.vector_store %arg8[%swap3A_78, %swap3A_79], %broadcast_in_dim3A_77 {strides = array<i32>} : memref<2x256xf32, #tpu.memory_space<vmem>>, vector<2x256xf32>,
    } else {
    }
    %get3A_49 = arith.constant 0 : index
    %get3A_50 = arith.constant 0 : index
    %get3A_51 = vector.load %arg8[%get3A_49, %get3A_50] : memref<2x256xf32, #tpu.memory_space<vmem>>, vector<1x256xf32>
    %add3A_52 = arith.addf %dot_general3A_24, %add3A_34 : vector<2000x256xf32>
    %mul3A_53 = vector.broadcast %get3A_7 : vector<2000x1xf32> to vector<2000x256xf32>
    %mul3A_54 = arith.mulf %mul3A_53, %add3A_52 : vector<2000x256xf32>
    %add3A_55 = arith.addf %dot_general3A_45, %mul3A_54 : vector<2000x256xf32>
    %reduce_sum3A = arith.constant dense<0.000000e+00> : vector<256xf32>
    %reduce_sum3A_56 = vector.multi_reduction <add>, %add3A_55, %reduce_sum3A [0] : vector<2000x256xf32> to vector<256xf32>
    %broadcast_in_dim3A = vector.shape_cast %reduce_sum3A_56 : vector<256xf32> to vector<1x256xf32>
    %add3A_57 = arith.addf %get3A_51, %broadcast_in_dim3A : vector<1x256xf32>
    %swap3A_58 = arith.constant 0 : index
    %swap3A_59 = arith.constant 0 : index
    %swap3A_60 = vector.load %arg8[%swap3A_58, %swap3A_59] : memref<2x256xf32, #tpu.memory_space<vmem>>, vector<1x256xf32>
    tpu.vector_store %arg8[%swap3A_58, %swap3A_59], %add3A_57 {strides = array<i32>} : memref<2x256xf32, #tpu.memory_space<vmem>>, vector<1x256xf32>,
    %get3A_61 = arith.constant 1 : index
    %get3A_62 = arith.constant 0 : index
    %get3A_63 = vector.load %arg8[%get3A_61, %get3A_62] : memref<2x256xf32, #tpu.memory_space<vmem>>, vector<1x256xf32>
    %mul3A_64 = arith.mulf %dot_general3A_24, %dot_general3A_24 : vector<2000x256xf32>
    %mul3A_65 = arith.mulf %add3A_34, %add3A_34 : vector<2000x256xf32>
    %add3A_66 = arith.addf %mul3A_64, %mul3A_65 : vector<2000x256xf32>
    %mul3A_67 = vector.broadcast %get3A_7 : vector<2000x1xf32> to vector<2000x256xf32>
    %mul3A_68 = arith.mulf %mul3A_67, %add3A_66 : vector<2000x256xf32>
    %reduce_sum3A_69 = arith.constant dense<0.000000e+00> : vector<256xf32>
    %reduce_sum3A_70 = vector.multi_reduction <add>, %mul3A_68, %reduce_sum3A_69 [0] : vector<2000x256xf32> to vector<256xf32>
    %broadcast_in_dim3A_71 = vector.shape_cast %reduce_sum3A_70 : vector<256xf32> to vector<1x256xf32>
    %add3A_72 = arith.addf %get3A_63, %broadcast_in_dim3A_71 : vector<1x256xf32>
    %swap3A_73 = arith.constant 1 : index
    %swap3A_74 = arith.constant 0 : index
    %swap3A_75 = vector.load %arg8[%swap3A_73, %swap3A_74] : memref<2x256xf32, #tpu.memory_space<vmem>>, vector<1x256xf32>
    tpu.vector_store %arg8[%swap3A_73, %swap3A_74], %add3A_72 {strides = array<i32>} : memref<2x256xf32, #tpu.memory_space<vmem>>, vector<1x256xf32>,
    return
  }
  func.func @transform_0(%arg0: i32) -> (i32, i32) {
    %c0_i32 = arith.constant 0 : i32
    %c0_i32_0 = arith.constant 0 : i32
    return %arg0, %c0_i32 : i32, i32
  }
  func.func @transform_1(%arg0: i32) -> (i32, i32) {
    %c0_i32 = arith.constant 0 : i32
    %c0_i32_0 = arith.constant 0 : i32
    return %arg0, %c0_i32 : i32, i32
  }
  func.func @transform_2(%arg0: i32) -> (i32, i32) {
    %c0_i32 = arith.constant 0 : i32
    %c0_i32_0 = arith.constant 0 : i32
    return %arg0, %c0_i32 : i32, i32
  }
  func.func @transform_3(%arg0: i32) -> (i32, i32) {
    %c0_i32 = arith.constant 0 : i32
    %c0_i32_0 = arith.constant 0 : i32
    %c0_i32_1 = arith.constant 0 : i32
    return %c0_i32, %c0_i32_0 : i32, i32
  }
  func.func @transform_4(%arg0: i32) -> (i32, i32) {
    %c0_i32 = arith.constant 0 : i32
    %c0_i32_0 = arith.constant 0 : i32
    return %arg0, %c0_i32 : i32, i32
  }
  func.func @transform_5(%arg0: i32) -> (i32, i32) {
    %c0_i32 = arith.constant 0 : i32
    %c0_i32_0 = arith.constant 0 : i32
    return %arg0, %c0_i32 : i32, i32
  }
  func.func @transform_6(%arg0: i32) -> (i32, i32) {
    %c0_i32 = arith.constant 0 : i32
    %c0_i32_0 = arith.constant 0 : i32
    %c0_i32_1 = arith.constant 0 : i32
    return %c0_i32, %c0_i32_0 : i32, i32
  }
  func.func @transform_7(%arg0: i32) -> (i32, i32) {
    %c0_i32 = arith.constant 0 : i32
    %c0_i32_0 = arith.constant 0 : i32
    %c0_i32_1 = arith.constant 0 : i32
    return %c0_i32, %c0_i32_0 : i32, i32
  }
}

module attributes {stable_mosaic.version = 14 : i64} {
  func.func @_l2_body(%arg0: i32, %arg1: memref<8000x128xf32, #tpu.memory_space<vmem>>, %arg2: memref<8000x256xbf16, #tpu.memory_space<vmem>>, %arg3: memref<128x256xf32, #tpu.memory_space<vmem>>, %arg4: memref<1x256xf32, #tpu.memory_space<vmem>>, %arg5: memref<1x256xf32, #tpu.memory_space<vmem>>, %arg6: memref<256x128xf32, #tpu.memory_space<vmem>>, %arg7: memref<8000x128xbf16, #tpu.memory_space<vmem>>, %arg8: memref<2x128xf32, #tpu.memory_space<vmem>>) attributes {dimension_semantics = [#tpu.dimension_semantics<arbitrary>], iteration_bounds = array<i64: 80>, scalar_prefetch = 0 : i64, scratch_operands = 0 : i64, tpu.core_type = #tpu.core_type<tc>, window_params = [{transform_indices = @transform_0, window_bounds = array<i64: 8000, 128>}, {transform_indices = @transform_1, window_bounds = array<i64: 8000, 256>}, {pipeline_mode = #tpu.pipeline_mode<synchronous>, transform_indices = @transform_2, window_bounds = array<i64: 128, 256>}, {pipeline_mode = #tpu.pipeline_mode<synchronous>, transform_indices = @transform_3, window_bounds = array<i64: 1, 256>}, {pipeline_mode = #tpu.pipeline_mode<synchronous>, transform_indices = @transform_4, window_bounds = array<i64: 1, 256>}, {pipeline_mode = #tpu.pipeline_mode<synchronous>, transform_indices = @transform_5, window_bounds = array<i64: 256, 128>}, {transform_indices = @transform_6, window_bounds = array<i64: 8000, 128>}, {pipeline_mode = #tpu.pipeline_mode<synchronous>, transform_indices = @transform_7, window_bounds = array<i64: 2, 128>}]} {
    %get3A = arith.constant 0 : index
    %get3A_0 = arith.constant 0 : index
    %get3A_1 = vector.load %arg1[%get3A, %get3A_0] : memref<8000x128xf32, #tpu.memory_space<vmem>>, vector<8000x128xf32>
    %get3A_2 = arith.constant 0 : index
    %get3A_3 = arith.constant 0 : index
    %get3A_4 = vector.load %arg3[%get3A_2, %get3A_3] : memref<128x256xf32, #tpu.memory_space<vmem>>, vector<128x256xf32>
    %dot_general3A = arith.constant dense<0.000000e+00> : vector<8000x256xf32>
    %dot_general3A_5 = tpu.matmul %get3A_1, %get3A_4, %dot_general3A {dimension_numbers = #tpu.dot_dimension_numbers<[1], [0], [0], [1], [0, 0, 1, 1], [], []>, transpose_lhs_hint = false} : vector<8000x128xf32>, vector<128x256xf32>, vector<8000x256xf32> -> vector<8000x256xf32>
    %get3A_6 = arith.constant 0 : index
    %get3A_7 = arith.constant 0 : index
    %get3A_8 = vector.load %arg2[%get3A_6, %get3A_7] : memref<8000x256xbf16, #tpu.memory_space<vmem>>, vector<8000x256xbf16>
    %convert_element_type3A = arith.extf %get3A_8 : vector<8000x256xbf16> to vector<8000x256xf32>
    %add3A = arith.addf %dot_general3A_5, %convert_element_type3A : vector<8000x256xf32>
    %get3A_9 = arith.constant 0 : index
    %get3A_10 = arith.constant 0 : index
    %get3A_11 = vector.load %arg4[%get3A_9, %get3A_10] : memref<1x256xf32, #tpu.memory_space<vmem>>, vector<1x256xf32>
    %mul3A = vector.broadcast %get3A_11 : vector<1x256xf32> to vector<8000x256xf32>
    %mul3A_12 = arith.mulf %add3A, %mul3A : vector<8000x256xf32>
    %get3A_13 = arith.constant 0 : index
    %get3A_14 = arith.constant 0 : index
    %get3A_15 = vector.load %arg5[%get3A_13, %get3A_14] : memref<1x256xf32, #tpu.memory_space<vmem>>, vector<1x256xf32>
    %add3A_16 = vector.broadcast %get3A_15 : vector<1x256xf32> to vector<8000x256xf32>
    %add3A_17 = arith.addf %mul3A_12, %add3A_16 : vector<8000x256xf32>
    %max3A = arith.constant 0.000000e+00 : f32
    %max3A_18 = vector.broadcast %max3A : f32 to vector<8000x256xf32>
    %max3A_19 = arith.maximumf %add3A_17, %max3A_18 : vector<8000x256xf32>
    %get3A_20 = arith.constant 0 : index
    %get3A_21 = arith.constant 0 : index
    %get3A_22 = vector.load %arg6[%get3A_20, %get3A_21] : memref<256x128xf32, #tpu.memory_space<vmem>>, vector<256x128xf32>
    %dot_general3A_23 = arith.constant dense<0.000000e+00> : vector<8000x128xf32>
    %dot_general3A_24 = tpu.matmul %max3A_19, %get3A_22, %dot_general3A_23 {dimension_numbers = #tpu.dot_dimension_numbers<[1], [0], [0], [1], [0, 0, 1, 1], [], []>, transpose_lhs_hint = false} : vector<8000x256xf32>, vector<256x128xf32>, vector<8000x128xf32> -> vector<8000x128xf32>
    %convert_element_type3A_25 = arith.truncf %dot_general3A_24 : vector<8000x128xf32> to vector<8000x128xbf16>
    %swap3A = arith.constant 0 : index
    %swap3A_26 = arith.constant 0 : index
    %swap3A_27 = vector.load %arg7[%swap3A, %swap3A_26] : memref<8000x128xbf16, #tpu.memory_space<vmem>>, vector<8000x128xbf16>
    tpu.vector_store %arg7[%swap3A, %swap3A_26], %convert_element_type3A_25 {strides = array<i32>} : memref<8000x128xbf16, #tpu.memory_space<vmem>>, vector<8000x128xbf16>,
    %eq3A = arith.constant 0 : i32
    %eq3A_28 = arith.cmpi eq, %arg0, %eq3A : i32
    %convert_element_type3A_29 = arith.extui %eq3A_28 : i1 to i32
    %cond3A = arith.constant 0 : i32
    %cond3A_30 = arith.cmpi ne, %convert_element_type3A_29, %cond3A : i32
    scf.if %cond3A_30 {
      %broadcast_in_dim3A_50 = arith.constant 0.000000e+00 : f32
      %broadcast_in_dim3A_51 = vector.broadcast %broadcast_in_dim3A_50 : f32 to vector<2x128xf32>
      %swap3A_52 = arith.constant 0 : index
      %swap3A_53 = arith.constant 0 : index
      %swap3A_54 = vector.load %arg8[%swap3A_52, %swap3A_53] : memref<2x128xf32, #tpu.memory_space<vmem>>, vector<2x128xf32>
      tpu.vector_store %arg8[%swap3A_52, %swap3A_53], %broadcast_in_dim3A_51 {strides = array<i32>} : memref<2x128xf32, #tpu.memory_space<vmem>>, vector<2x128xf32>,
    } else {
    }
    %get3A_31 = arith.constant 0 : index
    %get3A_32 = arith.constant 0 : index
    %get3A_33 = vector.load %arg8[%get3A_31, %get3A_32] : memref<2x128xf32, #tpu.memory_space<vmem>>, vector<1x128xf32>
    %reduce_sum3A = arith.constant dense<0.000000e+00> : vector<128xf32>
    %reduce_sum3A_34 = vector.multi_reduction <add>, %dot_general3A_24, %reduce_sum3A [0] : vector<8000x128xf32> to vector<128xf32>
    %broadcast_in_dim3A = vector.shape_cast %reduce_sum3A_34 : vector<128xf32> to vector<1x128xf32>
    %add3A_35 = arith.addf %get3A_33, %broadcast_in_dim3A : vector<1x128xf32>
    %swap3A_36 = arith.constant 0 : index
    %swap3A_37 = arith.constant 0 : index
    %swap3A_38 = vector.load %arg8[%swap3A_36, %swap3A_37] : memref<2x128xf32, #tpu.memory_space<vmem>>, vector<1x128xf32>
    tpu.vector_store %arg8[%swap3A_36, %swap3A_37], %add3A_35 {strides = array<i32>} : memref<2x128xf32, #tpu.memory_space<vmem>>, vector<1x128xf32>,
    %get3A_39 = arith.constant 1 : index
    %get3A_40 = arith.constant 0 : index
    %get3A_41 = vector.load %arg8[%get3A_39, %get3A_40] : memref<2x128xf32, #tpu.memory_space<vmem>>, vector<1x128xf32>
    %mul3A_42 = arith.mulf %dot_general3A_24, %dot_general3A_24 : vector<8000x128xf32>
    %reduce_sum3A_43 = arith.constant dense<0.000000e+00> : vector<128xf32>
    %reduce_sum3A_44 = vector.multi_reduction <add>, %mul3A_42, %reduce_sum3A_43 [0] : vector<8000x128xf32> to vector<128xf32>
    %broadcast_in_dim3A_45 = vector.shape_cast %reduce_sum3A_44 : vector<128xf32> to vector<1x128xf32>
    %add3A_46 = arith.addf %get3A_41, %broadcast_in_dim3A_45 : vector<1x128xf32>
    %swap3A_47 = arith.constant 1 : index
    %swap3A_48 = arith.constant 0 : index
    %swap3A_49 = vector.load %arg8[%swap3A_47, %swap3A_48] : memref<2x128xf32, #tpu.memory_space<vmem>>, vector<1x128xf32>
    tpu.vector_store %arg8[%swap3A_47, %swap3A_48], %add3A_46 {strides = array<i32>} : memref<2x128xf32, #tpu.memory_space<vmem>>, vector<1x128xf32>,
    return
  }
  func.func @transform_0(%arg0: i32) -> (i32, i32) {
    %c0_i32 = arith.constant 0 : i32
    %c0_i32_0 = arith.constant 0 : i32
    return %arg0, %c0_i32 : i32, i32
  }
  func.func @transform_1(%arg0: i32) -> (i32, i32) {
    %c0_i32 = arith.constant 0 : i32
    %c0_i32_0 = arith.constant 0 : i32
    return %arg0, %c0_i32 : i32, i32
  }
  func.func @transform_2(%arg0: i32) -> (i32, i32) {
    %c0_i32 = arith.constant 0 : i32
    %c0_i32_0 = arith.constant 0 : i32
    %c0_i32_1 = arith.constant 0 : i32
    return %c0_i32, %c0_i32_0 : i32, i32
  }
  func.func @transform_3(%arg0: i32) -> (i32, i32) {
    %c0_i32 = arith.constant 0 : i32
    %c0_i32_0 = arith.constant 0 : i32
    %c0_i32_1 = arith.constant 0 : i32
    return %c0_i32, %c0_i32_0 : i32, i32
  }
  func.func @transform_4(%arg0: i32) -> (i32, i32) {
    %c0_i32 = arith.constant 0 : i32
    %c0_i32_0 = arith.constant 0 : i32
    %c0_i32_1 = arith.constant 0 : i32
    return %c0_i32, %c0_i32_0 : i32, i32
  }
  func.func @transform_5(%arg0: i32) -> (i32, i32) {
    %c0_i32 = arith.constant 0 : i32
    %c0_i32_0 = arith.constant 0 : i32
    %c0_i32_1 = arith.constant 0 : i32
    return %c0_i32, %c0_i32_0 : i32, i32
  }
  func.func @transform_6(%arg0: i32) -> (i32, i32) {
    %c0_i32 = arith.constant 0 : i32
    %c0_i32_0 = arith.constant 0 : i32
    return %arg0, %c0_i32 : i32, i32
  }
  func.func @transform_7(%arg0: i32) -> (i32, i32) {
    %c0_i32 = arith.constant 0 : i32
    %c0_i32_0 = arith.constant 0 : i32
    %c0_i32_1 = arith.constant 0 : i32
    return %c0_i32, %c0_i32_0 : i32, i32
  }
}

module attributes {stable_mosaic.version = 14 : i64} {
  func.func @_out_body(%arg0: i32, %arg1: memref<8000x128xbf16, #tpu.memory_space<vmem>>, %arg2: memref<1x128xf32, #tpu.memory_space<vmem>>, %arg3: memref<1x128xf32, #tpu.memory_space<vmem>>, %arg4: memref<8000x128xf32, #tpu.memory_space<vmem>>) attributes {dimension_semantics = [#tpu.dimension_semantics<arbitrary>], iteration_bounds = array<i64: 80>, scalar_prefetch = 0 : i64, scratch_operands = 0 : i64, tpu.core_type = #tpu.core_type<tc>, window_params = [{transform_indices = @transform_0, window_bounds = array<i64: 8000, 128>}, {pipeline_mode = #tpu.pipeline_mode<synchronous>, transform_indices = @transform_1, window_bounds = array<i64: 1, 128>}, {pipeline_mode = #tpu.pipeline_mode<synchronous>, transform_indices = @transform_2, window_bounds = array<i64: 1, 128>}, {transform_indices = @transform_3, window_bounds = array<i64: 8000, 128>}]} {
    %get3A = arith.constant 0 : index
    %get3A_0 = arith.constant 0 : index
    %get3A_1 = vector.load %arg1[%get3A, %get3A_0] : memref<8000x128xbf16, #tpu.memory_space<vmem>>, vector<8000x128xbf16>
    %convert_element_type3A = arith.extf %get3A_1 : vector<8000x128xbf16> to vector<8000x128xf32>
    %get3A_2 = arith.constant 0 : index
    %get3A_3 = arith.constant 0 : index
    %get3A_4 = vector.load %arg2[%get3A_2, %get3A_3] : memref<1x128xf32, #tpu.memory_space<vmem>>, vector<1x128xf32>
    %mul3A = vector.broadcast %get3A_4 : vector<1x128xf32> to vector<8000x128xf32>
    %mul3A_5 = arith.mulf %convert_element_type3A, %mul3A : vector<8000x128xf32>
    %get3A_6 = arith.constant 0 : index
    %get3A_7 = arith.constant 0 : index
    %get3A_8 = vector.load %arg3[%get3A_6, %get3A_7] : memref<1x128xf32, #tpu.memory_space<vmem>>, vector<1x128xf32>
    %add3A = vector.broadcast %get3A_8 : vector<1x128xf32> to vector<8000x128xf32>
    %add3A_9 = arith.addf %mul3A_5, %add3A : vector<8000x128xf32>
    %max3A = arith.constant 0.000000e+00 : f32
    %max3A_10 = vector.broadcast %max3A : f32 to vector<8000x128xf32>
    %max3A_11 = arith.maximumf %add3A_9, %max3A_10 : vector<8000x128xf32>
    %swap3A = arith.constant 0 : index
    %swap3A_12 = arith.constant 0 : index
    %swap3A_13 = vector.load %arg4[%swap3A, %swap3A_12] : memref<8000x128xf32, #tpu.memory_space<vmem>>, vector<8000x128xf32>
    tpu.vector_store %arg4[%swap3A, %swap3A_12], %max3A_11 {strides = array<i32>} : memref<8000x128xf32, #tpu.memory_space<vmem>>, vector<8000x128xf32>,
    return
  }
  func.func @transform_0(%arg0: i32) -> (i32, i32) {
    %c0_i32 = arith.constant 0 : i32
    %c0_i32_0 = arith.constant 0 : i32
    return %arg0, %c0_i32 : i32, i32
  }
  func.func @transform_1(%arg0: i32) -> (i32, i32) {
    %c0_i32 = arith.constant 0 : i32
    %c0_i32_0 = arith.constant 0 : i32
    %c0_i32_1 = arith.constant 0 : i32
    return %c0_i32, %c0_i32_0 : i32, i32
  }
  func.func @transform_2(%arg0: i32) -> (i32, i32) {
    %c0_i32 = arith.constant 0 : i32
    %c0_i32_0 = arith.constant 0 : i32
    %c0_i32_1 = arith.constant 0 : i32
    return %c0_i32, %c0_i32_0 : i32, i32
  }
  func.func @transform_3(%arg0: i32) -> (i32, i32) {
    %c0_i32 = arith.constant 0 : i32
    %c0_i32_0 = arith.constant 0 : i32
    return %arg0, %c0_i32 : i32, i32
  }
}

</mosaic_0001>

<sc_bundles>
// kernel: kernel.10.cloned.1.call-start
scs
__scs_entry_jumppad:
0x0: {  	(pc) =	sbr.rel $0x88, $3  }
0x1: {  	(tag) =	ssettag $0x0;
	lr =	simm.s32 $0x1  }
0x2: {  	[smem:$0x3F99] =	sst lr;
	_ =	strace $0xD0000000  }
0x3: {  	_ = 	snop  }
0x4: {  	_ = 	snop  }
0x5: {  	_ = 	snop  }
0x6: {  	_ = 	snop  }
0x7: {  	_ = 	snop  }
__scs_overlays_trampoline_lowered:
0x8: {  	[smem:$0x3FA8] =	sst s0  }
0x9: {  	[smem:$0x3FA9] =	sst s1  }
0xa: {  	[smem:$0x3FAA] =	sst s2  }
0xb: {  	[smem:$0x3FAB] =	sst s3  }
0xc: {  	[smem:$0x3FAC] =	sst s4  }
0xd: {  	[smem:$0x3FAD] =	sst s5  }
0xe: {  	[smem:$0x3FAE] =	sst s6  }
0xf: {  	[smem:$0x3FAF] =	sst s7  }
0x10: {  	[smem:$0x3FB0] =	sst s8  }
0x11: {  	[smem:$0x3FB1] =	sst s9;
	s0 =	simm.s32 @!p0 $0x0  }
0x12: {  	s1 =	sld [smem:$0x3F97];
	s0 =	simm.s32 @p0 $0x1  }
0x13: {  	[smem:$0x3FB2] =	sst s0;
	s0 =	simm.s32 @!p1 $0x0  }
0x14: {  	s2 =	sld [smem:$0x3F96];
	s0 =	simm.s32 @p1 $0x1  }
0x15: {  	[smem:$0x3FB3] =	sst s0;
	s0 =	simm.s32 @!p2 $0x0  }
0x16: {  	s3 =	sld [smem:$0x3FDB];
	s0 =	simm.s32 @p2 $0x1  }
0x17: {  	s4 =	simm.s32 $0x1BF5;
	[smem:$0x3FB5] =	sst s0  }
0x18: {  	s0 =	sld [smem:$0x3F98];
	_ =	swait.ge [sflag:s4], $0x0  }
0x19: {  	s7 =	sld [smem:$0x3F99]  }
0x1a: {  	s8 =	sadd.s32 $0xFFFFE003, lr  }
0x1b: {  	s9 =	sadd.s32 $0xFFFFFEF7, lr;
	s5 =	simm.s32 $0xFFFFFFFF;
	p2 =	slt.u32 s8, $0xFFFFF086  }
0x1c: {  	p1 =	slt.u32 s9, $0xF7A;
	s5 =	simm.s32 @!p2 $0x0  }
0x1d: {  	s5 =	simm.s32 @p1 $0x1;
	p0 =	seq.s32 s7, s2  }
0x1e: {  	s7 =	smul.u32 @!p0 $0xF7A, s2;
	p2 =	seq.s32 @!p0 s5, $0x0  }
0x1f: {  	s9 =	smul.u32 $0xF7A, s1;
	s8 =	simm.s32 @!p0 $0x1BF5;
	p2 =	por !p2, p0  }
0x20: {  	[sflag:s8] =	ssyncset.s32 @!p0 $0xFFFFF086;
	s6 =	sadd.s32 @!p0 s3, s7;
	s7 =	simm.s32 @!p0 $0x108  }
0x21: {  	s3 =	sadd.s32 s3, s9;
	s6 =	sadd.s32 @!p0 $0x88, s6;
	s7 =	simm.s32 @p2 $0x1082  }
0x22: {  	[simem:s7], [sflag:s8] =	dma.local @!p0 [hbm:s6], $0xF7A  }
0x23: {  	s9 =	sor.u32 $0xD0000000, s2;
	s6 =	simm.s32 $0x108;
	_ =	swait.ge @!p0 [sflag:s8], $0x0  }
0x24: {  	s3 =	sadd.s32 $0x88, s3;
	s6 =	simm.s32 @!p1 $0x1082;
	[sflag:s4] =	ssyncset.s32 $0xFFFFF086  }
0x25: {  	[simem:s6], [sflag:s4] =	dma.local [hbm:s3], $0xF7A  }
0x26: {  	[smem:$0x3F99] =	sst s1;
	(tag) =	ssettag s2;
	_ =	strace s9  }
0x27: {  	s1 =	sld [smem:$0x3FA9]  }
0x28: {  	s2 =	sld [smem:$0x3FAA]  }
0x29: {  	s4 =	sld [smem:$0x3FAC]  }
0x2a: {  	p0 =	seq.s32 s5, $0x0;
	s5 =	sld [smem:$0x3FAD]  }
0x2b: {  	s6 =	sld [smem:$0x3FAE]  }
0x2c: {  	s7 =	sld [smem:$0x3FAF]  }
0x2d: {  	s3 =	simm.s32 $0x108;
	s8 =	sld [smem:$0x3FB0]  }
0x2e: {  	s3 =	simm.s32 @!p0 $0x1082;
	s9 =	sld [smem:$0x3FB1]  }
0x2f: {  	lr =	sadd.s32 s0, s3;
	s0 =	sld [smem:$0x3FA8]  }
0x30: {  	s3 =	sld [smem:$0x3FAB]  }
0x31: {  	[smem:$0x3FB4] =	sst s10  }
0x32: {  	s10 =	sld [smem:$0x3FB2];
	_ =	sdelay $0x3  }
0x33: {  	p0 =	seq.s32 s10, $0x1;
	s10 =	sld [smem:$0x3FB4];
	_ =	sdelay $0x3  }
0x34: {  	[smem:$0x3FB4] =	sst s10  }
0x35: {  	s10 =	sld [smem:$0x3FB3];
	_ =	sdelay $0x3  }
0x36: {  	p1 =	seq.s32 s10, $0x1;
	s10 =	sld [smem:$0x3FB4];
	_ =	sdelay $0x3  }
0x37: {  	[smem:$0x3FB4] =	sst s10  }
0x38: {  	s10 =	sld [smem:$0x3FB5]  }
0x39: {  	_ = 	snop;
	(pc) =	sbr.ind lr, $3  }
0x3a: {  	_ = 	snop  }
0x3b: {  	_ = 	snop  }
0x3c: {  	p2 =	seq.s32 s10, $0x1;
	s10 =	sld [smem:$0x3FB4]  }
0x3d: {  	_ =	shalt  }
0x3e: {  	_ =	shalt  }
0x3f: {  	_ =	shalt  }
0x40: {  	_ =	shalt  }
0x41: {  	_ =	shalt  }
0x42: {  	_ =	shalt  }
0x43: {  	_ =	shalt  }
0x44: {  	_ =	shalt  }
0x45: {  	_ =	shalt  }
0x46: {  	_ =	shalt  }
0x47: {  	_ =	shalt  }
0x48: {  	_ =	shalt  }
0x49: {  	_ =	shalt  }
0x4a: {  	_ =	shalt  }
0x4b: {  	_ =	shalt  }
0x4c: {  	_ =	shalt  }
0x4d: {  	_ =	shalt  }
0x4e: {  	_ =	shalt  }
0x4f: {  	_ =	shalt  }
0x50: {  	_ =	shalt  }
0x51: {  	_ =	shalt  }
0x52: {  	_ =	shalt  }
0x53: {  	_ =	shalt  }
0x54: {  	_ =	shalt  }
0x55: {  	_ =	shalt  }
0x56: {  	_ =	shalt  }
0x57: {  	_ =	shalt  }
0x58: {  	_ =	shalt  }
0x59: {  	_ =	shalt  }
0x5a: {  	_ =	shalt  }
0x5b: {  	_ =	shalt  }
0x5c: {  	_ =	shalt  }
0x5d: {  	_ =	shalt  }
0x5e: {  	_ =	shalt  }
0x5f: {  	_ =	shalt  }
0x60: {  	_ =	shalt  }
0x61: {  	_ =	shalt  }
0x62: {  	_ =	shalt  }
0x63: {  	_ =	shalt  }
0x64: {  	_ =	shalt  }
0x65: {  	_ =	shalt  }
0x66: {  	_ =	shalt  }
0x67: {  	_ =	shalt  }
0x68: {  	_ =	shalt  }
0x69: {  	_ =	shalt  }
0x6a: {  	_ =	shalt  }
0x6b: {  	_ =	shalt  }
0x6c: {  	_ =	shalt  }
0x6d: {  	_ =	shalt  }
0x6e: {  	_ =	shalt  }
0x6f: {  	_ =	shalt  }
0x70: {  	_ =	shalt  }
0x71: {  	_ =	shalt  }
0x72: {  	_ =	shalt  }
0x73: {  	_ =	shalt  }
0x74: {  	_ =	shalt  }
0x75: {  	_ =	shalt  }
0x76: {  	_ =	shalt  }
0x77: {  	_ =	shalt  }
0x78: {  	_ =	shalt  }
0x79: {  	_ =	shalt  }
0x7a: {  	_ =	shalt  }
0x7b: {  	_ =	shalt  }
0x7c: {  	_ =	shalt  }
0x7d: {  	_ =	shalt  }
0x7e: {  	_ =	shalt  }
0x7f: {  	_ =	shalt  }
0x80: {  	_ =	shalt  }
0x81: {  	_ =	shalt  }
0x82: {  	_ =	shalt  }
0x83: {  	_ =	shalt  }
0x84: {  	_ =	shalt  }
0x85: {  	_ =	shalt  }
0x86: {  	_ =	shalt  }
0x87: {  	_ =	shalt  }
.Lfunc_end0:
.L_simem_size_0:
called_computation.1_lowered:
.L_overlay_start_0:
0x88: {  	s2 =	sld [smem:$0x3FD9]  }
0x89: {  	s3 =	sld [smem:$0x3FFE];
	_ =	sdelay $0x1  }
0x8a: {  	s1 =	srdreg.scid  }
0x8b: {  	s0 =	sand.u32 $0x1, s1  }
0x8c: {  	s17 =	sshll.u32 s0, $0xA;
	s2 =	sadd.s32 s3, s2  }
0x8d: {  	s2 =	sadd.s32 s2, s17  }
0x8e: {  	[smem:$0x3FC0] =	sst s2  }
0x8f: {  	_ = 	snop  }
0x90: {  	s2 =	sld [smem:$0x3FD0];
	(tm) =	ssettm $0x1  }
0x91: {  	s18 =	sld [smem:$0x3FFB];
	_ =	sdelay $0x3  }
0x92: {  	_ =	strace s18  }
0x93: {  	s3 =	sld [smem:$0x3FFC];
	_ =	sdelay $0x3  }
0x94: {  	_ =	strace s3  }
0x95: {  	s3 =	sld [smem:$0x3FFD];
	_ =	sdelay $0x3  }
0x96: {  	_ =	strace s3  }
0x97: {  	_ =	strace $0x8FFFFFFF  }
0x98: {  	s19 =	sld [smem:$0x3FDB];
	_ =	sdelay $0x1  }
0x99: {  	s4 =	simm.s32 $_scs_section_size  }
0x9a: {  	s5 =	simm.s32 $_size__tile_overlayer_lowered;
	s6 =	simm.s32 $_tile_overlayer_lowered  }
0x9b: {  	s22 =	simm.s32 $0x1BFF;
	s21 =	sshll.u32 s6, $0x1;
	s3 =	sadd.s32 s4, s19  }
0x9c: {  	s7 =	simm.s32 $0x0;
	s20 =	sshll.u32 s5, $0x1;
	s5 =	sadd.s32 s21, s3  }
0x9d: {  	[timem:s7], [sflag:s22] =	dma.local [hbm:s5], s20  }
0x9e: {  	_ =	swait.ge [sflag:s22], s20  }
0x9f: {  	s4 =	ssub.s32 $0x0, s20;
	[sflag:s22] =	ssyncset.done $0x0  }
0xa0: {  	[sflag:s22] =	ssyncadd.s32 s4;
	_ =	sdelay $0x1  }
0xa1: {  	s23 =	simm.s32 $0x1B8B  }
0xa2: {  	_ =	swait.ge [sflag:s23], $0x1  }
0xa3: {  	[sflag:s23] =	ssyncset.done $0x0  }
0xa4: {  	s25 =	simm.s32 $0x1B8E;
	s24 =	sld [smem:$0x3FFE];
	[sflag:s23] =	ssyncadd.s32 $0xFFFFFFFF  }
0xa5: {  	s26 =	simm.s32 $execute0_lowered;
	[smem:$0x3FD2] =	sst s25  }
0xa6: {  	s5 =	sshll.u32 s26, $0x1;
	_ =	strace $0x80000049;
	[dreg:$0x1] =	wrdreg $0xFFFFFFFF  }
0xa7: {  	s28 =	simm.s32 $_size_execute0_lowered;
	s3 =	sadd.s32 s3, s5;
	[dreg:$0x0] =	wrdreg $0x0  }
0xa8: {  	s5 =	sshll.u32 s28, $0x1;
	[dreg:$0x2] =	wrdreg s3  }
0xa9: {  	[dreg:$0x3] =	wrdreg s5  }
0xaa: {  	[dreg:$0x4] =	wrdreg $0xC0  }
0xab: {  	_ =	task [dreg:s7], $0x5FFFF  }
0xac: {  	[dreg:$0x1] =	wrdreg $0xFFFFFFFF  }
0xad: {  	[dreg:$0x0] =	wrdreg $0x60  }
0xae: {  	[dreg:$0x2] =	wrdreg s2  }
0xaf: {  	[dreg:$0x3] =	wrdreg s24  }
0xb0: {  	[dreg:$0x4] =	wrdreg $0x9  }
0xb1: {  	_ =	task.clear_ibuf [dreg:s7], $0x5FFFF;
	_ =	strace $0x90000049  }
0xb2: {  	s29 =	simm.s32 $0x9;
	_ =	strace $0x8000004B  }
0xb3: {  	_ =	swait.ge [sflag:s29], $0x1  }
0xb4: {  	[sflag:s29] =	ssyncadd.s32 $0xFFFFFFFF  }
0xb5: {  	_ =	strace $0x9000004B  }
0xb6: {  	_ =	sfence  }
0xb7: {  	s30 =	sld [smem:$0x0];
	_ =	sdelay $0x2  }
0xb8: {  	s31 =	sshll.u32 s1, $0xD;
	s1 =	sshrl.u32 s1, $0x2  }
0xb9: {  	s3 =	sand.u32 $0x4000, s31;
	s1 =	sadd.s32 s1, s30  }
0xba: {  	s0 =	sor.u32 s3, s0;
	s1 =	sshll.u32 s1, $0x11  }
0xbb: {  	s0 =	sor.u32 s1, s0  }
0xbc: {  	s0 =	sadd.s32 $0x8F2B, s0  }
0xbd: {  	[sflag:s0] =	ssyncadd.remote.s32 $0x1  }
0xbe: {  	_ =	sfence.sel $0xFFFF  }
0xbf: {  	[dreg:$0x0] =	wrdreg $0xFFFFFFFF;
	(pc) =	sbr.abs _section_cstart, $3  }
0xc0: {  	[dreg:$0x1] =	wrdreg $0xFFFFFFFF  }
0xc1: {  	_ =	task.clear_ibuf [dreg:s7], $0x2FFFF;
	_ =	strace $0x9FFFFFFF  }
0xc2: {  	(tm) =	ssettm $0x7FFFFFFF  }
0xc3: {  	_ =	shalt  }
tec
execute0_lowered:
.L_overlay_start_1:
0x0: {  	(tag) =	ssettag $0x1  }
0x1: {  	s1 =	rddreg [dreg:$0x0]  }
0x2: {  	s9 =	rddreg [dreg:$0x1]  }
0x3: {  	s3 =	simm.s32 $0x0;
	s5 =	srdreg.scid;
	s0 =	stileid.u32  }
0x4: {  	s13 =	simm.s32 $0x10200;
	s14 =	simm.s32 $0x3;
	s15 =	simm.s32 $0x10240  }
0x5: {  	s16 =	simm.s32 $0x10000;
	s17 =	simm.s32 $0x10080;
	s18 =	simm.s32 $0x80  }
0x6: {  	s19 =	simm.s32 $0x4000;
	s20 =	simm.s32 $0x1;
	s21 =	simm.s32 $0x4  }
0x7: {  	s22 =	simm.s32 $0x2;
	s23 =	simm.s32 $0x8000;
	s24 =	simm.s32 $0x0  }
0x8: {  	v0 =	vlaneseq.u32;
	[smem:$0x7FF] =	sst s3;
	s4 =	sadd.s32 $0x17E00, s9;
	s6 =	sand.u32 $0x1, s5  }
.Ltmp0:
0x9: {  	s7 =	sshll.u32 s0, $0x1;
	s5 =	sadd.s32 $0x3200, s9;
	v0 =	vmul.u32 $0x2, v0;
	(pc) =	sbr.rel .LBB2_1-.Ltmp0, $4  }
0xa: {  	_ =	strace $0x8000004A;
	s8 =	ssub.s32 $0x2, s6;
	s6 =	sor.u32 s6, s7  }
0xb: {  	s7 =	sadd.s32 $0x3F000, s9;
	s10 =	sshrl.u32 s8, $0x1;
	s11 =	sshll.u32 s6, $0x3;
	v1 =	vor.u32 $0x1, v0  }
0xc: {  	s9 =	sadd.s32 $0xCE40, s9;
	v2 =	vor.u32 $0x20, v0;
	v3 =	vor.u32 $0x21, v0;
	v4 =	vor.u32 $0x40, v0;
	s12 =	ssub.s32 s8, s10;
	s8 =	sadd.s32 s5, s11  }
0xd: {  	v5 =	vor.u32 $0x41, v0;
	v6 =	vor.u32 $0x60, v0;
	v7 =	vor.u32 $0x61, v0;
	s10 =	sadd.s32 s11, s9;
	s11 =	sor.u32 $0x40, s6;
	s12 =	smax.u32 s12, $0x1  }
.LBB2_11:
0xe: {  	s24 =	sadd.s32 $0x1, s24  }
0xf: {  	p0 =	sne.s32 s24, s12  }
.Ltmp1:
0x10: {  	_ = 	snop;
	(pc) =	sbr.rel @!p0 .LBB2_12-.Ltmp1, $1  }
0x11: {  	_ =	sdelay $0x3  }
.LBB2_1:
0x12: {  	[tilespmem:s13], [sflag:$0x3] =	stream.linear.gather [hbm4b:s8+s3], $0x40, $0x38;
	[tilespmem:$0x10280] =	vst v63  }
0x13: {  	_ =	swait.ge [sflag:s14], $0x40  }
0x14: {  	[sflag:s14] =	ssyncset.done $0x0  }
0x15: {  	[sflag:s14] =	ssyncadd.s32 $0xFFFFFFC0  }
0x16: {  	[tilespmem:s15], [sflag:$0x3] =	stream.linear.gather [hbm4b:s10+s3], $0x40, $0x38;
	[tilespmem:$0x10280] =	vst v63  }
0x17: {  	_ =	swait.ge [sflag:s14], $0x40  }
0x18: {  	[sflag:s14] =	ssyncset.done $0x0  }
0x19: {  	[sflag:s14] =	ssyncadd.s32 $0xFFFFFFC0  }
0x1a: {  	v8 =	vld [tilespmem:$0x10200]  }
0x1b: {  	v9 =	vld [tilespmem:$0x10240];
	_ =	sdelay $0x3  }
0x1c: {  	[tilespmem:v0+s16+$0x0] =	vst.idx.msk $0xffff, v8  }
0x1d: {  	[tilespmem:v1+s16+$0x0] =	vst.idx.msk $0xffff, v9  }
0x1e: {  	[tilespmem:v0+s17+$0x0] =	vst.idx.msk $0xffff, v9  }
0x1f: {  	[tilespmem:v1+s17+$0x0] =	vst.idx.msk $0xffff, v8  }
0x20: {  	v8 =	vld [tilespmem:$0x10210]  }
0x21: {  	v9 =	vld [tilespmem:$0x10250];
	_ =	sdelay $0x3  }
0x22: {  	[tilespmem:v2+s16+$0x0] =	vst.idx.msk $0xffff, v8  }
0x23: {  	[tilespmem:v3+s16+$0x0] =	vst.idx.msk $0xffff, v9  }
0x24: {  	[tilespmem:v2+s17+$0x0] =	vst.idx.msk $0xffff, v9  }
0x25: {  	[tilespmem:v3+s17+$0x0] =	vst.idx.msk $0xffff, v8  }
0x26: {  	v8 =	vld [tilespmem:$0x10220]  }
0x27: {  	v9 =	vld [tilespmem:$0x10260];
	_ =	sdelay $0x3  }
0x28: {  	[tilespmem:v4+s16+$0x0] =	vst.idx.msk $0xffff, v8  }
0x29: {  	[tilespmem:v5+s16+$0x0] =	vst.idx.msk $0xffff, v9  }
0x2a: {  	[tilespmem:v4+s17+$0x0] =	vst.idx.msk $0xffff, v9  }
0x2b: {  	[tilespmem:v5+s17+$0x0] =	vst.idx.msk $0xffff, v8  }
0x2c: {  	v8 =	vld [tilespmem:$0x10230]  }
0x2d: {  	v9 =	vld [tilespmem:$0x10270];
	_ =	sdelay $0x3  }
0x2e: {  	[tilespmem:v6+s16+$0x0] =	vst.idx.msk $0xffff, v8  }
0x2f: {  	[tilespmem:v7+s16+$0x0] =	vst.idx.msk $0xffff, v9  }
.Ltmp2:
0x30: {  	[tilespmem:v6+s17+$0x0] =	vst.idx.msk $0xffff, v9;
	(pc) =	sbr.rel .LBB2_2-.Ltmp2, $4  }
0x31: {  	[tilespmem:v7+s17+$0x0] =	vst.idx.msk $0xffff, v8  }
0x32: {  	[tilespmem:s3], [sflag:$0x1] =	stream.indirect.gather [hbm4b:s1+s18], $0x80, s17, s18, $0xb8;
	[tilespmem:$0x10280] =	vst v63  }
0x33: {  	s25 =	simm.s32 $0x0  }
0x34: {  	[tilespmem:s19], [sflag:$0x1] =	stream.indirect.gather [hbm4b:s4+s18], $0x80, s16, s18, $0xb8;
	[tilespmem:$0x10280] =	vst v63  }
.LBB2_10:
0x35: {  	s25 =	sadd.s32 $0x1, s25  }
0x36: {  	p0 =	sne.s32 s25, $0x4F  }
.Ltmp3:
0x37: {  	_ = 	snop;
	(pc) =	sbr.rel @!p0 .LBB2_11-.Ltmp3, $1  }
0x38: {  	_ =	sdelay $0x3  }
.LBB2_2:
0x39: {  	s28 =	sshll.u32 s25, $0x6  }
0x3a: {  	s29 =	sor.u32 s6, s28  }
0x3b: {  	s26 =	sor.u32 $0x20, s29  }
0x3c: {  	p0 =	sgt.u32 s26, $0x1387  }
0x3d: {  	s30 =	sshll.u32 @!p0 s26, $0x3  }
0x3e: {  	s0 =	simm.s32 @!p0 $0x0;
	s2 =	simm.s32 @!p0 $0x10200;
	s31 =	sadd.s32 @!p0 s5, s30  }
0x3f: {  	[tilespmem:s2], [sflag:$0x4] =	stream.linear.gather @!p0 [hbm4b:s31+s0], $0x40, $0x38;
	[tilespmem:$0x10280] =	vst v63  }
0x40: {  	s2 =	simm.s32 @!p0 $0x4  }
0x41: {  	_ =	swait.ge @!p0 [sflag:s2], $0x40  }
0x42: {  	[sflag:s2] =	ssyncset.done @!p0 $0x0  }
0x43: {  	s30 =	sadd.s32 @!p0 s30, s9;
	s31 =	simm.s32 @!p0 $0x10240;
	[sflag:s2] =	ssyncadd.s32 @!p0 $0xFFFFFFC0  }
0x44: {  	[tilespmem:s31], [sflag:$0x4] =	stream.linear.gather @!p0 [hbm4b:s30+s0], $0x40, $0x38;
	[tilespmem:$0x10280] =	vst v63  }
0x45: {  	_ =	swait.ge @!p0 [sflag:s2], $0x40  }
0x46: {  	v8 =	vlaneseq.u32 @!p0;
	[sflag:s2] =	ssyncset.done @!p0 $0x0  }
0x47: {  	v8 =	vmul.u32 @!p0 $0x2, v8;
	[sflag:s2] =	ssyncadd.s32 @!p0 $0xFFFFFFC0  }
0x48: {  	v9 =	vld @!p0 [tilespmem:$0x10200]  }
0x49: {  	v11 =	vor.u32 @!p0 $0x1, v8;
	v10 =	vld @!p0 [tilespmem:$0x10240];
	_ =	sdelay $0x2  }
0x4a: {  	s0 =	simm.s32 @!p0 $0x10100  }
0x4b: {  	[tilespmem:v8+s0+$0x0] =	vst.idx.msk @!p0 $0xffff, v9  }
0x4c: {  	s2 =	simm.s32 @!p0 $0x10180;
	[tilespmem:v11+s0+$0x0] =	vst.idx.msk @!p0 $0xffff, v10  }
0x4d: {  	[tilespmem:v8+s2+$0x0] =	vst.idx.msk @!p0 $0xffff, v10  }
0x4e: {  	[tilespmem:v11+s2+$0x0] =	vst.idx.msk @!p0 $0xffff, v9  }
0x4f: {  	v10 =	vor.u32 @!p0 $0x20, v8;
	v9 =	vld @!p0 [tilespmem:$0x10210]  }
0x50: {  	v12 =	vor.u32 @!p0 $0x21, v8;
	v11 =	vld @!p0 [tilespmem:$0x10250];
	_ =	sdelay $0x3  }
0x51: {  	[tilespmem:v10+s0+$0x0] =	vst.idx.msk @!p0 $0xffff, v9  }
0x52: {  	[tilespmem:v12+s0+$0x0] =	vst.idx.msk @!p0 $0xffff, v11  }
0x53: {  	[tilespmem:v10+s2+$0x0] =	vst.idx.msk @!p0 $0xffff, v11  }
0x54: {  	[tilespmem:v12+s2+$0x0] =	vst.idx.msk @!p0 $0xffff, v9  }
0x55: {  	v10 =	vor.u32 @!p0 $0x40, v8;
	v9 =	vld @!p0 [tilespmem:$0x10220]  }
0x56: {  	v12 =	vor.u32 @!p0 $0x41, v8;
	v11 =	vld @!p0 [tilespmem:$0x10260];
	_ =	sdelay $0x3  }
0x57: {  	[tilespmem:v10+s0+$0x0] =	vst.idx.msk @!p0 $0xffff, v9  }
0x58: {  	[tilespmem:v12+s0+$0x0] =	vst.idx.msk @!p0 $0xffff, v11  }
0x59: {  	[tilespmem:v10+s2+$0x0] =	vst.idx.msk @!p0 $0xffff, v11  }
0x5a: {  	[tilespmem:v12+s2+$0x0] =	vst.idx.msk @!p0 $0xffff, v9  }
0x5b: {  	v10 =	vor.u32 @!p0 $0x60, v8;
	v9 =	vld @!p0 [tilespmem:$0x10230]  }
0x5c: {  	v8 =	vor.u32 @!p0 $0x61, v8;
	v11 =	vld @!p0 [tilespmem:$0x10270];
	_ =	sdelay $0x3  }
0x5d: {  	[tilespmem:v10+s0+$0x0] =	vst.idx.msk @!p0 $0xffff, v9  }
0x5e: {  	p1 =	sgt.u32 s29, $0x1387;
	[tilespmem:v8+s0+$0x0] =	vst.idx.msk @!p0 $0xffff, v11  }
.Ltmp4:
0x5f: {  	[tilespmem:v10+s2+$0x0] =	vst.idx.msk @!p0 $0xffff, v11;
	(pc) =	sbr.rel @p1 .LBB2_6-.Ltmp4, $4  }
0x60: {  	s30 =	simm.s32 @!p0 $0x80;
	s31 =	simm.s32 @!p0 $0x8000;
	[tilespmem:v8+s2+$0x0] =	vst.idx.msk @!p0 $0xffff, v9  }
0x61: {  	[tilespmem:s31], [sflag:$0x2] =	stream.indirect.gather @!p0 [hbm4b:s1+s30], $0x80, s2, s30, $0xb8;
	[tilespmem:$0x10280] =	vst v63  }
0x62: {  	s2 =	simm.s32 @!p0 $0xC000  }
0x63: {  	[tilespmem:s2], [sflag:$0x2] =	stream.indirect.gather @!p0 [hbm4b:s4+s30], $0x80, s0, s30, $0xb8;
	[tilespmem:$0x10280] =	vst v63  }
0x64: {  	_ =	swait.ge [sflag:s20], $0x4000  }
0x65: {  	[sflag:s20] =	ssyncset.done $0x0  }
0x66: {  	[sflag:s20] =	ssyncadd.s32 $0xFFFFC000  }
0x67: {  	_ =	swait.ge [sflag:s20], $0x4000  }
0x68: {  	[sflag:s20] =	ssyncset.done $0x0  }
0x69: {  	s30 =	simm.s32 $0x0;
	[sflag:s20] =	ssyncadd.s32 $0xFFFFC000  }
0x6a: {  	v15 =	vld [tilespmem:s30+$0x4000]  }
0x6b: {  	v19 =	vld [tilespmem:s30+$0x4010]  }
0x6c: {  	v13 =	vld [tilespmem:s30+$0x4020]  }
0x6d: {  	v12 =	vld [tilespmem:s30+$0x4030]  }
0x6e: {  	v11 =	vld [tilespmem:s30+$0x4040]  }
0x6f: {  	v10 =	vld [tilespmem:s30+$0x4050]  }
0x70: {  	v9 =	vld [tilespmem:s30+$0x4060]  }
0x71: {  	v8 =	vld [tilespmem:s30+$0x4070]  }
0x72: {  	v20 =	vld [tilespmem:s30+$0x0]  }
0x73: {  	v21 =	vld [tilespmem:s30+$0x10]  }
0x74: {  	v18 =	vld [tilespmem:s30+$0x20]  }
0x75: {  	v17 =	vld [tilespmem:s30+$0x30]  }
0x76: {  	v16 =	vld [tilespmem:s30+$0x40]  }
0x77: {  	v14 =	vld [tilespmem:s30+$0x50];
	v20 =	vadd.bf16 v15, v20  }
0x78: {  	s31 =	simm.s32 $0x200;
	v19 =	vadd.bf16 v19, v21;
	v15 =	vld [tilespmem:s30+$0x60]  }
.LBB2_4:
0x79: {  	s0 =	sshra.s32 s31, $0x2;
	p1 =	sne.s32 s31, $0xFE00;
	[tilespmem:s30+$0x0] =	vst v20;
	v13 =	vadd.bf16 v13, v18;
	v18 =	vld [tilespmem:s30+$0x70]  }
0x7a: {  	v20 =	vld [tilespmem:s0+$0x4000];
	[tilespmem:s30+$0x10] =	vst v19;
	v12 =	vadd.bf16 v12, v17  }
0x7b: {  	v19 =	vld [tilespmem:s0+$0x4010];
	[tilespmem:s30+$0x20] =	vst v13;
	v11 =	vadd.bf16 v11, v16  }
0x7c: {  	v13 =	vld [tilespmem:s0+$0x4020];
	[tilespmem:s30+$0x30] =	vst v12;
	v10 =	vadd.bf16 v10, v14  }
0x7d: {  	v12 =	vld [tilespmem:s0+$0x4030];
	[tilespmem:s30+$0x40] =	vst v11;
	v9 =	vadd.bf16 v9, v15  }
0x7e: {  	v11 =	vld [tilespmem:s0+$0x4040];
	[tilespmem:s30+$0x50] =	vst v10;
	v8 =	vadd.bf16 v8, v18  }
0x7f: {  	v10 =	vld [tilespmem:s0+$0x4050];
	[tilespmem:s30+$0x60] =	vst v9  }
0x80: {  	v9 =	vld [tilespmem:s0+$0x4060];
	[tilespmem:s30+$0x70] =	vst v8;
	s30 =	smov.u32 s0  }
0x81: {  	v8 =	vld [tilespmem:s30+$0x4070]  }
0x82: {  	v14 =	vld [tilespmem:s30+$0x0]  }
0x83: {  	v15 =	vld [tilespmem:s30+$0x10]  }
.Ltmp5:
0x84: {  	v18 =	vld [tilespmem:s30+$0x20];
	(pc) =	sbr.rel @p1 .LBB2_4-.Ltmp5, $4  }
0x85: {  	v17 =	vld [tilespmem:s30+$0x30]  }
0x86: {  	v16 =	vld [tilespmem:s30+$0x40]  }
0x87: {  	v20 =	vadd.bf16 v20, v14;
	v14 =	vld [tilespmem:s30+$0x50]  }
0x88: {  	s31 =	sadd.s32 $0x200, s31;
	v19 =	vadd.bf16 v19, v15;
	v15 =	vld [tilespmem:s30+$0x60]  }
0x89: {  	[tilespmem:s30+$0x0] =	vst v20;
	v13 =	vadd.bf16 v13, v18;
	v63 =	vld [tilespmem:s30+$0x70]  }
0x8a: {  	[tilespmem:s30+$0x10] =	vst v19;
	v12 =	vadd.bf16 v12, v17  }
0x8b: {  	[tilespmem:s30+$0x20] =	vst v13;
	v11 =	vadd.bf16 v11, v16  }
0x8c: {  	[tilespmem:s30+$0x30] =	vst v12;
	v10 =	vadd.bf16 v10, v14  }
0x8d: {  	[tilespmem:s30+$0x40] =	vst v11;
	v9 =	vadd.bf16 v9, v15  }
0x8e: {  	[tilespmem:s30+$0x50] =	vst v10;
	v8 =	vadd.bf16 v8, v63  }
0x8f: {  	s0 =	sshll.u32 s29, $0xB;
	[tilespmem:s30+$0x60] =	vst v9  }
0x90: {  	s0 =	sadd.s32 s7, s0;
	[tilespmem:s30+$0x70] =	vst v8  }
0x91: {  	[hbm4b:s0+s3] =	stream.linear.scatter [tilespmem:s3], [sflag:$0x4], $0x4000, $0x38;
	[tilespmem:$0x10280] =	vst v63  }
0x92: {  	_ =	swait.ge [sflag:s21], $0x4000  }
0x93: {  	[sflag:s21] =	ssyncset.done $0x0  }
0x94: {  	[sflag:s21] =	ssyncadd.s32 $0xFFFFC000  }
.LBB2_6:
0x95: {  	s0 =	sadd.s32 s11, s28  }
0x96: {  	p1 =	sgt.u32 s0, $0x1387  }
0x97: {  	s0 =	sshll.u32 @!p1 s0, $0x3  }
0x98: {  	s28 =	simm.s32 @!p1 $0x0;
	s29 =	simm.s32 @!p1 $0x10200;
	s2 =	sadd.s32 @!p1 s5, s0  }
0x99: {  	[tilespmem:s29], [sflag:$0x4] =	stream.linear.gather @!p1 [hbm4b:s2+s28], $0x40, $0x38;
	[tilespmem:$0x10280] =	vst v63  }
0x9a: {  	s2 =	simm.s32 @!p1 $0x4  }
0x9b: {  	_ =	swait.ge @!p1 [sflag:s2], $0x40  }
0x9c: {  	[sflag:s2] =	ssyncset.done @!p1 $0x0  }
0x9d: {  	s0 =	sadd.s32 @!p1 s0, s9;
	s29 =	simm.s32 @!p1 $0x10240;
	[sflag:s2] =	ssyncadd.s32 @!p1 $0xFFFFFFC0  }
0x9e: {  	[tilespmem:s29], [sflag:$0x4] =	stream.linear.gather @!p1 [hbm4b:s0+s28], $0x40, $0x38;
	[tilespmem:$0x10280] =	vst v63  }
0x9f: {  	_ =	swait.ge @!p1 [sflag:s2], $0x40  }
0xa0: {  	v8 =	vlaneseq.u32 @!p1;
	[sflag:s2] =	ssyncset.done @!p1 $0x0  }
0xa1: {  	v8 =	vmul.u32 @!p1 $0x2, v8;
	[sflag:s2] =	ssyncadd.s32 @!p1 $0xFFFFFFC0  }
0xa2: {  	v9 =	vld @!p1 [tilespmem:$0x10200]  }
0xa3: {  	v11 =	vor.u32 @!p1 $0x1, v8;
	v10 =	vld @!p1 [tilespmem:$0x10240];
	_ =	sdelay $0x2  }
0xa4: {  	s0 =	simm.s32 @!p1 $0x10000  }
0xa5: {  	[tilespmem:v8+s0+$0x0] =	vst.idx.msk @!p1 $0xffff, v9  }
0xa6: {  	s2 =	simm.s32 @!p1 $0x10080;
	[tilespmem:v11+s0+$0x0] =	vst.idx.msk @!p1 $0xffff, v10  }
0xa7: {  	[tilespmem:v8+s2+$0x0] =	vst.idx.msk @!p1 $0xffff, v10  }
0xa8: {  	[tilespmem:v11+s2+$0x0] =	vst.idx.msk @!p1 $0xffff, v9  }
0xa9: {  	v10 =	vor.u32 @!p1 $0x20, v8;
	v9 =	vld @!p1 [tilespmem:$0x10210]  }
0xaa: {  	v12 =	vor.u32 @!p1 $0x21, v8;
	v11 =	vld @!p1 [tilespmem:$0x10250];
	_ =	sdelay $0x3  }
0xab: {  	[tilespmem:v10+s0+$0x0] =	vst.idx.msk @!p1 $0xffff, v9  }
0xac: {  	[tilespmem:v12+s0+$0x0] =	vst.idx.msk @!p1 $0xffff, v11  }
0xad: {  	[tilespmem:v10+s2+$0x0] =	vst.idx.msk @!p1 $0xffff, v11  }
0xae: {  	[tilespmem:v12+s2+$0x0] =	vst.idx.msk @!p1 $0xffff, v9  }
0xaf: {  	v10 =	vor.u32 @!p1 $0x40, v8;
	v9 =	vld @!p1 [tilespmem:$0x10220]  }
0xb0: {  	v12 =	vor.u32 @!p1 $0x41, v8;
	v11 =	vld @!p1 [tilespmem:$0x10260];
	_ =	sdelay $0x3  }
0xb1: {  	[tilespmem:v10+s0+$0x0] =	vst.idx.msk @!p1 $0xffff, v9  }
0xb2: {  	[tilespmem:v12+s0+$0x0] =	vst.idx.msk @!p1 $0xffff, v11  }
0xb3: {  	[tilespmem:v10+s2+$0x0] =	vst.idx.msk @!p1 $0xffff, v11  }
0xb4: {  	[tilespmem:v12+s2+$0x0] =	vst.idx.msk @!p1 $0xffff, v9  }
0xb5: {  	v10 =	vor.u32 @!p1 $0x60, v8;
	v9 =	vld @!p1 [tilespmem:$0x10230]  }
0xb6: {  	v8 =	vor.u32 @!p1 $0x61, v8;
	v11 =	vld @!p1 [tilespmem:$0x10270];
	_ =	sdelay $0x3  }
0xb7: {  	[tilespmem:v10+s0+$0x0] =	vst.idx.msk @!p1 $0xffff, v9  }
0xb8: {  	[tilespmem:v8+s0+$0x0] =	vst.idx.msk @!p1 $0xffff, v11  }
.Ltmp6:
0xb9: {  	[tilespmem:v10+s2+$0x0] =	vst.idx.msk @!p1 $0xffff, v11;
	(pc) =	sbr.rel @p0 .LBB2_10-.Ltmp6, $4  }
0xba: {  	s29 =	simm.s32 @!p1 $0x80;
	[tilespmem:v8+s2+$0x0] =	vst.idx.msk @!p1 $0xffff, v9  }
0xbb: {  	[tilespmem:s28], [sflag:$0x1] =	stream.indirect.gather @!p1 [hbm4b:s1+s29], $0x80, s2, s29, $0xb8;
	[tilespmem:$0x10280] =	vst v63  }
0xbc: {  	s2 =	simm.s32 @!p1 $0x4000  }
0xbd: {  	[tilespmem:s2], [sflag:$0x1] =	stream.indirect.gather @!p1 [hbm4b:s4+s29], $0x80, s0, s29, $0xb8;
	[tilespmem:$0x10280] =	vst v63  }
0xbe: {  	_ =	swait.ge [sflag:s22], $0x4000  }
0xbf: {  	[sflag:s22] =	ssyncset.done $0x0  }
0xc0: {  	[sflag:s22] =	ssyncadd.s32 $0xFFFFC000  }
0xc1: {  	_ =	swait.ge [sflag:s22], $0x4000  }
0xc2: {  	[sflag:s22] =	ssyncset.done $0x0  }
0xc3: {  	s28 =	simm.s32 $0x0;
	[sflag:s22] =	ssyncadd.s32 $0xFFFFC000  }
0xc4: {  	v15 =	vld [tilespmem:s28+$0xC000]  }
0xc5: {  	v19 =	vld [tilespmem:s28+$0xC010]  }
0xc6: {  	v13 =	vld [tilespmem:s28+$0xC020]  }
0xc7: {  	v12 =	vld [tilespmem:s28+$0xC030]  }
0xc8: {  	v11 =	vld [tilespmem:s28+$0xC040]  }
0xc9: {  	v10 =	vld [tilespmem:s28+$0xC050]  }
0xca: {  	v9 =	vld [tilespmem:s28+$0xC060]  }
0xcb: {  	v8 =	vld [tilespmem:s28+$0xC070]  }
0xcc: {  	v20 =	vld [tilespmem:s28+$0x8000]  }
0xcd: {  	v21 =	vld [tilespmem:s28+$0x8010]  }
0xce: {  	v18 =	vld [tilespmem:s28+$0x8020]  }
0xcf: {  	v17 =	vld [tilespmem:s28+$0x8030]  }
0xd0: {  	v16 =	vld [tilespmem:s28+$0x8040]  }
0xd1: {  	v14 =	vld [tilespmem:s28+$0x8050];
	v20 =	vadd.bf16 v15, v20  }
0xd2: {  	s29 =	simm.s32 $0x200;
	v19 =	vadd.bf16 v19, v21;
	v15 =	vld [tilespmem:s28+$0x8060]  }
.LBB2_8:
0xd3: {  	s0 =	sshra.s32 s29, $0x2;
	p0 =	sne.s32 s29, $0xFE00;
	[tilespmem:s28+$0x8000] =	vst v20;
	v13 =	vadd.bf16 v13, v18;
	v18 =	vld [tilespmem:s28+$0x8070]  }
0xd4: {  	v20 =	vld [tilespmem:s0+$0xC000];
	[tilespmem:s28+$0x8010] =	vst v19;
	v12 =	vadd.bf16 v12, v17  }
0xd5: {  	v19 =	vld [tilespmem:s0+$0xC010];
	[tilespmem:s28+$0x8020] =	vst v13;
	v11 =	vadd.bf16 v11, v16  }
0xd6: {  	v13 =	vld [tilespmem:s0+$0xC020];
	[tilespmem:s28+$0x8030] =	vst v12;
	v10 =	vadd.bf16 v10, v14  }
0xd7: {  	v12 =	vld [tilespmem:s0+$0xC030];
	[tilespmem:s28+$0x8040] =	vst v11;
	v9 =	vadd.bf16 v9, v15  }
0xd8: {  	v11 =	vld [tilespmem:s0+$0xC040];
	[tilespmem:s28+$0x8050] =	vst v10;
	v8 =	vadd.bf16 v8, v18  }
0xd9: {  	v10 =	vld [tilespmem:s0+$0xC050];
	[tilespmem:s28+$0x8060] =	vst v9  }
0xda: {  	v9 =	vld [tilespmem:s0+$0xC060];
	[tilespmem:s28+$0x8070] =	vst v8;
	s28 =	smov.u32 s0  }
0xdb: {  	v8 =	vld [tilespmem:s28+$0xC070]  }
0xdc: {  	v14 =	vld [tilespmem:s28+$0x8000]  }
0xdd: {  	v15 =	vld [tilespmem:s28+$0x8010]  }
.Ltmp7:
0xde: {  	v18 =	vld [tilespmem:s28+$0x8020];
	(pc) =	sbr.rel @p0 .LBB2_8-.Ltmp7, $4  }
0xdf: {  	v17 =	vld [tilespmem:s28+$0x8030]  }
0xe0: {  	v16 =	vld [tilespmem:s28+$0x8040]  }
0xe1: {  	v20 =	vadd.bf16 v20, v14;
	v14 =	vld [tilespmem:s28+$0x8050]  }
0xe2: {  	s29 =	sadd.s32 $0x200, s29;
	v19 =	vadd.bf16 v19, v15;
	v15 =	vld [tilespmem:s28+$0x8060]  }
0xe3: {  	[tilespmem:s28+$0x8000] =	vst v20;
	v13 =	vadd.bf16 v13, v18;
	v63 =	vld [tilespmem:s28+$0x8070]  }
0xe4: {  	[tilespmem:s28+$0x8010] =	vst v19;
	v12 =	vadd.bf16 v12, v17  }
0xe5: {  	[tilespmem:s28+$0x8020] =	vst v13;
	v11 =	vadd.bf16 v11, v16  }
0xe6: {  	[tilespmem:s28+$0x8030] =	vst v12;
	v10 =	vadd.bf16 v10, v14  }
0xe7: {  	[tilespmem:s28+$0x8040] =	vst v11;
	v9 =	vadd.bf16 v9, v15  }
0xe8: {  	[tilespmem:s28+$0x8050] =	vst v10;
	v8 =	vadd.bf16 v8, v63  }
0xe9: {  	s0 =	sshll.u32 s26, $0xB;
	[tilespmem:s28+$0x8060] =	vst v9  }
.Ltmp8:
0xea: {  	s0 =	sadd.s32 s7, s0;
	[tilespmem:s28+$0x8070] =	vst v8;
	(pc) =	sbr.rel .LBB2_10-.Ltmp8, $4  }
0xeb: {  	[hbm4b:s0+s3] =	stream.linear.scatter [tilespmem:s23], [sflag:$0x3], $0x4000, $0x38;
	[tilespmem:$0x10280] =	vst v63  }
0xec: {  	_ =	swait.ge [sflag:s14], $0x4000  }
0xed: {  	[sflag:s14] =	ssyncset.done $0x0  }
0xee: {  	[sflag:s14] =	ssyncadd.s32 $0xFFFFC000  }
.LBB2_12:
0xef: {  	_ =	sfence.sel $0x180000  }
0xf0: {  	[bflag:$0x0] =	sbarrier.arrive $0xFFFF  }
0xf1: {  	_ =	strace $0x9000004A  }
0xf2: {  	s0 =	stileid.u32;
	[bflag:$0x2] =	sbarrier.arrive $0xFFFF  }
0xf3: {  	p0 =	sne.s32 s0, $0x0;
	s0 =	rddreg [dreg:$0x2]  }
0xf4: {  	s0 =	sadd.s32 @!p0 $0x100000, s0  }
0xf5: {  	[sflag:s0] =	ssyncadd.tile.s32 @!p0 $0x1;
	_ =	shalt  }
.Lfunc_end2:
_tile_overlayer_lowered:
.L_overlay_start_2:
0xf6: {  	(tag) =	ssettag $0x2  }
0xf7: {  	s0 =	rddreg [dreg:$0x0];
	s2 =	stileid.u32  }
0xf8: {  	s1 =	rddreg [dreg:$0x1];
	p0 =	sne.s32 s2, $0x0  }
0xf9: {  	s3 =	rddreg [dreg:$0x2];
	[bflag:$0x3] =	sbarrier.arrive $0xFFFF;
	s2 =	simm.s32 @!p0 $0x1C03  }
0xfa: {  	[timem:s3], [sflag:s2] =	dma.local @!p0 [hbm:s0], s1  }
0xfb: {  	s0 =	simm.s32 @!p0 $0x3  }
0xfc: {  	_ =	swait.ge @!p0 [sflag:s0], s1  }
0xfd: {  	s1 =	ssub.s32 @!p0 $0x0, s1;
	[sflag:s0] =	ssyncset.done @!p0 $0x0  }
0xfe: {  	[sflag:s0] =	ssyncadd.s32 @!p0 s1  }
0xff: {  	[bflag:$0x3] =	sbarrier.arrive $0xFFFF  }
0x100: {  	_ =	shalt  }

// kernel: kernel.7.cloned.1.call-start
scs
__scs_entry_jumppad:
0x0: {  	(pc) =	sbr.rel $0x88, $3  }
0x1: {  	(tag) =	ssettag $0x0;
	lr =	simm.s32 $0x1  }
0x2: {  	[smem:$0x3F99] =	sst lr;
	_ =	strace $0xD0000000  }
0x3: {  	_ = 	snop  }
0x4: {  	_ = 	snop  }
0x5: {  	_ = 	snop  }
0x6: {  	_ = 	snop  }
0x7: {  	_ = 	snop  }
__scs_overlays_trampoline_lowered:
0x8: {  	[smem:$0x3FA8] =	sst s0  }
0x9: {  	[smem:$0x3FA9] =	sst s1  }
0xa: {  	[smem:$0x3FAA] =	sst s2  }
0xb: {  	[smem:$0x3FAB] =	sst s3  }
0xc: {  	[smem:$0x3FAC] =	sst s4  }
0xd: {  	[smem:$0x3FAD] =	sst s5  }
0xe: {  	[smem:$0x3FAE] =	sst s6  }
0xf: {  	[smem:$0x3FAF] =	sst s7  }
0x10: {  	[smem:$0x3FB0] =	sst s8  }
0x11: {  	[smem:$0x3FB1] =	sst s9;
	s0 =	simm.s32 @!p0 $0x0  }
0x12: {  	s1 =	sld [smem:$0x3F97];
	s0 =	simm.s32 @p0 $0x1  }
0x13: {  	[smem:$0x3FB2] =	sst s0;
	s0 =	simm.s32 @!p1 $0x0  }
0x14: {  	s2 =	sld [smem:$0x3F96];
	s0 =	simm.s32 @p1 $0x1  }
0x15: {  	[smem:$0x3FB3] =	sst s0;
	s0 =	simm.s32 @!p2 $0x0  }
0x16: {  	s3 =	sld [smem:$0x3FDB];
	s0 =	simm.s32 @p2 $0x1  }
0x17: {  	s4 =	simm.s32 $0x1BF5;
	[smem:$0x3FB5] =	sst s0  }
0x18: {  	s0 =	sld [smem:$0x3F98];
	_ =	swait.ge [sflag:s4], $0x0  }
0x19: {  	s7 =	sld [smem:$0x3F99]  }
0x1a: {  	s8 =	sadd.s32 $0xFFFFE003, lr  }
0x1b: {  	s9 =	sadd.s32 $0xFFFFFEF7, lr;
	s5 =	simm.s32 $0xFFFFFFFF;
	p2 =	slt.u32 s8, $0xFFFFF086  }
0x1c: {  	p1 =	slt.u32 s9, $0xF7A;
	s5 =	simm.s32 @!p2 $0x0  }
0x1d: {  	s5 =	simm.s32 @p1 $0x1;
	p0 =	seq.s32 s7, s2  }
0x1e: {  	s7 =	smul.u32 @!p0 $0xF7A, s2;
	p2 =	seq.s32 @!p0 s5, $0x0  }
0x1f: {  	s9 =	smul.u32 $0xF7A, s1;
	s8 =	simm.s32 @!p0 $0x1BF5;
	p2 =	por !p2, p0  }
0x20: {  	[sflag:s8] =	ssyncset.s32 @!p0 $0xFFFFF086;
	s6 =	sadd.s32 @!p0 s3, s7;
	s7 =	simm.s32 @!p0 $0x108  }
0x21: {  	s3 =	sadd.s32 s3, s9;
	s6 =	sadd.s32 @!p0 $0x88, s6;
	s7 =	simm.s32 @p2 $0x1082  }
0x22: {  	[simem:s7], [sflag:s8] =	dma.local @!p0 [hbm:s6], $0xF7A  }
0x23: {  	s9 =	sor.u32 $0xD0000000, s2;
	s6 =	simm.s32 $0x108;
	_ =	swait.ge @!p0 [sflag:s8], $0x0  }
0x24: {  	s3 =	sadd.s32 $0x88, s3;
	s6 =	simm.s32 @!p1 $0x1082;
	[sflag:s4] =	ssyncset.s32 $0xFFFFF086  }
0x25: {  	[simem:s6], [sflag:s4] =	dma.local [hbm:s3], $0xF7A  }
0x26: {  	[smem:$0x3F99] =	sst s1;
	(tag) =	ssettag s2;
	_ =	strace s9  }
0x27: {  	s1 =	sld [smem:$0x3FA9]  }
0x28: {  	s2 =	sld [smem:$0x3FAA]  }
0x29: {  	s4 =	sld [smem:$0x3FAC]  }
0x2a: {  	p0 =	seq.s32 s5, $0x0;
	s5 =	sld [smem:$0x3FAD]  }
0x2b: {  	s6 =	sld [smem:$0x3FAE]  }
0x2c: {  	s7 =	sld [smem:$0x3FAF]  }
0x2d: {  	s3 =	simm.s32 $0x108;
	s8 =	sld [smem:$0x3FB0]  }
0x2e: {  	s3 =	simm.s32 @!p0 $0x1082;
	s9 =	sld [smem:$0x3FB1]  }
0x2f: {  	lr =	sadd.s32 s0, s3;
	s0 =	sld [smem:$0x3FA8]  }
0x30: {  	s3 =	sld [smem:$0x3FAB]  }
0x31: {  	[smem:$0x3FB4] =	sst s10  }
0x32: {  	s10 =	sld [smem:$0x3FB2];
	_ =	sdelay $0x3  }
0x33: {  	p0 =	seq.s32 s10, $0x1;
	s10 =	sld [smem:$0x3FB4];
	_ =	sdelay $0x3  }
0x34: {  	[smem:$0x3FB4] =	sst s10  }
0x35: {  	s10 =	sld [smem:$0x3FB3];
	_ =	sdelay $0x3  }
0x36: {  	p1 =	seq.s32 s10, $0x1;
	s10 =	sld [smem:$0x3FB4];
	_ =	sdelay $0x3  }
0x37: {  	[smem:$0x3FB4] =	sst s10  }
0x38: {  	s10 =	sld [smem:$0x3FB5]  }
0x39: {  	_ = 	snop;
	(pc) =	sbr.ind lr, $3  }
0x3a: {  	_ = 	snop  }
0x3b: {  	_ = 	snop  }
0x3c: {  	p2 =	seq.s32 s10, $0x1;
	s10 =	sld [smem:$0x3FB4]  }
0x3d: {  	_ =	shalt  }
0x3e: {  	_ =	shalt  }
0x3f: {  	_ =	shalt  }
0x40: {  	_ =	shalt  }
0x41: {  	_ =	shalt  }
0x42: {  	_ =	shalt  }
0x43: {  	_ =	shalt  }
0x44: {  	_ =	shalt  }
0x45: {  	_ =	shalt  }
0x46: {  	_ =	shalt  }
0x47: {  	_ =	shalt  }
0x48: {  	_ =	shalt  }
0x49: {  	_ =	shalt  }
0x4a: {  	_ =	shalt  }
0x4b: {  	_ =	shalt  }
0x4c: {  	_ =	shalt  }
0x4d: {  	_ =	shalt  }
0x4e: {  	_ =	shalt  }
0x4f: {  	_ =	shalt  }
0x50: {  	_ =	shalt  }
0x51: {  	_ =	shalt  }
0x52: {  	_ =	shalt  }
0x53: {  	_ =	shalt  }
0x54: {  	_ =	shalt  }
0x55: {  	_ =	shalt  }
0x56: {  	_ =	shalt  }
0x57: {  	_ =	shalt  }
0x58: {  	_ =	shalt  }
0x59: {  	_ =	shalt  }
0x5a: {  	_ =	shalt  }
0x5b: {  	_ =	shalt  }
0x5c: {  	_ =	shalt  }
0x5d: {  	_ =	shalt  }
0x5e: {  	_ =	shalt  }
0x5f: {  	_ =	shalt  }
0x60: {  	_ =	shalt  }
0x61: {  	_ =	shalt  }
0x62: {  	_ =	shalt  }
0x63: {  	_ =	shalt  }
0x64: {  	_ =	shalt  }
0x65: {  	_ =	shalt  }
0x66: {  	_ =	shalt  }
0x67: {  	_ =	shalt  }
0x68: {  	_ =	shalt  }
0x69: {  	_ =	shalt  }
0x6a: {  	_ =	shalt  }
0x6b: {  	_ =	shalt  }
0x6c: {  	_ =	shalt  }
0x6d: {  	_ =	shalt  }
0x6e: {  	_ =	shalt  }
0x6f: {  	_ =	shalt  }
0x70: {  	_ =	shalt  }
0x71: {  	_ =	shalt  }
0x72: {  	_ =	shalt  }
0x73: {  	_ =	shalt  }
0x74: {  	_ =	shalt  }
0x75: {  	_ =	shalt  }
0x76: {  	_ =	shalt  }
0x77: {  	_ =	shalt  }
0x78: {  	_ =	shalt  }
0x79: {  	_ =	shalt  }
0x7a: {  	_ =	shalt  }
0x7b: {  	_ =	shalt  }
0x7c: {  	_ =	shalt  }
0x7d: {  	_ =	shalt  }
0x7e: {  	_ =	shalt  }
0x7f: {  	_ =	shalt  }
0x80: {  	_ =	shalt  }
0x81: {  	_ =	shalt  }
0x82: {  	_ =	shalt  }
0x83: {  	_ =	shalt  }
0x84: {  	_ =	shalt  }
0x85: {  	_ =	shalt  }
0x86: {  	_ =	shalt  }
0x87: {  	_ =	shalt  }
.Lfunc_end0:
.L_simem_size_0:
called_computation_lowered:
.L_overlay_start_0:
0x88: {  	s2 =	sld [smem:$0x3FD9]  }
0x89: {  	s3 =	sld [smem:$0x3FFE];
	_ =	sdelay $0x1  }
0x8a: {  	s1 =	srdreg.scid  }
0x8b: {  	s0 =	sand.u32 $0x1, s1  }
0x8c: {  	s17 =	sshll.u32 s0, $0xA;
	s2 =	sadd.s32 s3, s2  }
0x8d: {  	s2 =	sadd.s32 s2, s17  }
0x8e: {  	[smem:$0x3FC0] =	sst s2  }
0x8f: {  	_ = 	snop  }
0x90: {  	s2 =	sld [smem:$0x3FC9]  }
0x91: {  	s18 =	sld [smem:$0x3FD0];
	(tm) =	ssettm $0x1  }
0x92: {  	s4 =	sld [smem:$0x3FFB];
	_ =	sdelay $0x3  }
0x93: {  	_ =	strace s4  }
0x94: {  	s4 =	sld [smem:$0x3FFC];
	_ =	sdelay $0x3  }
0x95: {  	_ =	strace s4  }
0x96: {  	s4 =	sld [smem:$0x3FFD];
	_ =	sdelay $0x3  }
0x97: {  	_ =	strace s4  }
0x98: {  	_ =	strace $0x8FFFFFFF  }
0x99: {  	s19 =	sld [smem:$0x3FDB];
	_ =	sdelay $0x1  }
0x9a: {  	s5 =	simm.s32 $_scs_section_size  }
0x9b: {  	s6 =	simm.s32 $_size__tile_overlayer_lowered;
	s7 =	simm.s32 $_tile_overlayer_lowered  }
0x9c: {  	s22 =	simm.s32 $0x1BFF;
	s21 =	sshll.u32 s7, $0x1;
	s4 =	sadd.s32 s5, s19  }
0x9d: {  	s8 =	simm.s32 $0x0;
	s20 =	sshll.u32 s6, $0x1;
	s6 =	sadd.s32 s21, s4  }
0x9e: {  	[timem:s8], [sflag:s22] =	dma.local [hbm:s6], s20  }
0x9f: {  	_ =	swait.ge [sflag:s22], s20  }
0xa0: {  	s5 =	ssub.s32 $0x0, s20;
	[sflag:s22] =	ssyncset.done $0x0  }
0xa1: {  	[sflag:s22] =	ssyncadd.s32 s5;
	_ =	sdelay $0x1  }
0xa2: {  	s23 =	simm.s32 $0x1B8B  }
0xa3: {  	_ =	swait.ge [sflag:s23], $0x1  }
0xa4: {  	[sflag:s23] =	ssyncset.done $0x0  }
0xa5: {  	s25 =	simm.s32 $0x1B8E;
	s24 =	sld [smem:$0x3FFE];
	[sflag:s23] =	ssyncadd.s32 $0xFFFFFFFF  }
0xa6: {  	s26 =	simm.s32 $execute0_lowered;
	[smem:$0x3FD2] =	sst s25  }
0xa7: {  	s6 =	sshll.u32 s26, $0x1;
	_ =	strace $0x80000046;
	[dreg:$0x1] =	wrdreg $0xFFFFFFFF  }
0xa8: {  	s28 =	simm.s32 $_size_execute0_lowered;
	s4 =	sadd.s32 s4, s6;
	[dreg:$0x0] =	wrdreg $0x0  }
0xa9: {  	s6 =	sshll.u32 s28, $0x1;
	[dreg:$0x2] =	wrdreg s4  }
0xaa: {  	[dreg:$0x3] =	wrdreg s6  }
0xab: {  	[dreg:$0x4] =	wrdreg $0xC0  }
0xac: {  	_ =	task [dreg:s8], $0x5FFFF  }
0xad: {  	[dreg:$0x1] =	wrdreg $0xFFFFFFFF  }
0xae: {  	[dreg:$0x0] =	wrdreg $0x60  }
0xaf: {  	[dreg:$0x2] =	wrdreg s2  }
0xb0: {  	[dreg:$0x3] =	wrdreg s24  }
0xb1: {  	[dreg:$0x4] =	wrdreg s18  }
0xb2: {  	[dreg:$0x5] =	wrdreg $0x0  }
0xb3: {  	[dreg:$0x6] =	wrdreg $0x9C400  }
0xb4: {  	[dreg:$0x7] =	wrdreg $0x138800  }
0xb5: {  	[dreg:$0x8] =	wrdreg $0x9  }
0xb6: {  	_ =	task.clear_ibuf [dreg:s8], $0x9FFFF;
	_ =	strace $0x90000046  }
0xb7: {  	s29 =	simm.s32 $0x9;
	_ =	strace $0x80000048  }
0xb8: {  	_ =	swait.ge [sflag:s29], $0x1  }
0xb9: {  	[sflag:s29] =	ssyncadd.s32 $0xFFFFFFFF  }
0xba: {  	_ =	strace $0x90000048  }
0xbb: {  	_ =	sfence  }
0xbc: {  	s30 =	sld [smem:$0x0];
	_ =	sdelay $0x2  }
0xbd: {  	s31 =	sshll.u32 s1, $0xD;
	s1 =	sshrl.u32 s1, $0x2  }
0xbe: {  	s3 =	sand.u32 $0x4000, s31;
	s1 =	sadd.s32 s1, s30  }
0xbf: {  	s0 =	sor.u32 s3, s0;
	s1 =	sshll.u32 s1, $0x11  }
0xc0: {  	s0 =	sor.u32 s1, s0  }
0xc1: {  	s0 =	sadd.s32 $0x8F2B, s0  }
0xc2: {  	[sflag:s0] =	ssyncadd.remote.s32 $0x1  }
0xc3: {  	_ =	sfence.sel $0xFFFF  }
0xc4: {  	[dreg:$0x0] =	wrdreg $0xFFFFFFFF;
	(pc) =	sbr.abs _section_cstart, $3  }
0xc5: {  	[dreg:$0x1] =	wrdreg $0xFFFFFFFF  }
0xc6: {  	_ =	task.clear_ibuf [dreg:s8], $0x2FFFF;
	_ =	strace $0x9FFFFFFF  }
0xc7: {  	(tm) =	ssettm $0x7FFFFFFF  }
tec
execute0_lowered:
.L_overlay_start_1:
0x0: {  	(tag) =	ssettag $0x1  }
0x1: {  	s1 =	rddreg [dreg:$0x0]  }
0x2: {  	s0 =	rddreg [dreg:$0x1]  }
0x3: {  	s3 =	rddreg [dreg:$0x3]  }
0x4: {  	s5 =	rddreg [dreg:$0x4]  }
0x5: {  	s6 =	rddreg [dreg:$0x5]  }
0x6: {  	s7 =	simm.s32 $0x0;
	s15 =	stileid.u32;
	s2 =	srdreg.scid  }
0x7: {  	s28 =	simm.s32 $0x40;
	s29 =	simm.s32 $0x80;
	s30 =	simm.s32 $0x15F90  }
0x8: {  	s31 =	simm.s32 $0x1E390;
	[smem:$0x7FF] =	sst s7;
	s13 =	smul.u32 $0x13880, s15  }
0x9: {  	s8 =	sand.u32 $0x1, s2;
	s4 =	sshll.u32 s15, $0x4;
	s10 =	smul.u32 $0x2710, s15  }
0xa: {  	s11 =	sadd.s32 $0x16E00, s0;
	s14 =	sadd.s32 $0x16C00, s0;
	s18 =	sshll.u32 s15, $0x6  }
0xb: {  	s26 =	sor.u32 $0x20, s15;
	_ =	strace $0x80000047;
	[dreg:$0x7] =	wrdreg s11  }
0xc: {  	s9 =	sshll.u32 s8, $0x6;
	s4 =	sadd.s32 s4, s0;
	[dreg:$0x8] =	wrdreg s14  }
0xd: {  	s12 =	ssub.s32 $0x2, s8;
	s14 =	sshll.u32 s15, $0xF;
	[dreg:$0x14] =	wrdreg s26  }
0xe: {  	p0 =	sne.s32 s8, $0x0;
	s26 =	simm.s32 $0x1E190;
	s2 =	sor.u32 s9, s13  }
0xf: {  	s16 =	sshrl.u32 s10, $0x3;
	s17 =	sshrl.u32 s12, $0x1;
	s13 =	smul.u32 $0x9C40, s15  }
0x10: {  	s9 =	sor.u32 s9, s14;
	s14 =	sadd.s32 s10, s6;
	s2 =	sshrl.u32 s2, $0x3  }
0x11: {  	s11 =	ssub.s32 s12, s17;
	s17 =	sor.u32 $0x1C03, s18;
	s20 =	sshrl.u32 s9, $0x3  }
0x12: {  	s22 =	sor.u32 $0x80000, s9;
	s25 =	sor.u32 $0x100000, s9;
	[dreg:$0xc] =	wrdreg s14  }
0x13: {  	s9 =	simm.s32 $0x4;
	s2 =	sadd.s32 s2, s0;
	[dreg:$0x13] =	wrdreg s25  }
0x14: {  	s0 =	sadd.s32 s16, s0;
	s16 =	sadd.s32 s13, s3;
	[dreg:$0xa] =	wrdreg s17  }
0x15: {  	s18 =	simm.s32 $0x0;
	s19 =	sadd.s32 s13, s5;
	[dreg:$0x9] =	wrdreg s16  }
0x16: {  	v0 =	vlaneseq.u32;
	s10 =	sadd.s32 s1, s20;
	s23 =	smax.u32 s11, $0x1;
	[dreg:$0xb] =	wrdreg s19  }
0x17: {  	v0 =	vmul.u32 $0x2, v0;
	s24 =	sshrl.u32 s22, $0x3;
	s25 =	simm.s32 $0x3;
	[dreg:$0xd] =	wrdreg s10  }
0x18: {  	s16 =	sadd.s32 $0x3200, s4;
	s4 =	sadd.s32 $0xCE40, s4;
	[dreg:$0x12] =	wrdreg s23  }
.Ltmp0:
0x19: {  	v1 =	vor.u32 $0x1, v0;
	v2 =	vor.u32 $0x20, v0;
	v3 =	vor.u32 $0x21, v0;
	s21 =	sadd.s32 $0x1C400, s2;
	[dreg:$0xe] =	wrdreg s4;
	(pc) =	sbr.rel .LBB2_1-.Ltmp0, $4  }
0x1a: {  	v4 =	vor.u32 $0x40, v0;
	v5 =	vor.u32 $0x41, v0;
	v6 =	vor.u32 $0x60, v0;
	s11 =	simm.s32 $0x1E290;
	s2 =	sadd.s32 $0x43600, s2;
	[dreg:$0xf] =	wrdreg s21  }
0x1b: {  	v7 =	vor.u32 $0x61, v0;
	v8 =	vor.u32 $0x80, v0;
	v9 =	vor.u32 $0x81, v0;
	s0 =	sadd.s32 $0x17400, s0;
	s10 =	simm.s32 $0x1E090;
	[dreg:$0x10] =	wrdreg s2  }
0x1c: {  	v10 =	vor.u32 $0xA0, v0;
	v11 =	vor.u32 $0xA1, v0;
	v12 =	vor.u32 $0xC0, v0;
	[dreg:$0x11] =	wrdreg s0;
	s0 =	sadd.s32 s24, s1;
	s4 =	simm.s32 $0x1DF90  }
0x1d: {  	v13 =	vor.u32 $0xC1, v0;
	v14 =	vor.u32 $0xE0, v0;
	v15 =	vor.u32 $0xE1, v0;
	s2 =	simm.s32 $0x19F90;
	[dreg:$0x15] =	wrdreg s0;
	s0 =	simm.s32 $0x1E410  }
.LBB2_7:
0x1e: {  	[bflag:$0x0] =	sbarrier.arrive $0xFFFF  }
0x1f: {  	s17 =	rddreg [dreg:$0xa]  }
0x20: {  	s13 =	simm.s32 $0x1;
	s12 =	rddreg [dreg:$0xf]  }
0x21: {  	s14 =	simm.s32 $0x10;
	s15 =	simm.s32 $0x8;
	s19 =	rddreg [dreg:$0x16]  }
0x22: {  	[hbm:s12@s14], [sflag:s17] =	dma.strided [spmem:s19@s15], $0x1388, s13, $0x8   }
0x23: {  	_ =	swait.ge [sflag:s25], $0x1388  }
0x24: {  	[sflag:s25] =	ssyncset.done $0x0;
	s22 =	rddreg [dreg:$0x10]  }
0x25: {  	s23 =	rddreg [dreg:$0x17];
	[sflag:s25] =	ssyncadd.s32 $0xFFFFEC78  }
0x26: {  	[hbm:s22@s14], [sflag:s17] =	dma.strided [spmem:s23@s15], $0x1388, s13, $0x8   }
0x27: {  	_ =	swait.ge [sflag:s25], $0x1388  }
0x28: {  	[sflag:s25] =	ssyncset.done $0x0;
	s14 =	rddreg [dreg:$0xc]  }
0x29: {  	s13 =	rddreg [dreg:$0x11];
	[sflag:s25] =	ssyncadd.s32 $0xFFFFEC78;
	s12 =	sshrl.u32 @!p0 s14, $0x3  }
0x2a: {  	[hbm:s13], [sflag:s17] =	dma.local @!p0 [spmem:s12], $0x4E2  }
0x2b: {  	s12 =	simm.s32 @!p0 $0x3  }
0x2c: {  	_ =	swait.ge @!p0 [sflag:s12], $0x4E2  }
0x2d: {  	s18 =	sadd.s32 $0x1, s18;
	s24 =	rddreg [dreg:$0x12]  }
0x2e: {  	p1 =	sne.s32 s18, s24  }
.Ltmp1:
0x2f: {  	_ = 	snop;
	(pc) =	sbr.rel @!p1 .LBB2_8-.Ltmp1, $3  }
0x30: {  	_ =	sdelay $0x1  }
0x31: {  	[sflag:s12] =	ssyncset.done @!p0 $0x0  }
0x32: {  	[sflag:s12] =	ssyncadd.s32 @!p0 $0xFFFFFB1E  }
.LBB2_1:
0x33: {  	s12 =	rddreg [dreg:$0x9]  }
0x34: {  	s24 =	rddreg [dreg:$0x2];
	s13 =	sshrl.u32 s12, $0x3  }
0x35: {  	[dreg:$0x16] =	wrdreg s13  }
0x36: {  	[spmem:s13], [sflag:s17] =	dma.local [hbm:s24], $0x1388  }
0x37: {  	_ =	swait.ge [sflag:s25], $0x1388  }
0x38: {  	s15 =	rddreg [dreg:$0xb]  }
0x39: {  	[sflag:s25] =	ssyncset.done $0x0;
	s13 =	sshrl.u32 s15, $0x3  }
0x3a: {  	[sflag:s25] =	ssyncadd.s32 $0xFFFFEC78;
	[dreg:$0x17] =	wrdreg s13  }
0x3b: {  	[spmem:s13], [sflag:s17] =	dma.local [hbm:s24], $0x1388  }
0x3c: {  	_ =	swait.ge [sflag:s25], $0x1388  }
0x3d: {  	[sflag:s25] =	ssyncset.done $0x0  }
0x3e: {  	s19 =	sshrl.u32 s14, $0x3;
	s20 =	rddreg [dreg:$0x7];
	[sflag:s25] =	ssyncadd.s32 $0xFFFFEC78  }
0x3f: {  	[spmem:s19], [sflag:s17] =	dma.local [hbm:s20], $0x4E2  }
0x40: {  	_ =	swait.ge [sflag:s25], $0x4E2  }
0x41: {  	[sflag:s25] =	ssyncset.done $0x0  }
0x42: {  	s22 =	simm.s32 $0x1E490;
	s21 =	rddreg [dreg:$0x8];
	[sflag:s25] =	ssyncadd.s32 $0xFFFFFB1E  }
0x43: {  	[tilespmem:s22], [sflag:$0x3] =	stream.linear.gather [hbm4b:s21+s7], $0x800, $0x38;
	[tilespmem:$0x1EC90] =	vst v63  }
0x44: {  	_ =	swait.ge [sflag:s25], $0x800  }
0x45: {  	[sflag:s25] =	ssyncset.done $0x0  }
0x46: {  	[sflag:s25] =	ssyncadd.s32 $0xFFFFF800  }
0x47: {  	[bflag:$0x0] =	sbarrier.arrive $0xFFFF  }
0x48: {  	s23 =	rddreg [dreg:$0xd]  }
0x49: {  	[tilespmem:s30], [sflag:$0x1] =	stream.strided.gather [hbm4b:s23+s28], $0x4000, s29, s28, $0x38;
	[tilespmem:$0x1EC90] =	vst v63  }
0x4a: {  	_ = 	snop  }
0x4b: {  	[tilespmem:s31], [sflag:$0x3] =	stream.linear.gather [hbm4b:s16+s7], $0x80, $0x38;
	[tilespmem:$0x1EC90] =	vst v63  }
0x4c: {  	_ =	swait.ge [sflag:s25], $0x80  }
0x4d: {  	[sflag:s25] =	ssyncset.done $0x0  }
0x4e: {  	s24 =	rddreg [dreg:$0xe];
	[sflag:s25] =	ssyncadd.s32 $0xFFFFFF80  }
0x4f: {  	[tilespmem:s0], [sflag:$0x3] =	stream.linear.gather [hbm4b:s24+s7], $0x80, $0x38;
	[tilespmem:$0x1EC90] =	vst v63  }
0x50: {  	_ =	swait.ge [sflag:s25], $0x80  }
0x51: {  	[sflag:s25] =	ssyncset.done $0x0  }
0x52: {  	[sflag:s25] =	ssyncadd.s32 $0xFFFFFF80  }
0x53: {  	v16 =	vld [tilespmem:$0x1E390]  }
0x54: {  	v17 =	vld [tilespmem:$0x1E410];
	_ =	sdelay $0x3  }
0x55: {  	[tilespmem:v0+s4+$0x0] =	vst.idx.msk $0xffff, v16  }
0x56: {  	[tilespmem:v1+s4+$0x0] =	vst.idx.msk $0xffff, v17  }
0x57: {  	[tilespmem:v0+s26+$0x0] =	vst.idx.msk $0xffff, v17  }
0x58: {  	[tilespmem:v1+s26+$0x0] =	vst.idx.msk $0xffff, v16  }
0x59: {  	v16 =	vld [tilespmem:$0x1E3A0]  }
0x5a: {  	v17 =	vld [tilespmem:$0x1E420];
	_ =	sdelay $0x3  }
0x5b: {  	[tilespmem:v2+s4+$0x0] =	vst.idx.msk $0xffff, v16  }
0x5c: {  	[tilespmem:v3+s4+$0x0] =	vst.idx.msk $0xffff, v17  }
0x5d: {  	[tilespmem:v2+s26+$0x0] =	vst.idx.msk $0xffff, v17  }
0x5e: {  	[tilespmem:v3+s26+$0x0] =	vst.idx.msk $0xffff, v16  }
0x5f: {  	v16 =	vld [tilespmem:$0x1E3B0]  }
0x60: {  	v17 =	vld [tilespmem:$0x1E430];
	_ =	sdelay $0x3  }
0x61: {  	[tilespmem:v4+s4+$0x0] =	vst.idx.msk $0xffff, v16  }
0x62: {  	[tilespmem:v5+s4+$0x0] =	vst.idx.msk $0xffff, v17  }
0x63: {  	[tilespmem:v4+s26+$0x0] =	vst.idx.msk $0xffff, v17  }
0x64: {  	[tilespmem:v5+s26+$0x0] =	vst.idx.msk $0xffff, v16  }
0x65: {  	v16 =	vld [tilespmem:$0x1E3C0]  }
0x66: {  	v17 =	vld [tilespmem:$0x1E440];
	_ =	sdelay $0x3  }
0x67: {  	[tilespmem:v6+s4+$0x0] =	vst.idx.msk $0xffff, v16  }
0x68: {  	[tilespmem:v7+s4+$0x0] =	vst.idx.msk $0xffff, v17  }
0x69: {  	[tilespmem:v6+s26+$0x0] =	vst.idx.msk $0xffff, v17  }
0x6a: {  	[tilespmem:v7+s26+$0x0] =	vst.idx.msk $0xffff, v16  }
0x6b: {  	v16 =	vld [tilespmem:$0x1E3D0]  }
0x6c: {  	v17 =	vld [tilespmem:$0x1E450];
	_ =	sdelay $0x3  }
0x6d: {  	[tilespmem:v8+s4+$0x0] =	vst.idx.msk $0xffff, v16  }
0x6e: {  	[tilespmem:v9+s4+$0x0] =	vst.idx.msk $0xffff, v17  }
0x6f: {  	[tilespmem:v8+s26+$0x0] =	vst.idx.msk $0xffff, v17  }
0x70: {  	[tilespmem:v9+s26+$0x0] =	vst.idx.msk $0xffff, v16  }
0x71: {  	v16 =	vld [tilespmem:$0x1E3E0]  }
0x72: {  	v17 =	vld [tilespmem:$0x1E460];
	_ =	sdelay $0x3  }
0x73: {  	[tilespmem:v10+s4+$0x0] =	vst.idx.msk $0xffff, v16  }
0x74: {  	[tilespmem:v11+s4+$0x0] =	vst.idx.msk $0xffff, v17  }
0x75: {  	[tilespmem:v10+s26+$0x0] =	vst.idx.msk $0xffff, v17  }
0x76: {  	[tilespmem:v11+s26+$0x0] =	vst.idx.msk $0xffff, v16  }
0x77: {  	v16 =	vld [tilespmem:$0x1E3F0]  }
0x78: {  	v17 =	vld [tilespmem:$0x1E470];
	_ =	sdelay $0x3  }
0x79: {  	[tilespmem:v12+s4+$0x0] =	vst.idx.msk $0xffff, v16  }
0x7a: {  	[tilespmem:v13+s4+$0x0] =	vst.idx.msk $0xffff, v17  }
0x7b: {  	[tilespmem:v12+s26+$0x0] =	vst.idx.msk $0xffff, v17  }
0x7c: {  	[tilespmem:v13+s26+$0x0] =	vst.idx.msk $0xffff, v16  }
0x7d: {  	v16 =	vld [tilespmem:$0x1E400]  }
0x7e: {  	v17 =	vld [tilespmem:$0x1E480];
	_ =	sdelay $0x2  }
.Ltmp2:
0x7f: {  	_ = 	snop;
	(pc) =	sbr.rel .LBB2_2-.Ltmp2, $4  }
0x80: {  	[tilespmem:v14+s4+$0x0] =	vst.idx.msk $0xffff, v16  }
0x81: {  	s24 =	rddreg [dreg:$0x15];
	[tilespmem:v15+s4+$0x0] =	vst.idx.msk $0xffff, v17  }
0x82: {  	s23 =	rddreg [dreg:$0x14];
	[tilespmem:v14+s26+$0x0] =	vst.idx.msk $0xffff, v17  }
0x83: {  	s21 =	simm.s32 $0x0;
	s22 =	rddreg [dreg:$0x13];
	[tilespmem:v15+s26+$0x0] =	vst.idx.msk $0xffff, v16  }
.LBB2_6:
0x84: {  	s12 =	simm.s32 @!p1 $0x2  }
0x85: {  	_ =	swait.ge @!p1 [sflag:s12], $0x4000  }
0x86: {  	s13 =	simm.s32 @!p1 $0x1E090;
	[sflag:s12] =	ssyncset.done @!p1 $0x0  }
0x87: {  	s14 =	simm.s32 @!p1 $0x19F90;
	[sflag:s12] =	ssyncadd.s32 @!p1 $0xFFFFC000;
	s12 =	simm.s32 @!p1 $0x80  }
0x88: {  	[spmem:s3] =	stream.indirect.scatter.add.f32 @!p1 [tilespmem:s14], [sflag:$0x4], $0x40, s13, s12, $0xb8;
	[tilespmem:$0x1EC90] =	vst v63  }
0x89: {  	s13 =	simm.s32 @!p1 $0x4  }
0x8a: {  	_ =	swait.ge @!p1 [sflag:s13], $0x2000  }
0x8b: {  	[sflag:s13] =	ssyncset.done @!p1 $0x0  }
0x8c: {  	s15 =	simm.s32 @!p1 $0x1E290;
	p2 =	sne.s32 @!p1 s8, $0x0;
	[sflag:s13] =	ssyncadd.s32 @!p1 $0xFFFFE000  }
0x8d: {  	[spmem:s5] =	stream.indirect.scatter.add.f32 @!p1 [tilespmem:s14], [sflag:$0x4], $0x40, s15, s12, $0xb8;
	[tilespmem:$0x1EC90] =	vst v63  }
0x8e: {  	p3 =	por !p2, p1;
	_ =	swait.ge @!p1 [sflag:s13], $0x2000  }
0x8f: {  	s12 =	simm.s32 @!p3 $0x80;
	[sflag:s13] =	ssyncset.done @!p1 $0x0  }
0x90: {  	s14 =	simm.s32 @!p3 $0x1BF90;
	[sflag:s13] =	ssyncadd.s32 @!p1 $0xFFFFE000;
	s13 =	simm.s32 @!p3 $0x1E110  }
0x91: {  	[spmem:s3] =	stream.indirect.scatter.add.f32 @!p3 [tilespmem:s14], [sflag:$0x4], $0x40, s13, s12, $0xb8;
	[tilespmem:$0x1EC90] =	vst v63  }
0x92: {  	s13 =	simm.s32 @!p3 $0x4  }
0x93: {  	_ =	swait.ge @!p3 [sflag:s13], $0x2000  }
0x94: {  	[sflag:s13] =	ssyncset.done @!p3 $0x0  }
0x95: {  	s15 =	simm.s32 @!p3 $0x1E310;
	[sflag:s13] =	ssyncadd.s32 @!p3 $0xFFFFE000  }
0x96: {  	[spmem:s5] =	stream.indirect.scatter.add.f32 @!p3 [tilespmem:s14], [sflag:$0x4], $0x40, s15, s12, $0xb8;
	[tilespmem:$0x1EC90] =	vst v63  }
0x97: {  	p1 =	por p2, p1;
	_ =	swait.ge @!p3 [sflag:s13], $0x2000  }
0x98: {  	s12 =	simm.s32 @!p1 $0x80;
	[sflag:s13] =	ssyncset.done @!p3 $0x0  }
0x99: {  	s14 =	simm.s32 @!p1 $0x1E490;
	[sflag:s13] =	ssyncadd.s32 @!p3 $0xFFFFE000;
	s13 =	simm.s32 @!p1 $0x1E090  }
0x9a: {  	[spmem:s6] =	stream.indirect.scatter.add.f32 @!p1 [tilespmem:s14], [sflag:$0x4], $0x10, s13, s12, $0xb8;
	[tilespmem:$0x1EC90] =	vst v63  }
0x9b: {  	s13 =	simm.s32 @!p1 $0x4  }
0x9c: {  	_ =	swait.ge @!p1 [sflag:s13], $0x800  }
0x9d: {  	[sflag:s13] =	ssyncset.done @!p1 $0x0  }
0x9e: {  	s17 =	simm.s32 @!p1 $0x1BF90;
	s15 =	simm.s32 @!p1 $0x1E110;
	[sflag:s13] =	ssyncadd.s32 @!p1 $0xFFFFF800  }
0x9f: {  	[spmem:s3] =	stream.indirect.scatter.add.f32 @!p1 [tilespmem:s17], [sflag:$0x4], $0x40, s15, s12, $0xb8;
	[tilespmem:$0x1EC90] =	vst v63  }
0xa0: {  	_ =	swait.ge @!p1 [sflag:s13], $0x2000  }
0xa1: {  	[sflag:s13] =	ssyncset.done @!p1 $0x0  }
0xa2: {  	s19 =	simm.s32 @!p1 $0x1E310;
	[sflag:s13] =	ssyncadd.s32 @!p1 $0xFFFFE000  }
0xa3: {  	[spmem:s5] =	stream.indirect.scatter.add.f32 @!p1 [tilespmem:s17], [sflag:$0x4], $0x40, s19, s12, $0xb8;
	[tilespmem:$0x1EC90] =	vst v63  }
0xa4: {  	_ =	swait.ge @!p1 [sflag:s13], $0x2000  }
0xa5: {  	[sflag:s13] =	ssyncset.done @!p1 $0x0  }
0xa6: {  	[sflag:s13] =	ssyncadd.s32 @!p1 $0xFFFFE000  }
0xa7: {  	[spmem:s6] =	stream.indirect.scatter.add.f32 @!p1 [tilespmem:s14], [sflag:$0x3], $0x10, s15, s12, $0xb8;
	[tilespmem:$0x1EC90] =	vst v63  }
0xa8: {  	s12 =	simm.s32 @!p1 $0x3  }
0xa9: {  	_ =	swait.ge @!p1 [sflag:s12], $0x800  }
0xaa: {  	s21 =	sadd.s32 $0x200, s21;
	[sflag:s12] =	ssyncset.done @!p1 $0x0  }
0xab: {  	[sflag:s12] =	ssyncadd.s32 @!p1 $0xFFFFF800;
	p1 =	sne.s32 s21, $0x9E00  }
.Ltmp3:
0xac: {  	_ = 	snop;
	(pc) =	sbr.rel @!p1 .LBB2_7-.Ltmp3, $2  }
0xad: {  	_ =	sdelay $0x2  }
0xae: {  	s22 =	sadd.s32 $0x100000, s22;
	s23 =	sadd.s32 $0x20, s23;
	s24 =	sadd.s32 $0x20000, s24  }
.LBB2_2:
0xaf: {  	s13 =	sadd.s32 $0xFFFFFFF0, s23  }
0xb0: {  	p1 =	sgt.u32 s13, $0x9C3  }
.Ltmp4:
0xb1: {  	_ = 	snop;
	(pc) =	sbr.rel @p1 .LBB2_4-.Ltmp4, $2  }
0xb2: {  	_ =	sdelay $0x2  }
0xb3: {  	s13 =	sadd.s32 s21, s16  }
0xb4: {  	[tilespmem:s2], [sflag:$0x2] =	stream.strided.gather [hbm4b:s24+s28], $0x4000, s29, s28, $0x38;
	[tilespmem:$0x1EC90] =	vst v63  }
0xb5: {  	s15 =	sadd.s32 $0x100, s13  }
0xb6: {  	[tilespmem:s31], [sflag:$0x4] =	stream.linear.gather [hbm4b:s15+s7], $0x80, $0x38;
	[tilespmem:$0x1EC90] =	vst v63  }
0xb7: {  	_ =	swait.ge [sflag:s9], $0x80  }
0xb8: {  	[sflag:s9] =	ssyncset.done $0x0  }
0xb9: {  	s20 =	sadd.s32 $0x9D40, s13;
	[sflag:s9] =	ssyncadd.s32 $0xFFFFFF80  }
0xba: {  	[tilespmem:s0], [sflag:$0x4] =	stream.linear.gather [hbm4b:s20+s7], $0x80, $0x38;
	[tilespmem:$0x1EC90] =	vst v63  }
0xbb: {  	_ =	swait.ge [sflag:s9], $0x80  }
0xbc: {  	[sflag:s9] =	ssyncset.done $0x0  }
0xbd: {  	[sflag:s9] =	ssyncadd.s32 $0xFFFFFF80  }
0xbe: {  	v16 =	vld [tilespmem:$0x1E390]  }
0xbf: {  	v17 =	vld [tilespmem:$0x1E410];
	_ =	sdelay $0x3  }
0xc0: {  	[tilespmem:v0+s10+$0x0] =	vst.idx.msk $0xffff, v16  }
0xc1: {  	[tilespmem:v1+s10+$0x0] =	vst.idx.msk $0xffff, v17  }
0xc2: {  	[tilespmem:v0+s11+$0x0] =	vst.idx.msk $0xffff, v17  }
0xc3: {  	[tilespmem:v1+s11+$0x0] =	vst.idx.msk $0xffff, v16  }
0xc4: {  	v16 =	vld [tilespmem:$0x1E3A0]  }
0xc5: {  	v17 =	vld [tilespmem:$0x1E420];
	_ =	sdelay $0x3  }
0xc6: {  	[tilespmem:v2+s10+$0x0] =	vst.idx.msk $0xffff, v16  }
0xc7: {  	[tilespmem:v3+s10+$0x0] =	vst.idx.msk $0xffff, v17  }
0xc8: {  	[tilespmem:v2+s11+$0x0] =	vst.idx.msk $0xffff, v17  }
0xc9: {  	[tilespmem:v3+s11+$0x0] =	vst.idx.msk $0xffff, v16  }
0xca: {  	v16 =	vld [tilespmem:$0x1E3B0]  }
0xcb: {  	v17 =	vld [tilespmem:$0x1E430];
	_ =	sdelay $0x3  }
0xcc: {  	[tilespmem:v4+s10+$0x0] =	vst.idx.msk $0xffff, v16  }
0xcd: {  	[tilespmem:v5+s10+$0x0] =	vst.idx.msk $0xffff, v17  }
0xce: {  	[tilespmem:v4+s11+$0x0] =	vst.idx.msk $0xffff, v17  }
0xcf: {  	[tilespmem:v5+s11+$0x0] =	vst.idx.msk $0xffff, v16  }
0xd0: {  	v16 =	vld [tilespmem:$0x1E3C0]  }
0xd1: {  	v17 =	vld [tilespmem:$0x1E440];
	_ =	sdelay $0x3  }
0xd2: {  	[tilespmem:v6+s10+$0x0] =	vst.idx.msk $0xffff, v16  }
0xd3: {  	[tilespmem:v7+s10+$0x0] =	vst.idx.msk $0xffff, v17  }
0xd4: {  	[tilespmem:v6+s11+$0x0] =	vst.idx.msk $0xffff, v17  }
0xd5: {  	[tilespmem:v7+s11+$0x0] =	vst.idx.msk $0xffff, v16  }
0xd6: {  	v16 =	vld [tilespmem:$0x1E3D0]  }
0xd7: {  	v17 =	vld [tilespmem:$0x1E450];
	_ =	sdelay $0x3  }
0xd8: {  	[tilespmem:v8+s10+$0x0] =	vst.idx.msk $0xffff, v16  }
0xd9: {  	[tilespmem:v9+s10+$0x0] =	vst.idx.msk $0xffff, v17  }
0xda: {  	[tilespmem:v8+s11+$0x0] =	vst.idx.msk $0xffff, v17  }
0xdb: {  	[tilespmem:v9+s11+$0x0] =	vst.idx.msk $0xffff, v16  }
0xdc: {  	v16 =	vld [tilespmem:$0x1E3E0]  }
0xdd: {  	v17 =	vld [tilespmem:$0x1E460];
	_ =	sdelay $0x3  }
0xde: {  	[tilespmem:v10+s10+$0x0] =	vst.idx.msk $0xffff, v16  }
0xdf: {  	[tilespmem:v11+s10+$0x0] =	vst.idx.msk $0xffff, v17  }
0xe0: {  	[tilespmem:v10+s11+$0x0] =	vst.idx.msk $0xffff, v17  }
0xe1: {  	[tilespmem:v11+s11+$0x0] =	vst.idx.msk $0xffff, v16  }
0xe2: {  	v16 =	vld [tilespmem:$0x1E3F0]  }
0xe3: {  	v17 =	vld [tilespmem:$0x1E470];
	_ =	sdelay $0x3  }
0xe4: {  	[tilespmem:v12+s10+$0x0] =	vst.idx.msk $0xffff, v16  }
0xe5: {  	[tilespmem:v13+s10+$0x0] =	vst.idx.msk $0xffff, v17  }
0xe6: {  	[tilespmem:v12+s11+$0x0] =	vst.idx.msk $0xffff, v17  }
0xe7: {  	[tilespmem:v13+s11+$0x0] =	vst.idx.msk $0xffff, v16  }
0xe8: {  	v16 =	vld [tilespmem:$0x1E400]  }
0xe9: {  	v17 =	vld [tilespmem:$0x1E480];
	_ =	sdelay $0x3  }
0xea: {  	[tilespmem:v14+s10+$0x0] =	vst.idx.msk $0xffff, v16  }
0xeb: {  	[tilespmem:v15+s10+$0x0] =	vst.idx.msk $0xffff, v17  }
0xec: {  	[tilespmem:v14+s11+$0x0] =	vst.idx.msk $0xffff, v17  }
0xed: {  	[tilespmem:v15+s11+$0x0] =	vst.idx.msk $0xffff, v16  }
.LBB2_4:
0xee: {  	s15 =	sadd.s32 $0xFFFFFFE0, s23  }
0xef: {  	p2 =	sgt.u32 s15, $0x9C3  }
0xf0: {  	s15 =	simm.s32 @!p2 $0x1  }
0xf1: {  	_ =	swait.ge @!p2 [sflag:s15], $0x4000  }
0xf2: {  	s17 =	simm.s32 @!p2 $0x1DF90;
	[sflag:s15] =	ssyncset.done @!p2 $0x0  }
0xf3: {  	s14 =	simm.s32 @!p2 $0x15F90;
	[sflag:s15] =	ssyncadd.s32 @!p2 $0xFFFFC000;
	s15 =	simm.s32 @!p2 $0x80  }
0xf4: {  	[spmem:s3] =	stream.indirect.scatter.add.f32 @!p2 [tilespmem:s14], [sflag:$0x4], $0x40, s17, s15, $0xb8;
	[tilespmem:$0x1EC90] =	vst v63  }
0xf5: {  	s17 =	simm.s32 @!p2 $0x4  }
0xf6: {  	_ =	swait.ge @!p2 [sflag:s17], $0x2000  }
0xf7: {  	[sflag:s17] =	ssyncset.done @!p2 $0x0  }
0xf8: {  	s19 =	simm.s32 @!p2 $0x1E190;
	p3 =	sne.s32 @!p2 s8, $0x0;
	[sflag:s17] =	ssyncadd.s32 @!p2 $0xFFFFE000  }
0xf9: {  	[spmem:s5] =	stream.indirect.scatter.add.f32 @!p2 [tilespmem:s14], [sflag:$0x4], $0x40, s19, s15, $0xb8;
	[tilespmem:$0x1EC90] =	vst v63  }
0xfa: {  	p4 =	por !p3, p2;
	_ =	swait.ge @!p2 [sflag:s17], $0x2000  }
0xfb: {  	s14 =	simm.s32 @!p4 $0x80;
	[sflag:s17] =	ssyncset.done @!p2 $0x0  }
0xfc: {  	s15 =	simm.s32 @!p4 $0x1E010;
	[sflag:s17] =	ssyncadd.s32 @!p2 $0xFFFFE000;
	s17 =	simm.s32 @!p4 $0x17F90  }
0xfd: {  	[spmem:s3] =	stream.indirect.scatter.add.f32 @!p4 [tilespmem:s17], [sflag:$0x4], $0x40, s15, s14, $0xb8;
	[tilespmem:$0x1EC90] =	vst v63  }
0xfe: {  	s15 =	simm.s32 @!p4 $0x4  }
0xff: {  	_ =	swait.ge @!p4 [sflag:s15], $0x2000  }
0x100: {  	[sflag:s15] =	ssyncset.done @!p4 $0x0  }
0x101: {  	s19 =	simm.s32 @!p4 $0x1E210;
	[sflag:s15] =	ssyncadd.s32 @!p4 $0xFFFFE000  }
0x102: {  	[spmem:s5] =	stream.indirect.scatter.add.f32 @!p4 [tilespmem:s17], [sflag:$0x4], $0x40, s19, s14, $0xb8;
	[tilespmem:$0x1EC90] =	vst v63  }
0x103: {  	p2 =	por p3, p2;
	_ =	swait.ge @!p4 [sflag:s15], $0x2000  }
0x104: {  	s14 =	simm.s32 @!p2 $0x80;
	[sflag:s15] =	ssyncset.done @!p4 $0x0  }
0x105: {  	s17 =	simm.s32 @!p2 $0x1E490;
	[sflag:s15] =	ssyncadd.s32 @!p4 $0xFFFFE000;
	s15 =	simm.s32 @!p2 $0x1DF90  }
0x106: {  	[spmem:s6] =	stream.indirect.scatter.add.f32 @!p2 [tilespmem:s17], [sflag:$0x4], $0x10, s15, s14, $0xb8;
	[tilespmem:$0x1EC90] =	vst v63  }
0x107: {  	s15 =	simm.s32 @!p2 $0x4  }
0x108: {  	_ =	swait.ge @!p2 [sflag:s15], $0x800  }
0x109: {  	[sflag:s15] =	ssyncset.done @!p2 $0x0  }
0x10a: {  	s20 =	simm.s32 @!p2 $0x17F90;
	s19 =	simm.s32 @!p2 $0x1E010;
	[sflag:s15] =	ssyncadd.s32 @!p2 $0xFFFFF800  }
0x10b: {  	[spmem:s3] =	stream.indirect.scatter.add.f32 @!p2 [tilespmem:s20], [sflag:$0x4], $0x40, s19, s14, $0xb8;
	[tilespmem:$0x1EC90] =	vst v63  }
0x10c: {  	_ =	swait.ge @!p2 [sflag:s15], $0x2000  }
0x10d: {  	[sflag:s15] =	ssyncset.done @!p2 $0x0  }
0x10e: {  	s12 =	simm.s32 @!p2 $0x1E210;
	[sflag:s15] =	ssyncadd.s32 @!p2 $0xFFFFE000  }
0x10f: {  	[spmem:s5] =	stream.indirect.scatter.add.f32 @!p2 [tilespmem:s20], [sflag:$0x4], $0x40, s12, s14, $0xb8;
	[tilespmem:$0x1EC90] =	vst v63  }
0x110: {  	_ =	swait.ge @!p2 [sflag:s15], $0x2000  }
0x111: {  	p3 =	sgt.u32 s23, $0x9C3;
	[sflag:s15] =	ssyncset.done @!p2 $0x0  }
.Ltmp5:
0x112: {  	[sflag:s15] =	ssyncadd.s32 @!p2 $0xFFFFE000;
	(pc) =	sbr.rel @p3 .LBB2_6-.Ltmp5, $4  }
0x113: {  	[spmem:s6] =	stream.indirect.scatter.add.f32 @!p2 [tilespmem:s17], [sflag:$0x4], $0x10, s19, s14, $0xb8;
	[tilespmem:$0x1EC90] =	vst v63  }
0x114: {  	_ =	swait.ge @!p2 [sflag:s15], $0x800  }
0x115: {  	[sflag:s15] =	ssyncset.done @!p2 $0x0  }
0x116: {  	[sflag:s15] =	ssyncadd.s32 @!p2 $0xFFFFF800  }
0x117: {  	s12 =	sshrl.u32 s22, $0x3  }
0x118: {  	s12 =	sadd.s32 s1, s12  }
0x119: {  	[tilespmem:s30], [sflag:$0x1] =	stream.strided.gather [hbm4b:s12+s28], $0x4000, s29, s28, $0x38;
	[tilespmem:$0x1EC90] =	vst v63  }
0x11a: {  	s19 =	sadd.s32 $0x200, s13  }
0x11b: {  	[tilespmem:s31], [sflag:$0x4] =	stream.linear.gather [hbm4b:s19+s7], $0x80, $0x38;
	[tilespmem:$0x1EC90] =	vst v63  }
0x11c: {  	_ =	swait.ge [sflag:s9], $0x80  }
0x11d: {  	[sflag:s9] =	ssyncset.done $0x0  }
0x11e: {  	s20 =	sadd.s32 $0x9E40, s13;
	[sflag:s9] =	ssyncadd.s32 $0xFFFFFF80  }
0x11f: {  	[tilespmem:s0], [sflag:$0x4] =	stream.linear.gather [hbm4b:s20+s7], $0x80, $0x38;
	[tilespmem:$0x1EC90] =	vst v63  }
0x120: {  	_ =	swait.ge [sflag:s9], $0x80  }
0x121: {  	[sflag:s9] =	ssyncset.done $0x0  }
0x122: {  	[sflag:s9] =	ssyncadd.s32 $0xFFFFFF80  }
0x123: {  	v16 =	vld [tilespmem:$0x1E390]  }
0x124: {  	v17 =	vld [tilespmem:$0x1E410];
	_ =	sdelay $0x3  }
0x125: {  	[tilespmem:v0+s4+$0x0] =	vst.idx.msk $0xffff, v16  }
0x126: {  	[tilespmem:v1+s4+$0x0] =	vst.idx.msk $0xffff, v17  }
0x127: {  	[tilespmem:v0+s26+$0x0] =	vst.idx.msk $0xffff, v17  }
0x128: {  	[tilespmem:v1+s26+$0x0] =	vst.idx.msk $0xffff, v16  }
0x129: {  	v16 =	vld [tilespmem:$0x1E3A0]  }
0x12a: {  	v17 =	vld [tilespmem:$0x1E420];
	_ =	sdelay $0x3  }
0x12b: {  	[tilespmem:v2+s4+$0x0] =	vst.idx.msk $0xffff, v16  }
0x12c: {  	[tilespmem:v3+s4+$0x0] =	vst.idx.msk $0xffff, v17  }
0x12d: {  	[tilespmem:v2+s26+$0x0] =	vst.idx.msk $0xffff, v17  }
0x12e: {  	[tilespmem:v3+s26+$0x0] =	vst.idx.msk $0xffff, v16  }
0x12f: {  	v16 =	vld [tilespmem:$0x1E3B0]  }
0x130: {  	v17 =	vld [tilespmem:$0x1E430];
	_ =	sdelay $0x3  }
0x131: {  	[tilespmem:v4+s4+$0x0] =	vst.idx.msk $0xffff, v16  }
0x132: {  	[tilespmem:v5+s4+$0x0] =	vst.idx.msk $0xffff, v17  }
0x133: {  	[tilespmem:v4+s26+$0x0] =	vst.idx.msk $0xffff, v17  }
0x134: {  	[tilespmem:v5+s26+$0x0] =	vst.idx.msk $0xffff, v16  }
0x135: {  	v16 =	vld [tilespmem:$0x1E3C0]  }
0x136: {  	v17 =	vld [tilespmem:$0x1E440];
	_ =	sdelay $0x3  }
0x137: {  	[tilespmem:v6+s4+$0x0] =	vst.idx.msk $0xffff, v16  }
0x138: {  	[tilespmem:v7+s4+$0x0] =	vst.idx.msk $0xffff, v17  }
0x139: {  	[tilespmem:v6+s26+$0x0] =	vst.idx.msk $0xffff, v17  }
0x13a: {  	[tilespmem:v7+s26+$0x0] =	vst.idx.msk $0xffff, v16  }
0x13b: {  	v16 =	vld [tilespmem:$0x1E3D0]  }
0x13c: {  	v17 =	vld [tilespmem:$0x1E450];
	_ =	sdelay $0x3  }
0x13d: {  	[tilespmem:v8+s4+$0x0] =	vst.idx.msk $0xffff, v16  }
0x13e: {  	[tilespmem:v9+s4+$0x0] =	vst.idx.msk $0xffff, v17  }
0x13f: {  	[tilespmem:v8+s26+$0x0] =	vst.idx.msk $0xffff, v17  }
0x140: {  	[tilespmem:v9+s26+$0x0] =	vst.idx.msk $0xffff, v16  }
0x141: {  	v16 =	vld [tilespmem:$0x1E3E0]  }
0x142: {  	v17 =	vld [tilespmem:$0x1E460];
	_ =	sdelay $0x3  }
0x143: {  	[tilespmem:v10+s4+$0x0] =	vst.idx.msk $0xffff, v16  }
0x144: {  	[tilespmem:v11+s4+$0x0] =	vst.idx.msk $0xffff, v17  }
0x145: {  	[tilespmem:v10+s26+$0x0] =	vst.idx.msk $0xffff, v17  }
0x146: {  	[tilespmem:v11+s26+$0x0] =	vst.idx.msk $0xffff, v16  }
0x147: {  	v16 =	vld [tilespmem:$0x1E3F0]  }
0x148: {  	v17 =	vld [tilespmem:$0x1E470];
	_ =	sdelay $0x3  }
0x149: {  	[tilespmem:v12+s4+$0x0] =	vst.idx.msk $0xffff, v16  }
0x14a: {  	[tilespmem:v13+s4+$0x0] =	vst.idx.msk $0xffff, v17  }
0x14b: {  	[tilespmem:v12+s26+$0x0] =	vst.idx.msk $0xffff, v17  }
0x14c: {  	[tilespmem:v13+s26+$0x0] =	vst.idx.msk $0xffff, v16  }
0x14d: {  	v16 =	vld [tilespmem:$0x1E400]  }
0x14e: {  	v17 =	vld [tilespmem:$0x1E480];
	_ =	sdelay $0x2  }
.Ltmp6:
0x14f: {  	_ = 	snop;
	(pc) =	sbr.rel .LBB2_6-.Ltmp6, $4  }
0x150: {  	[tilespmem:v14+s4+$0x0] =	vst.idx.msk $0xffff, v16  }
0x151: {  	[tilespmem:v15+s4+$0x0] =	vst.idx.msk $0xffff, v17  }
0x152: {  	[tilespmem:v14+s26+$0x0] =	vst.idx.msk $0xffff, v17  }
0x153: {  	[tilespmem:v15+s26+$0x0] =	vst.idx.msk $0xffff, v16  }
.LBB2_8:
0x154: {  	_ =	sfence.sel $0x180000  }
0x155: {  	[bflag:$0x0] =	sbarrier.arrive $0xFFFF  }
0x156: {  	_ =	strace $0x90000047  }
0x157: {  	s0 =	stileid.u32;
	[bflag:$0x2] =	sbarrier.arrive $0xFFFF  }
0x158: {  	p0 =	sne.s32 s0, $0x0;
	s0 =	rddreg [dreg:$0x6]  }
0x159: {  	s0 =	sadd.s32 @!p0 $0x100000, s0  }
0x15a: {  	[sflag:s0] =	ssyncadd.tile.s32 @!p0 $0x1;
	_ =	shalt  }
.Lfunc_end2:
_tile_overlayer_lowered:
.L_overlay_start_2:
0x15b: {  	(tag) =	ssettag $0x2  }
0x15c: {  	s0 =	rddreg [dreg:$0x0];
	s2 =	stileid.u32  }
0x15d: {  	s1 =	rddreg [dreg:$0x1];
	p0 =	sne.s32 s2, $0x0  }
0x15e: {  	s3 =	rddreg [dreg:$0x2];
	[bflag:$0x3] =	sbarrier.arrive $0xFFFF;
	s2 =	simm.s32 @!p0 $0x1C03  }
0x15f: {  	[timem:s3], [sflag:s2] =	dma.local @!p0 [hbm:s0], s1  }
0x160: {  	s0 =	simm.s32 @!p0 $0x3  }
0x161: {  	_ =	swait.ge @!p0 [sflag:s0], s1  }
0x162: {  	s1 =	ssub.s32 @!p0 $0x0, s1;
	[sflag:s0] =	ssyncset.done @!p0 $0x0  }
0x163: {  	[sflag:s0] =	ssyncadd.s32 @!p0 s1  }
0x164: {  	[bflag:$0x3] =	sbarrier.arrive $0xFFFF  }
0x165: {  	_ =	shalt  }

</sc_bundles>
